<compile_context>
chip_gen: v7x
topology: tpu7x:2x2x1
jax: 0.10.2.dev20260603
libtpu: 0.0.44.dev20260713+nightly
codegen_flags: <defaults>
</compile_context>

<pallas_src>
import functools
import jax
import jax.numpy as jnp
from jax import lax
from jax.experimental import pallas as pl
from jax.experimental.pallas import tpu as pltpu
from jax.experimental.pallas import tpu_sc as plsc

_GAMMA = 2.0
_ALPHA = 0.75
_NEG_RATIO = 3.0

_ROWS = 32
_N = 32768
_NC = 2
_NS = 16
_L = 16
_CH = 4
_IMIN = -2147483648


def _sc_select_body(pred_hbm, label_hbm, t_hbm, take_hbm,
                    pred_v, lab_v, key_v, hist, tv, takev, *sems):
    cid = lax.axis_index("c")
    sid = lax.axis_index("s")
    wid = sid * _NC + cid

    chn = _N // _CH
    cps = []
    for c in range(_CH):
        sl = pl.ds(c * chn, chn)
        cps.append((
            pltpu.async_copy(pred_hbm.at[wid, sl], pred_v.at[sl], sems[2 * c]),
            pltpu.async_copy(label_hbm.at[wid, sl], lab_v.at[sl], sems[2 * c + 1]),
        ))

    lane = lax.iota(jnp.int32, _L)
    ones = jnp.ones((_L,), jnp.int32)
    zero = jnp.zeros((_L,), jnp.int32)
    nchunks = _N // _L
    unroll = 8

    tv[...] = jnp.full((_L,), 0x00FFFFFF, jnp.int32)
    takev[...] = zero

    @plsc.parallel_loop(0, 4096 // _L, unroll=unroll)
    def _(j):
        hist[pl.ds(j * _L, _L)] = zero

    npos = jnp.zeros((_L,), jnp.float32)
    for c in range(_CH):
        cps[c][0].wait()
        cps[c][1].wait()
        base = c * (chn // _L)

        @plsc.parallel_loop(0, chn // _L, unroll=unroll, carry=npos)
        def np_acc(i, acc, base=base):
            i = i + base
            b = plsc.bitcast(pred_v[pl.ds(i * _L, _L)], jnp.int32)
            lb = lab_v[pl.ds(i * _L, _L)]
            uk = b ^ (lax.shift_right_arithmetic(b, 31) | _IMIN)
            uk = jnp.where(lb > 0.0, 0, uk)
            key_v[pl.ds(i * _L, _L)] = uk
            d = lax.shift_right_logical(uk, 24)
            plsc.addupdate_scatter(hist, [lax.shift_left(d, 4) + lane], ones)
            return acc + lb

        npos = np_acc

    np_f = jnp.sum(npos)
    np_i = np_f.astype(jnp.int32)
    k = jnp.minimum((_NEG_RATIO * np_f).astype(jnp.int32), _N - np_i)

    @pl.when(k > 0)
    def _():
        def radix_round(shift, prefix, kk):
            if shift != 24:
                @plsc.parallel_loop(0, 4096 // _L, unroll=unroll)
                def _(j):
                    hist[pl.ds(j * _L, _L)] = zero

                @plsc.parallel_loop(0, nchunks, unroll=unroll)
                def _(i):
                    v = key_v[pl.ds(i * _L, _L)]
                    d = lax.shift_right_logical(v, shift) & 0xFF
                    idx = lax.shift_left(d, 4) + lane
                    m = lax.shift_right_logical(v, shift + 8) == prefix
                    plsc.addupdate_scatter(hist, [idx], ones, mask=m)

            def chunk_sum(c):
                a = hist[pl.ds(c * 256, _L)]
                for j in range(1, _L):
                    a = a + hist[pl.ds(c * 256 + j * _L, _L)]
                return jnp.sum(a)

            def chunk_body(j, carry):
                run, cc, run_c = carry
                c = 15 - j
                s_c = chunk_sum(c)
                here = jnp.logical_and(run + s_c >= kk, cc < 0)
                cc = jnp.where(here, c, cc)
                run_c = jnp.where(here, run, run_c)
                return run + s_c, cc, run_c

            _, cc, run_c = lax.fori_loop(
                0, 16, chunk_body, (jnp.int32(0), jnp.int32(-1), jnp.int32(0))
            )

            accs = [
                jnp.sum(hist[pl.ds(cc * 256 + i * _L, _L)]) for i in range(_L)
            ]
            sfx = [None] * _L
            s = jnp.int32(0)
            for i in range(_L - 1, -1, -1):
                s = s + accs[i]
                sfx[i] = s
            istar = sum(
                [(run_c + sfx[i] >= kk).astype(jnp.int32) for i in range(_L)]
            ) - 1
            above = jnp.int32(0)
            for i in range(_L):
                above = above + jnp.where(i > istar, accs[i], 0)
            cnt_gt = run_c + above
            digit = cc * _L + istar
            prefix_new = lax.shift_left(prefix, 8) | digit
            return prefix_new, kk - cnt_gt

        prefix, kk = radix_round(24, jnp.int32(0), k)
        prefix, kk = radix_round(16, prefix, kk)
        t, take = radix_round(8, prefix, kk)

        tv[...] = jnp.broadcast_to(t, (_L,))
        takev[...] = jnp.broadcast_to(take, (_L,))

    pltpu.sync_copy(tv, t_hbm.at[wid])
    pltpu.sync_copy(takev, take_hbm.at[wid])


def _elem_body(pred_ref, label_ref, lw_ref, uk_ref):
    pred = pred_ref[...]
    label = label_ref[...]

    e = jnp.exp(-jnp.abs(pred))
    log1pe = jnp.log(1.0 + e)
    ls_pos = jnp.minimum(pred, 0.0) - log1pe
    ls_neg = jnp.minimum(-pred, 0.0) - log1pe
    p = jnp.where(pred >= 0.0, 1.0 / (1.0 + e), e / (1.0 + e))

    loss = -(label * ls_pos + (1.0 - label) * ls_neg)
    p_t = label * p + (1.0 - label) * (1.0 - p)
    m = 1.0 - p_t
    loss = loss * (m * m)
    alpha_factor = label * _ALPHA + (1.0 - label) * (1.0 - _ALPHA)
    loss = loss * alpha_factor

    fn = (p < 0.5) & (label == 1.0)
    fp = (p >= 0.5) & (label == 0.0)
    w = _ALPHA / (1.0 - _ALPHA)
    lw_ref[...] = jnp.where(fn | fp, loss * w, loss)

    pos = label > 0.0
    b = lax.bitcast_convert_type(pred, jnp.int32)
    uk = b ^ (lax.shift_right_arithmetic(b, 31) | _IMIN)
    uk_ref[...] = jnp.where(pos, 0, uk)


def _final_body(lw_ref, uk_ref, t_ref, take_ref, out_ref,
                combo_s, eq_s, neq_s, np_s):
    gi = pl.program_id(0)
    loss_w = lw_ref[...]
    uk = uk_ref[...]
    pos = uk == 0
    np_blk = jnp.sum(pos.astype(jnp.int32), axis=1, keepdims=True)
    t = t_ref[:, :1]
    uk24 = lax.shift_right_logical(uk, 8)
    gt = uk24 > t
    eq = uk24 == t

    combo = jnp.sum(jnp.where(pos | gt, loss_w, 0.0), axis=1, keepdims=True)
    sum_eq = jnp.sum(jnp.where(eq, loss_w, 0.0), axis=1, keepdims=True)
    n_eq = jnp.sum(eq.astype(jnp.int32), axis=1, keepdims=True)

    @pl.when(gi == 0)
    def _():
        combo_s[...] = combo
        eq_s[...] = sum_eq
        neq_s[...] = n_eq
        np_s[...] = np_blk

    @pl.when(gi > 0)
    def _():
        combo_s[...] = combo_s[...] + combo
        eq_s[...] = eq_s[...] + sum_eq
        neq_s[...] = neq_s[...] + n_eq
        np_s[...] = np_s[...] + np_blk

    @pl.when(gi == pl.num_programs(0) - 1)
    def _():
        num_pos = np_s[...]
        num_neg = (_NEG_RATIO * num_pos.astype(jnp.float32)).astype(jnp.int32)
        k = jnp.minimum(num_neg, _N - num_pos)
        take = take_ref[:, :1].astype(jnp.float32)
        eq_part = jnp.where(
            take > 0.0,
            take * eq_s[...] / jnp.maximum(neq_s[...], 1).astype(jnp.float32),
            0.0,
        )
        total = jnp.sum(combo_s[...] + eq_part)
        count = jnp.sum(num_pos + k).astype(jnp.float32)
        out_ref[...] = jnp.reshape(total / count, (1, 1))


def _sc_select(pred, label):
    mesh = plsc.VectorSubcoreMesh(
        core_axis_name="c", subcore_axis_name="s", num_cores=_NC, num_subcores=_NS
    )
    return pl.kernel(
        _sc_select_body,
        out_type=[
            jax.ShapeDtypeStruct((_ROWS, _L), jnp.int32),
            jax.ShapeDtypeStruct((_ROWS, _L), jnp.int32),
        ],
        mesh=mesh,
        scratch_types=[
            pltpu.VMEM((_N,), jnp.float32),
            pltpu.VMEM((_N,), jnp.float32),
            pltpu.VMEM((_N,), jnp.int32),
            pltpu.VMEM((4096,), jnp.int32),
            pltpu.VMEM((_L,), jnp.int32),
            pltpu.VMEM((_L,), jnp.int32),
        ] + [pltpu.SemaphoreType.DMA] * (2 * _CH),
        compiler_params=pltpu.CompilerParams(needs_layout_passes=False),
    )(pred, label)


@jax.jit
def kernel(pred, label):
    t, take = _sc_select(pred, label)
    blk = 4096
    lw, uk = pl.pallas_call(
        _elem_body,
        grid=(_N // blk,),
        in_specs=[
            pl.BlockSpec((_ROWS, blk), lambda i: (0, i)),
            pl.BlockSpec((_ROWS, blk), lambda i: (0, i)),
        ],
        out_specs=[
            pl.BlockSpec((_ROWS, blk), lambda i: (0, i)),
            pl.BlockSpec((_ROWS, blk), lambda i: (0, i)),
        ],
        out_shape=[
            jax.ShapeDtypeStruct((_ROWS, _N), jnp.float32),
            jax.ShapeDtypeStruct((_ROWS, _N), jnp.int32),
        ],
    )(pred, label)
    out = pl.pallas_call(
        _final_body,
        grid=(_N // blk,),
        in_specs=[
            pl.BlockSpec((_ROWS, blk), lambda i: (0, i)),
            pl.BlockSpec((_ROWS, blk), lambda i: (0, i)),
            pl.BlockSpec((_ROWS, _L), lambda i: (0, 0)),
            pl.BlockSpec((_ROWS, _L), lambda i: (0, 0)),
        ],
        out_specs=pl.BlockSpec((1, 1), lambda i: (0, 0)),
        scratch_shapes=[
            pltpu.VMEM((_ROWS, 1), jnp.float32),
            pltpu.VMEM((_ROWS, 1), jnp.float32),
            pltpu.VMEM((_ROWS, 1), jnp.int32),
            pltpu.VMEM((_ROWS, 1), jnp.int32),
        ],
        out_shape=jax.ShapeDtypeStruct((1, 1), jnp.float32),
    )(lw, uk, t, take)
    return out[0, 0]

# --- scband reference (transcript-rebuilt; emitter-appended) ---
"""Pipeline reference for scband-focal-loss-with-mask-22239340659435 (READ-ONLY COPY).

The authoritative reference and input builder live on the scoring server;
editing this copy changes nothing except your own understanding.
"""

import jax, jax.numpy as jnp
import numpy as np


def setup_inputs(seed: int = 0) -> dict:
    key = jax.random.key(seed)
    k1, k2 = jax.random.split(key)
    pred = jax.random.normal(k1, (32, 32768), dtype=jnp.float32)
    label = jax.random.randint(k2, (32, 32768), 0, 2).astype(jnp.float32)
    return {"pred": pred, "label": label}


def reference(pred, label):
    gamma = 2.0
    alpha = 0.75
    negative_ratio = 3.0

    # binary_cross_entropy_with_logits, reduction='none' (numerically stable)
    loss = -(label * jax.nn.log_sigmoid(pred) + (1.0 - label) * jax.nn.log_sigmoid(-pred))

    pred_prob = jax.nn.sigmoid(pred)
    p_t = label * pred_prob + (1.0 - label) * (1.0 - pred_prob)
    modulating_factor = (1.0 - p_t) ** gamma
    loss = loss * modulating_factor

    alpha_factor = label * alpha + (1.0 - label) * (1.0 - alpha)
    loss = loss * alpha_factor

    FN_mask = (pred_prob < 0.5) & (label == 1)
    FP_mask = (pred_prob >= 0.5) & (label == 0)

    # hard negative mining (on loss BEFORE the w reweighting, matching torch order)
    pos_mask = label > 0
    num_pos = pos_mask.sum(axis=1, keepdims=True)
    num_neg = (negative_ratio * num_pos.astype(jnp.float32)).astype(jnp.int32)
    loss_masked = jnp.where(pos_mask, -jnp.inf, loss)
    order = jnp.argsort(-loss_masked, axis=1)  # descending sort indices
    rank = jnp.argsort(order, axis=1)          # rank of each element in descending order
    neg_mask = rank < num_neg                  # top num_neg[i] hardest negatives per row
    relevant_mask = pos_mask | neg_mask

    w = alpha / (1.0 - alpha)
    loss = jnp.where(FN_mask | FP_mask, loss * w, loss)

    relevant_f = relevant_mask.astype(jnp.float32)
    return (loss * relevant_f).sum() / relevant_f.sum()

if __name__ == "__main__":
    import jax
    _d = setup_inputs()
    print(jax.jit(kernel)(*tuple(_d.values())))

</pallas_src>

<mosaic_0001>
#map = affine_map<(d0, d1) -> (0, 0)>
module attributes {stable_mosaic.version = 14 : i64} {
  func.func @_sc_select_body(%arg0: i32, %arg1: i32, %arg2: memref<32x32768xf32, #tpu.memory_space<hbm>>, %arg3: memref<32x32768xf32, #tpu.memory_space<hbm>>, %arg4: memref<32x16xi32, #tpu.memory_space<hbm>>, %arg5: memref<32x16xi32, #tpu.memory_space<hbm>>, %arg6: memref<32768xf32, #tpu.memory_space<vmem>>, %arg7: memref<32768xf32, #tpu.memory_space<vmem>>, %arg8: memref<32768xi32, #tpu.memory_space<vmem>>, %arg9: memref<4096xi32, #tpu.memory_space<vmem>>, %arg10: memref<16xi32, #tpu.memory_space<vmem>>, %arg11: memref<16xi32, #tpu.memory_space<vmem>>, %arg12: memref<!tpu.dma_semaphore, #tpu.memory_space<semaphore_mem>>, %arg13: memref<!tpu.dma_semaphore, #tpu.memory_space<semaphore_mem>>, %arg14: memref<!tpu.dma_semaphore, #tpu.memory_space<semaphore_mem>>, %arg15: memref<!tpu.dma_semaphore, #tpu.memory_space<semaphore_mem>>, %arg16: memref<!tpu.dma_semaphore, #tpu.memory_space<semaphore_mem>>, %arg17: memref<!tpu.dma_semaphore, #tpu.memory_space<semaphore_mem>>, %arg18: memref<!tpu.dma_semaphore, #tpu.memory_space<semaphore_mem>>, %arg19: memref<!tpu.dma_semaphore, #tpu.memory_space<semaphore_mem>>) attributes {dimension_semantics = [#tpu.dimension_semantics<core_parallel>, #tpu.dimension_semantics<subcore_parallel>], iteration_bounds = array<i64: 2, 16>, scalar_prefetch = 0 : i64, scratch_operands = 14 : i64, tpu.core_type = #tpu.core_type<sc_vector_subcore>, window_params = [{transform_indices = #map}, {transform_indices = #map}, {transform_indices = #map}, {transform_indices = #map}]} {
    %mul3A = arith.constant 2 : i32
    %mul3A_0 = arith.muli %arg1, %mul3A : i32
    %add3A = arith.addi %mul3A_0, %arg0 : i32
    %dma_start3A = arith.constant 0 : i32
    %dma_start3A_1 = tpu.memref_slice %arg6[%dma_start3A] : memref<32768xf32, #tpu.memory_space<vmem>> -> memref<8192xf32, #tpu.memory_space<vmem>>
    %dma_start3A_2 = arith.constant 0 : i32
    %dma_start3A_3 = tpu.memref_slice %arg2[%add3A, %dma_start3A_2] : memref<32x32768xf32, #tpu.memory_space<hbm>> -> memref<1x8192xf32, #tpu.memory_space<hbm>>
    %dma_start3A_4 = tpu.memref_squeeze %dma_start3A_3 : memref<1x8192xf32, #tpu.memory_space<hbm>> -> memref<8192xf32, #tpu.memory_space<hbm>>
    %dma_start3A_5 = arith.constant 0 : i32
    %dma_start3A_6 = tpu.memref_slice %arg6[%dma_start3A_5] : memref<32768xf32, #tpu.memory_space<vmem>> -> memref<8192xf32, #tpu.memory_space<vmem>>
    %dma_start3A_7 = arith.constant 0 : i32
    %dma_start3A_8 = tpu.memref_slice %arg2[%add3A, %dma_start3A_7] : memref<32x32768xf32, #tpu.memory_space<hbm>> -> memref<1x8192xf32, #tpu.memory_space<hbm>>
    %dma_start3A_9 = tpu.memref_squeeze %dma_start3A_8 : memref<1x8192xf32, #tpu.memory_space<hbm>> -> memref<8192xf32, #tpu.memory_space<hbm>>
    tpu.enqueue_dma source(%dma_start3A_9 : memref<8192xf32, #tpu.memory_space<hbm>>) target(%dma_start3A_6 : memref<8192xf32, #tpu.memory_space<vmem>>) target_semaphore(%arg12 : memref<!tpu.dma_semaphore, #tpu.memory_space<semaphore_mem>>)
    %dma_start3A_10 = arith.constant 0 : i32
    %dma_start3A_11 = tpu.memref_slice %arg7[%dma_start3A_10] : memref<32768xf32, #tpu.memory_space<vmem>> -> memref<8192xf32, #tpu.memory_space<vmem>>
    %dma_start3A_12 = arith.constant 0 : i32
    %dma_start3A_13 = tpu.memref_slice %arg3[%add3A, %dma_start3A_12] : memref<32x32768xf32, #tpu.memory_space<hbm>> -> memref<1x8192xf32, #tpu.memory_space<hbm>>
    %dma_start3A_14 = tpu.memref_squeeze %dma_start3A_13 : memref<1x8192xf32, #tpu.memory_space<hbm>> -> memref<8192xf32, #tpu.memory_space<hbm>>
    %dma_start3A_15 = arith.constant 0 : i32
    %dma_start3A_16 = tpu.memref_slice %arg7[%dma_start3A_15] : memref<32768xf32, #tpu.memory_space<vmem>> -> memref<8192xf32, #tpu.memory_space<vmem>>
    %dma_start3A_17 = arith.constant 0 : i32
    %dma_start3A_18 = tpu.memref_slice %arg3[%add3A, %dma_start3A_17] : memref<32x32768xf32, #tpu.memory_space<hbm>> -> memref<1x8192xf32, #tpu.memory_space<hbm>>
    %dma_start3A_19 = tpu.memref_squeeze %dma_start3A_18 : memref<1x8192xf32, #tpu.memory_space<hbm>> -> memref<8192xf32, #tpu.memory_space<hbm>>
    tpu.enqueue_dma source(%dma_start3A_19 : memref<8192xf32, #tpu.memory_space<hbm>>) target(%dma_start3A_16 : memref<8192xf32, #tpu.memory_space<vmem>>) target_semaphore(%arg13 : memref<!tpu.dma_semaphore, #tpu.memory_space<semaphore_mem>>)
    %dma_start3A_20 = arith.constant 8192 : i32
    %dma_start3A_21 = tpu.memref_slice %arg6[%dma_start3A_20] : memref<32768xf32, #tpu.memory_space<vmem>> -> memref<8192xf32, #tpu.memory_space<vmem>>
    %dma_start3A_22 = arith.constant 8192 : i32
    %dma_start3A_23 = tpu.memref_slice %arg2[%add3A, %dma_start3A_22] : memref<32x32768xf32, #tpu.memory_space<hbm>> -> memref<1x8192xf32, #tpu.memory_space<hbm>>
    %dma_start3A_24 = tpu.memref_squeeze %dma_start3A_23 : memref<1x8192xf32, #tpu.memory_space<hbm>> -> memref<8192xf32, #tpu.memory_space<hbm>>
    %dma_start3A_25 = arith.constant 8192 : i32
    %dma_start3A_26 = tpu.memref_slice %arg6[%dma_start3A_25] : memref<32768xf32, #tpu.memory_space<vmem>> -> memref<8192xf32, #tpu.memory_space<vmem>>
    %dma_start3A_27 = arith.constant 8192 : i32
    %dma_start3A_28 = tpu.memref_slice %arg2[%add3A, %dma_start3A_27] : memref<32x32768xf32, #tpu.memory_space<hbm>> -> memref<1x8192xf32, #tpu.memory_space<hbm>>
    %dma_start3A_29 = tpu.memref_squeeze %dma_start3A_28 : memref<1x8192xf32, #tpu.memory_space<hbm>> -> memref<8192xf32, #tpu.memory_space<hbm>>
    tpu.enqueue_dma source(%dma_start3A_29 : memref<8192xf32, #tpu.memory_space<hbm>>) target(%dma_start3A_26 : memref<8192xf32, #tpu.memory_space<vmem>>) target_semaphore(%arg14 : memref<!tpu.dma_semaphore, #tpu.memory_space<semaphore_mem>>)
    %dma_start3A_30 = arith.constant 8192 : i32
    %dma_start3A_31 = tpu.memref_slice %arg7[%dma_start3A_30] : memref<32768xf32, #tpu.memory_space<vmem>> -> memref<8192xf32, #tpu.memory_space<vmem>>
    %dma_start3A_32 = arith.constant 8192 : i32
    %dma_start3A_33 = tpu.memref_slice %arg3[%add3A, %dma_start3A_32] : memref<32x32768xf32, #tpu.memory_space<hbm>> -> memref<1x8192xf32, #tpu.memory_space<hbm>>
    %dma_start3A_34 = tpu.memref_squeeze %dma_start3A_33 : memref<1x8192xf32, #tpu.memory_space<hbm>> -> memref<8192xf32, #tpu.memory_space<hbm>>
    %dma_start3A_35 = arith.constant 8192 : i32
    %dma_start3A_36 = tpu.memref_slice %arg7[%dma_start3A_35] : memref<32768xf32, #tpu.memory_space<vmem>> -> memref<8192xf32, #tpu.memory_space<vmem>>
    %dma_start3A_37 = arith.constant 8192 : i32
    %dma_start3A_38 = tpu.memref_slice %arg3[%add3A, %dma_start3A_37] : memref<32x32768xf32, #tpu.memory_space<hbm>> -> memref<1x8192xf32, #tpu.memory_space<hbm>>
    %dma_start3A_39 = tpu.memref_squeeze %dma_start3A_38 : memref<1x8192xf32, #tpu.memory_space<hbm>> -> memref<8192xf32, #tpu.memory_space<hbm>>
    tpu.enqueue_dma source(%dma_start3A_39 : memref<8192xf32, #tpu.memory_space<hbm>>) target(%dma_start3A_36 : memref<8192xf32, #tpu.memory_space<vmem>>) target_semaphore(%arg15 : memref<!tpu.dma_semaphore, #tpu.memory_space<semaphore_mem>>)
    %dma_start3A_40 = arith.constant 16384 : i32
    %dma_start3A_41 = tpu.memref_slice %arg6[%dma_start3A_40] : memref<32768xf32, #tpu.memory_space<vmem>> -> memref<8192xf32, #tpu.memory_space<vmem>>
    %dma_start3A_42 = arith.constant 16384 : i32
    %dma_start3A_43 = tpu.memref_slice %arg2[%add3A, %dma_start3A_42] : memref<32x32768xf32, #tpu.memory_space<hbm>> -> memref<1x8192xf32, #tpu.memory_space<hbm>>
    %dma_start3A_44 = tpu.memref_squeeze %dma_start3A_43 : memref<1x8192xf32, #tpu.memory_space<hbm>> -> memref<8192xf32, #tpu.memory_space<hbm>>
    %dma_start3A_45 = arith.constant 16384 : i32
    %dma_start3A_46 = tpu.memref_slice %arg6[%dma_start3A_45] : memref<32768xf32, #tpu.memory_space<vmem>> -> memref<8192xf32, #tpu.memory_space<vmem>>
    %dma_start3A_47 = arith.constant 16384 : i32
    %dma_start3A_48 = tpu.memref_slice %arg2[%add3A, %dma_start3A_47] : memref<32x32768xf32, #tpu.memory_space<hbm>> -> memref<1x8192xf32, #tpu.memory_space<hbm>>
    %dma_start3A_49 = tpu.memref_squeeze %dma_start3A_48 : memref<1x8192xf32, #tpu.memory_space<hbm>> -> memref<8192xf32, #tpu.memory_space<hbm>>
    tpu.enqueue_dma source(%dma_start3A_49 : memref<8192xf32, #tpu.memory_space<hbm>>) target(%dma_start3A_46 : memref<8192xf32, #tpu.memory_space<vmem>>) target_semaphore(%arg16 : memref<!tpu.dma_semaphore, #tpu.memory_space<semaphore_mem>>)
    %dma_start3A_50 = arith.constant 16384 : i32
    %dma_start3A_51 = tpu.memref_slice %arg7[%dma_start3A_50] : memref<32768xf32, #tpu.memory_space<vmem>> -> memref<8192xf32, #tpu.memory_space<vmem>>
    %dma_start3A_52 = arith.constant 16384 : i32
    %dma_start3A_53 = tpu.memref_slice %arg3[%add3A, %dma_start3A_52] : memref<32x32768xf32, #tpu.memory_space<hbm>> -> memref<1x8192xf32, #tpu.memory_space<hbm>>
    %dma_start3A_54 = tpu.memref_squeeze %dma_start3A_53 : memref<1x8192xf32, #tpu.memory_space<hbm>> -> memref<8192xf32, #tpu.memory_space<hbm>>
    %dma_start3A_55 = arith.constant 16384 : i32
    %dma_start3A_56 = tpu.memref_slice %arg7[%dma_start3A_55] : memref<32768xf32, #tpu.memory_space<vmem>> -> memref<8192xf32, #tpu.memory_space<vmem>>
    %dma_start3A_57 = arith.constant 16384 : i32
    %dma_start3A_58 = tpu.memref_slice %arg3[%add3A, %dma_start3A_57] : memref<32x32768xf32, #tpu.memory_space<hbm>> -> memref<1x8192xf32, #tpu.memory_space<hbm>>
    %dma_start3A_59 = tpu.memref_squeeze %dma_start3A_58 : memref<1x8192xf32, #tpu.memory_space<hbm>> -> memref<8192xf32, #tpu.memory_space<hbm>>
    tpu.enqueue_dma source(%dma_start3A_59 : memref<8192xf32, #tpu.memory_space<hbm>>) target(%dma_start3A_56 : memref<8192xf32, #tpu.memory_space<vmem>>) target_semaphore(%arg17 : memref<!tpu.dma_semaphore, #tpu.memory_space<semaphore_mem>>)
    %dma_start3A_60 = arith.constant 24576 : i32
    %dma_start3A_61 = tpu.memref_slice %arg6[%dma_start3A_60] : memref<32768xf32, #tpu.memory_space<vmem>> -> memref<8192xf32, #tpu.memory_space<vmem>>
    %dma_start3A_62 = arith.constant 24576 : i32
    %dma_start3A_63 = tpu.memref_slice %arg2[%add3A, %dma_start3A_62] : memref<32x32768xf32, #tpu.memory_space<hbm>> -> memref<1x8192xf32, #tpu.memory_space<hbm>>
    %dma_start3A_64 = tpu.memref_squeeze %dma_start3A_63 : memref<1x8192xf32, #tpu.memory_space<hbm>> -> memref<8192xf32, #tpu.memory_space<hbm>>
    %dma_start3A_65 = arith.constant 24576 : i32
    %dma_start3A_66 = tpu.memref_slice %arg6[%dma_start3A_65] : memref<32768xf32, #tpu.memory_space<vmem>> -> memref<8192xf32, #tpu.memory_space<vmem>>
    %dma_start3A_67 = arith.constant 24576 : i32
    %dma_start3A_68 = tpu.memref_slice %arg2[%add3A, %dma_start3A_67] : memref<32x32768xf32, #tpu.memory_space<hbm>> -> memref<1x8192xf32, #tpu.memory_space<hbm>>
    %dma_start3A_69 = tpu.memref_squeeze %dma_start3A_68 : memref<1x8192xf32, #tpu.memory_space<hbm>> -> memref<8192xf32, #tpu.memory_space<hbm>>
    tpu.enqueue_dma source(%dma_start3A_69 : memref<8192xf32, #tpu.memory_space<hbm>>) target(%dma_start3A_66 : memref<8192xf32, #tpu.memory_space<vmem>>) target_semaphore(%arg18 : memref<!tpu.dma_semaphore, #tpu.memory_space<semaphore_mem>>)
    %dma_start3A_70 = arith.constant 24576 : i32
    %dma_start3A_71 = tpu.memref_slice %arg7[%dma_start3A_70] : memref<32768xf32, #tpu.memory_space<vmem>> -> memref<8192xf32, #tpu.memory_space<vmem>>
    %dma_start3A_72 = arith.constant 24576 : i32
    %dma_start3A_73 = tpu.memref_slice %arg3[%add3A, %dma_start3A_72] : memref<32x32768xf32, #tpu.memory_space<hbm>> -> memref<1x8192xf32, #tpu.memory_space<hbm>>
    %dma_start3A_74 = tpu.memref_squeeze %dma_start3A_73 : memref<1x8192xf32, #tpu.memory_space<hbm>> -> memref<8192xf32, #tpu.memory_space<hbm>>
    %dma_start3A_75 = arith.constant 24576 : i32
    %dma_start3A_76 = tpu.memref_slice %arg7[%dma_start3A_75] : memref<32768xf32, #tpu.memory_space<vmem>> -> memref<8192xf32, #tpu.memory_space<vmem>>
    %dma_start3A_77 = arith.constant 24576 : i32
    %dma_start3A_78 = tpu.memref_slice %arg3[%add3A, %dma_start3A_77] : memref<32x32768xf32, #tpu.memory_space<hbm>> -> memref<1x8192xf32, #tpu.memory_space<hbm>>
    %dma_start3A_79 = tpu.memref_squeeze %dma_start3A_78 : memref<1x8192xf32, #tpu.memory_space<hbm>> -> memref<8192xf32, #tpu.memory_space<hbm>>
    tpu.enqueue_dma source(%dma_start3A_79 : memref<8192xf32, #tpu.memory_space<hbm>>) target(%dma_start3A_76 : memref<8192xf32, #tpu.memory_space<vmem>>) target_semaphore(%arg19 : memref<!tpu.dma_semaphore, #tpu.memory_space<semaphore_mem>>)
    %iota3A = tpu.iota {dimensions = array<i32: 0>} : vector<16xi32>
    %broadcast_in_dim3A = arith.constant 1 : i32
    %broadcast_in_dim3A_80 = vector.broadcast %broadcast_in_dim3A : i32 to vector<16xi32>
    %broadcast_in_dim3A_81 = arith.constant 0 : i32
    %broadcast_in_dim3A_82 = vector.broadcast %broadcast_in_dim3A_81 : i32 to vector<16xi32>
    %broadcast_in_dim3A_83 = arith.constant 16777215 : i32
    %broadcast_in_dim3A_84 = vector.broadcast %broadcast_in_dim3A_83 : i32 to vector<16xi32>
    %swap3A = arith.constant 0 : index
    %swap3A_85 = tpu.vector_load %arg10[%swap3A] {strides = array<i32>} : memref<16xi32, #tpu.memory_space<vmem>>, vector<16xi32>,
    tpu.vector_store %arg10[%swap3A], %broadcast_in_dim3A_84 {strides = array<i32>} : memref<16xi32, #tpu.memory_space<vmem>>, vector<16xi32>,
    %swap3A_86 = arith.constant 0 : index
    %swap3A_87 = tpu.vector_load %arg11[%swap3A_86] {strides = array<i32>} : memref<16xi32, #tpu.memory_space<vmem>>, vector<16xi32>,
    tpu.vector_store %arg11[%swap3A_86], %broadcast_in_dim3A_82 {strides = array<i32>} : memref<16xi32, #tpu.memory_space<vmem>>, vector<16xi32>,
    %parallel_loop3A = arith.constant 0 : i32
    %parallel_loop3A_88 = arith.constant 256 : i32
    %parallel_loop3A_89 = arith.constant 1 : i32
    scf.for %parallel_loop3A_197 = %parallel_loop3A to %parallel_loop3A_88 step %parallel_loop3A_89  : i32 {
      %parallel_loop3A_198 = arith.constant 16 : i32
      %parallel_loop3A_199 = arith.muli %parallel_loop3A_197, %parallel_loop3A_198 : i32
      %parallel_loop3A_200 = arith.index_cast %parallel_loop3A_199 : i32 to index
      %parallel_loop3A_201 = tpu.vector_load %arg9[%parallel_loop3A_200] {strides = array<i32>} : memref<4096xi32, #tpu.memory_space<vmem>>, vector<16xi32>,
      tpu.vector_store %arg9[%parallel_loop3A_200], %broadcast_in_dim3A_82 {strides = array<i32>} : memref<4096xi32, #tpu.memory_space<vmem>>, vector<16xi32>,
    } {sc.loop_unroll_factor = 8 : i64, sc.parallel_access}
    %broadcast_in_dim3A_90 = arith.constant 0.000000e+00 : f32
    %broadcast_in_dim3A_91 = vector.broadcast %broadcast_in_dim3A_90 : f32 to vector<16xf32>
    %dma_wait3A = arith.constant 0 : i32
    %dma_wait3A_92 = tpu.memref_slice %arg6[%dma_wait3A] : memref<32768xf32, #tpu.memory_space<vmem>> -> memref<8192xf32, #tpu.memory_space<vmem>>
    %dma_wait3A_93 = arith.constant 0 : i32
    %dma_wait3A_94 = tpu.memref_slice %arg2[%add3A, %dma_wait3A_93] : memref<32x32768xf32, #tpu.memory_space<hbm>> -> memref<1x8192xf32, #tpu.memory_space<hbm>>
    %dma_wait3A_95 = tpu.memref_squeeze %dma_wait3A_94 : memref<1x8192xf32, #tpu.memory_space<hbm>> -> memref<8192xf32, #tpu.memory_space<hbm>>
    %dma_wait3A_96 = arith.constant 0 : i32
    %dma_wait3A_97 = tpu.memref_slice %arg6[%dma_wait3A_96] : memref<32768xf32, #tpu.memory_space<vmem>> -> memref<8192xf32, #tpu.memory_space<vmem>>
    %dma_wait3A_98 = arith.constant 0 : i32
    %dma_wait3A_99 = tpu.memref_slice %arg2[%add3A, %dma_wait3A_98] : memref<32x32768xf32, #tpu.memory_space<hbm>> -> memref<1x8192xf32, #tpu.memory_space<hbm>>
    %dma_wait3A_100 = tpu.memref_squeeze %dma_wait3A_99 : memref<1x8192xf32, #tpu.memory_space<hbm>> -> memref<8192xf32, #tpu.memory_space<hbm>>
    tpu.wait_dma2 semaphore(%arg12 : memref<!tpu.dma_semaphore, #tpu.memory_space<semaphore_mem>>) src(%dma_wait3A_100 : memref<8192xf32, #tpu.memory_space<hbm>>) dst(%dma_wait3A_97 : memref<8192xf32, #tpu.memory_space<vmem>>)
    %dma_wait3A_101 = arith.constant 0 : i32
    %dma_wait3A_102 = tpu.memref_slice %arg7[%dma_wait3A_101] : memref<32768xf32, #tpu.memory_space<vmem>> -> memref<8192xf32, #tpu.memory_space<vmem>>
    %dma_wait3A_103 = arith.constant 0 : i32
    %dma_wait3A_104 = tpu.memref_slice %arg3[%add3A, %dma_wait3A_103] : memref<32x32768xf32, #tpu.memory_space<hbm>> -> memref<1x8192xf32, #tpu.memory_space<hbm>>
    %dma_wait3A_105 = tpu.memref_squeeze %dma_wait3A_104 : memref<1x8192xf32, #tpu.memory_space<hbm>> -> memref<8192xf32, #tpu.memory_space<hbm>>
    %dma_wait3A_106 = arith.constant 0 : i32
    %dma_wait3A_107 = tpu.memref_slice %arg7[%dma_wait3A_106] : memref<32768xf32, #tpu.memory_space<vmem>> -> memref<8192xf32, #tpu.memory_space<vmem>>
    %dma_wait3A_108 = arith.constant 0 : i32
    %dma_wait3A_109 = tpu.memref_slice %arg3[%add3A, %dma_wait3A_108] : memref<32x32768xf32, #tpu.memory_space<hbm>> -> memref<1x8192xf32, #tpu.memory_space<hbm>>
    %dma_wait3A_110 = tpu.memref_squeeze %dma_wait3A_109 : memref<1x8192xf32, #tpu.memory_space<hbm>> -> memref<8192xf32, #tpu.memory_space<hbm>>
    tpu.wait_dma2 semaphore(%arg13 : memref<!tpu.dma_semaphore, #tpu.memory_space<semaphore_mem>>) src(%dma_wait3A_110 : memref<8192xf32, #tpu.memory_space<hbm>>) dst(%dma_wait3A_107 : memref<8192xf32, #tpu.memory_space<vmem>>)
    %parallel_loop3A_111 = arith.constant 0 : i32
    %parallel_loop3A_112 = arith.constant 512 : i32
    %parallel_loop3A_113 = arith.constant 1 : i32
    %parallel_loop3A_114 = scf.for %parallel_loop3A_197 = %parallel_loop3A_111 to %parallel_loop3A_112 step %parallel_loop3A_113 iter_args(%parallel_loop3A_198 = %broadcast_in_dim3A_91) -> (vector<16xf32>)  : i32 {
      %parallel_loop3A_199 = arith.constant 0 : i32
      %parallel_loop3A_200 = arith.addi %parallel_loop3A_197, %parallel_loop3A_199 : i32
      %parallel_loop3A_201 = arith.constant 16 : i32
      %parallel_loop3A_202 = arith.muli %parallel_loop3A_200, %parallel_loop3A_201 : i32
      %parallel_loop3A_203 = arith.index_cast %parallel_loop3A_202 : i32 to index
      %parallel_loop3A_204 = tpu.vector_load %arg6[%parallel_loop3A_203] {strides = array<i32>} : memref<32768xf32, #tpu.memory_space<vmem>>, vector<16xf32>,
      %parallel_loop3A_205 = vector.bitcast %parallel_loop3A_204 : vector<16xf32> to vector<16xi32>
      %parallel_loop3A_206 = arith.constant 16 : i32
      %parallel_loop3A_207 = arith.muli %parallel_loop3A_200, %parallel_loop3A_206 : i32
      %parallel_loop3A_208 = arith.index_cast %parallel_loop3A_207 : i32 to index
      %parallel_loop3A_209 = tpu.vector_load %arg7[%parallel_loop3A_208] {strides = array<i32>} : memref<32768xf32, #tpu.memory_space<vmem>>, vector<16xf32>,
      %parallel_loop3A_210 = arith.constant 31 : i32
      %parallel_loop3A_211 = vector.broadcast %parallel_loop3A_210 : i32 to vector<16xi32>
      %parallel_loop3A_212 = arith.shrsi %parallel_loop3A_205, %parallel_loop3A_211 : vector<16xi32>
      %parallel_loop3A_213 = arith.constant -2147483648 : i32
      %parallel_loop3A_214 = vector.broadcast %parallel_loop3A_213 : i32 to vector<16xi32>
      %parallel_loop3A_215 = arith.ori %parallel_loop3A_212, %parallel_loop3A_214 : vector<16xi32>
      %parallel_loop3A_216 = arith.xori %parallel_loop3A_205, %parallel_loop3A_215 : vector<16xi32>
      %parallel_loop3A_217 = arith.constant 0.000000e+00 : f32
      %parallel_loop3A_218 = vector.broadcast %parallel_loop3A_217 : f32 to vector<16xf32>
      %parallel_loop3A_219 = arith.cmpf ogt, %parallel_loop3A_209, %parallel_loop3A_218 : vector<16xf32>
      %parallel_loop3A_220 = arith.constant 0 : i32
      %parallel_loop3A_221 = vector.broadcast %parallel_loop3A_220 : i32 to vector<16xi32>
      %parallel_loop3A_222 = arith.select %parallel_loop3A_219, %parallel_loop3A_221, %parallel_loop3A_216 : vector<16xi1>, vector<16xi32>
      %parallel_loop3A_223 = arith.constant 16 : i32
      %parallel_loop3A_224 = arith.muli %parallel_loop3A_200, %parallel_loop3A_223 : i32
      %parallel_loop3A_225 = arith.index_cast %parallel_loop3A_224 : i32 to index
      %parallel_loop3A_226 = tpu.vector_load %arg8[%parallel_loop3A_225] {strides = array<i32>} : memref<32768xi32, #tpu.memory_space<vmem>>, vector<16xi32>,
      tpu.vector_store %arg8[%parallel_loop3A_225], %parallel_loop3A_222 {strides = array<i32>} : memref<32768xi32, #tpu.memory_space<vmem>>, vector<16xi32>,
      %parallel_loop3A_227 = arith.constant 24 : i32
      %parallel_loop3A_228 = vector.broadcast %parallel_loop3A_227 : i32 to vector<16xi32>
      %parallel_loop3A_229 = arith.shrui %parallel_loop3A_222, %parallel_loop3A_228 : vector<16xi32>
      %parallel_loop3A_230 = arith.constant 4 : i32
      %parallel_loop3A_231 = vector.broadcast %parallel_loop3A_230 : i32 to vector<16xi32>
      %parallel_loop3A_232 = arith.shli %parallel_loop3A_229, %parallel_loop3A_231 : vector<16xi32>
      %parallel_loop3A_233 = arith.addi %parallel_loop3A_232, %iota3A : vector<16xi32>
      tpu.vector_store_idx %arg9[%parallel_loop3A_233], %broadcast_in_dim3A_80 {add = true} : memref<4096xi32, #tpu.memory_space<vmem>>[vector<16xi32>], vector<16xi32>,
      %parallel_loop3A_234 = arith.addf %parallel_loop3A_198, %parallel_loop3A_209 : vector<16xf32>
      scf.yield %parallel_loop3A_234 : vector<16xf32>
    } {sc.loop_unroll_factor = 8 : i64, sc.parallel_access}
    %dma_wait3A_115 = arith.constant 8192 : i32
    %dma_wait3A_116 = tpu.memref_slice %arg6[%dma_wait3A_115] : memref<32768xf32, #tpu.memory_space<vmem>> -> memref<8192xf32, #tpu.memory_space<vmem>>
    %dma_wait3A_117 = arith.constant 8192 : i32
    %dma_wait3A_118 = tpu.memref_slice %arg2[%add3A, %dma_wait3A_117] : memref<32x32768xf32, #tpu.memory_space<hbm>> -> memref<1x8192xf32, #tpu.memory_space<hbm>>
    %dma_wait3A_119 = tpu.memref_squeeze %dma_wait3A_118 : memref<1x8192xf32, #tpu.memory_space<hbm>> -> memref<8192xf32, #tpu.memory_space<hbm>>
    %dma_wait3A_120 = arith.constant 8192 : i32
    %dma_wait3A_121 = tpu.memref_slice %arg6[%dma_wait3A_120] : memref<32768xf32, #tpu.memory_space<vmem>> -> memref<8192xf32, #tpu.memory_space<vmem>>
    %dma_wait3A_122 = arith.constant 8192 : i32
    %dma_wait3A_123 = tpu.memref_slice %arg2[%add3A, %dma_wait3A_122] : memref<32x32768xf32, #tpu.memory_space<hbm>> -> memref<1x8192xf32, #tpu.memory_space<hbm>>
    %dma_wait3A_124 = tpu.memref_squeeze %dma_wait3A_123 : memref<1x8192xf32, #tpu.memory_space<hbm>> -> memref<8192xf32, #tpu.memory_space<hbm>>
    tpu.wait_dma2 semaphore(%arg14 : memref<!tpu.dma_semaphore, #tpu.memory_space<semaphore_mem>>) src(%dma_wait3A_124 : memref<8192xf32, #tpu.memory_space<hbm>>) dst(%dma_wait3A_121 : memref<8192xf32, #tpu.memory_space<vmem>>)
    %dma_wait3A_125 = arith.constant 8192 : i32
    %dma_wait3A_126 = tpu.memref_slice %arg7[%dma_wait3A_125] : memref<32768xf32, #tpu.memory_space<vmem>> -> memref<8192xf32, #tpu.memory_space<vmem>>
    %dma_wait3A_127 = arith.constant 8192 : i32
    %dma_wait3A_128 = tpu.memref_slice %arg3[%add3A, %dma_wait3A_127] : memref<32x32768xf32, #tpu.memory_space<hbm>> -> memref<1x8192xf32, #tpu.memory_space<hbm>>
    %dma_wait3A_129 = tpu.memref_squeeze %dma_wait3A_128 : memref<1x8192xf32, #tpu.memory_space<hbm>> -> memref<8192xf32, #tpu.memory_space<hbm>>
    %dma_wait3A_130 = arith.constant 8192 : i32
    %dma_wait3A_131 = tpu.memref_slice %arg7[%dma_wait3A_130] : memref<32768xf32, #tpu.memory_space<vmem>> -> memref<8192xf32, #tpu.memory_space<vmem>>
    %dma_wait3A_132 = arith.constant 8192 : i32
    %dma_wait3A_133 = tpu.memref_slice %arg3[%add3A, %dma_wait3A_132] : memref<32x32768xf32, #tpu.memory_space<hbm>> -> memref<1x8192xf32, #tpu.memory_space<hbm>>
    %dma_wait3A_134 = tpu.memref_squeeze %dma_wait3A_133 : memref<1x8192xf32, #tpu.memory_space<hbm>> -> memref<8192xf32, #tpu.memory_space<hbm>>
    tpu.wait_dma2 semaphore(%arg15 : memref<!tpu.dma_semaphore, #tpu.memory_space<semaphore_mem>>) src(%dma_wait3A_134 : memref<8192xf32, #tpu.memory_space<hbm>>) dst(%dma_wait3A_131 : memref<8192xf32, #tpu.memory_space<vmem>>)
    %parallel_loop3A_135 = arith.constant 0 : i32
    %parallel_loop3A_136 = arith.constant 512 : i32
    %parallel_loop3A_137 = arith.constant 1 : i32
    %parallel_loop3A_138 = scf.for %parallel_loop3A_197 = %parallel_loop3A_135 to %parallel_loop3A_136 step %parallel_loop3A_137 iter_args(%parallel_loop3A_198 = %parallel_loop3A_114) -> (vector<16xf32>)  : i32 {
      %parallel_loop3A_199 = arith.constant 512 : i32
      %parallel_loop3A_200 = arith.addi %parallel_loop3A_197, %parallel_loop3A_199 : i32
      %parallel_loop3A_201 = arith.constant 16 : i32
      %parallel_loop3A_202 = arith.muli %parallel_loop3A_200, %parallel_loop3A_201 : i32
      %parallel_loop3A_203 = arith.index_cast %parallel_loop3A_202 : i32 to index
      %parallel_loop3A_204 = tpu.vector_load %arg6[%parallel_loop3A_203] {strides = array<i32>} : memref<32768xf32, #tpu.memory_space<vmem>>, vector<16xf32>,
      %parallel_loop3A_205 = vector.bitcast %parallel_loop3A_204 : vector<16xf32> to vector<16xi32>
      %parallel_loop3A_206 = arith.constant 16 : i32
      %parallel_loop3A_207 = arith.muli %parallel_loop3A_200, %parallel_loop3A_206 : i32
      %parallel_loop3A_208 = arith.index_cast %parallel_loop3A_207 : i32 to index
      %parallel_loop3A_209 = tpu.vector_load %arg7[%parallel_loop3A_208] {strides = array<i32>} : memref<32768xf32, #tpu.memory_space<vmem>>, vector<16xf32>,
      %parallel_loop3A_210 = arith.constant 31 : i32
      %parallel_loop3A_211 = vector.broadcast %parallel_loop3A_210 : i32 to vector<16xi32>
      %parallel_loop3A_212 = arith.shrsi %parallel_loop3A_205, %parallel_loop3A_211 : vector<16xi32>
      %parallel_loop3A_213 = arith.constant -2147483648 : i32
      %parallel_loop3A_214 = vector.broadcast %parallel_loop3A_213 : i32 to vector<16xi32>
      %parallel_loop3A_215 = arith.ori %parallel_loop3A_212, %parallel_loop3A_214 : vector<16xi32>
      %parallel_loop3A_216 = arith.xori %parallel_loop3A_205, %parallel_loop3A_215 : vector<16xi32>
      %parallel_loop3A_217 = arith.constant 0.000000e+00 : f32
      %parallel_loop3A_218 = vector.broadcast %parallel_loop3A_217 : f32 to vector<16xf32>
      %parallel_loop3A_219 = arith.cmpf ogt, %parallel_loop3A_209, %parallel_loop3A_218 : vector<16xf32>
      %parallel_loop3A_220 = arith.constant 0 : i32
      %parallel_loop3A_221 = vector.broadcast %parallel_loop3A_220 : i32 to vector<16xi32>
      %parallel_loop3A_222 = arith.select %parallel_loop3A_219, %parallel_loop3A_221, %parallel_loop3A_216 : vector<16xi1>, vector<16xi32>
      %parallel_loop3A_223 = arith.constant 16 : i32
      %parallel_loop3A_224 = arith.muli %parallel_loop3A_200, %parallel_loop3A_223 : i32
      %parallel_loop3A_225 = arith.index_cast %parallel_loop3A_224 : i32 to index
      %parallel_loop3A_226 = tpu.vector_load %arg8[%parallel_loop3A_225] {strides = array<i32>} : memref<32768xi32, #tpu.memory_space<vmem>>, vector<16xi32>,
      tpu.vector_store %arg8[%parallel_loop3A_225], %parallel_loop3A_222 {strides = array<i32>} : memref<32768xi32, #tpu.memory_space<vmem>>, vector<16xi32>,
      %parallel_loop3A_227 = arith.constant 24 : i32
      %parallel_loop3A_228 = vector.broadcast %parallel_loop3A_227 : i32 to vector<16xi32>
      %parallel_loop3A_229 = arith.shrui %parallel_loop3A_222, %parallel_loop3A_228 : vector<16xi32>
      %parallel_loop3A_230 = arith.constant 4 : i32
      %parallel_loop3A_231 = vector.broadcast %parallel_loop3A_230 : i32 to vector<16xi32>
      %parallel_loop3A_232 = arith.shli %parallel_loop3A_229, %parallel_loop3A_231 : vector<16xi32>
      %parallel_loop3A_233 = arith.addi %parallel_loop3A_232, %iota3A : vector<16xi32>
      tpu.vector_store_idx %arg9[%parallel_loop3A_233], %broadcast_in_dim3A_80 {add = true} : memref<4096xi32, #tpu.memory_space<vmem>>[vector<16xi32>], vector<16xi32>,
      %parallel_loop3A_234 = arith.addf %parallel_loop3A_198, %parallel_loop3A_209 : vector<16xf32>
      scf.yield %parallel_loop3A_234 : vector<16xf32>
    } {sc.loop_unroll_factor = 8 : i64, sc.parallel_access}
    %dma_wait3A_139 = arith.constant 16384 : i32
    %dma_wait3A_140 = tpu.memref_slice %arg6[%dma_wait3A_139] : memref<32768xf32, #tpu.memory_space<vmem>> -> memref<8192xf32, #tpu.memory_space<vmem>>
    %dma_wait3A_141 = arith.constant 16384 : i32
    %dma_wait3A_142 = tpu.memref_slice %arg2[%add3A, %dma_wait3A_141] : memref<32x32768xf32, #tpu.memory_space<hbm>> -> memref<1x8192xf32, #tpu.memory_space<hbm>>
    %dma_wait3A_143 = tpu.memref_squeeze %dma_wait3A_142 : memref<1x8192xf32, #tpu.memory_space<hbm>> -> memref<8192xf32, #tpu.memory_space<hbm>>
    %dma_wait3A_144 = arith.constant 16384 : i32
    %dma_wait3A_145 = tpu.memref_slice %arg6[%dma_wait3A_144] : memref<32768xf32, #tpu.memory_space<vmem>> -> memref<8192xf32, #tpu.memory_space<vmem>>
    %dma_wait3A_146 = arith.constant 16384 : i32
    %dma_wait3A_147 = tpu.memref_slice %arg2[%add3A, %dma_wait3A_146] : memref<32x32768xf32, #tpu.memory_space<hbm>> -> memref<1x8192xf32, #tpu.memory_space<hbm>>
    %dma_wait3A_148 = tpu.memref_squeeze %dma_wait3A_147 : memref<1x8192xf32, #tpu.memory_space<hbm>> -> memref<8192xf32, #tpu.memory_space<hbm>>
    tpu.wait_dma2 semaphore(%arg16 : memref<!tpu.dma_semaphore, #tpu.memory_space<semaphore_mem>>) src(%dma_wait3A_148 : memref<8192xf32, #tpu.memory_space<hbm>>) dst(%dma_wait3A_145 : memref<8192xf32, #tpu.memory_space<vmem>>)
    %dma_wait3A_149 = arith.constant 16384 : i32
    %dma_wait3A_150 = tpu.memref_slice %arg7[%dma_wait3A_149] : memref<32768xf32, #tpu.memory_space<vmem>> -> memref<8192xf32, #tpu.memory_space<vmem>>
    %dma_wait3A_151 = arith.constant 16384 : i32
    %dma_wait3A_152 = tpu.memref_slice %arg3[%add3A, %dma_wait3A_151] : memref<32x32768xf32, #tpu.memory_space<hbm>> -> memref<1x8192xf32, #tpu.memory_space<hbm>>
    %dma_wait3A_153 = tpu.memref_squeeze %dma_wait3A_152 : memref<1x8192xf32, #tpu.memory_space<hbm>> -> memref<8192xf32, #tpu.memory_space<hbm>>
    %dma_wait3A_154 = arith.constant 16384 : i32
    %dma_wait3A_155 = tpu.memref_slice %arg7[%dma_wait3A_154] : memref<32768xf32, #tpu.memory_space<vmem>> -> memref<8192xf32, #tpu.memory_space<vmem>>
    %dma_wait3A_156 = arith.constant 16384 : i32
    %dma_wait3A_157 = tpu.memref_slice %arg3[%add3A, %dma_wait3A_156] : memref<32x32768xf32, #tpu.memory_space<hbm>> -> memref<1x8192xf32, #tpu.memory_space<hbm>>
    %dma_wait3A_158 = tpu.memref_squeeze %dma_wait3A_157 : memref<1x8192xf32, #tpu.memory_space<hbm>> -> memref<8192xf32, #tpu.memory_space<hbm>>
    tpu.wait_dma2 semaphore(%arg17 : memref<!tpu.dma_semaphore, #tpu.memory_space<semaphore_mem>>) src(%dma_wait3A_158 : memref<8192xf32, #tpu.memory_space<hbm>>) dst(%dma_wait3A_155 : memref<8192xf32, #tpu.memory_space<vmem>>)
    %parallel_loop3A_159 = arith.constant 0 : i32
    %parallel_loop3A_160 = arith.constant 512 : i32
    %parallel_loop3A_161 = arith.constant 1 : i32
    %parallel_loop3A_162 = scf.for %parallel_loop3A_197 = %parallel_loop3A_159 to %parallel_loop3A_160 step %parallel_loop3A_161 iter_args(%parallel_loop3A_198 = %parallel_loop3A_138) -> (vector<16xf32>)  : i32 {
      %parallel_loop3A_199 = arith.constant 1024 : i32
      %parallel_loop3A_200 = arith.addi %parallel_loop3A_197, %parallel_loop3A_199 : i32
      %parallel_loop3A_201 = arith.constant 16 : i32
      %parallel_loop3A_202 = arith.muli %parallel_loop3A_200, %parallel_loop3A_201 : i32
      %parallel_loop3A_203 = arith.index_cast %parallel_loop3A_202 : i32 to index
      %parallel_loop3A_204 = tpu.vector_load %arg6[%parallel_loop3A_203] {strides = array<i32>} : memref<32768xf32, #tpu.memory_space<vmem>>, vector<16xf32>,
      %parallel_loop3A_205 = vector.bitcast %parallel_loop3A_204 : vector<16xf32> to vector<16xi32>
      %parallel_loop3A_206 = arith.constant 16 : i32
      %parallel_loop3A_207 = arith.muli %parallel_loop3A_200, %parallel_loop3A_206 : i32
      %parallel_loop3A_208 = arith.index_cast %parallel_loop3A_207 : i32 to index
      %parallel_loop3A_209 = tpu.vector_load %arg7[%parallel_loop3A_208] {strides = array<i32>} : memref<32768xf32, #tpu.memory_space<vmem>>, vector<16xf32>,
      %parallel_loop3A_210 = arith.constant 31 : i32
      %parallel_loop3A_211 = vector.broadcast %parallel_loop3A_210 : i32 to vector<16xi32>
      %parallel_loop3A_212 = arith.shrsi %parallel_loop3A_205, %parallel_loop3A_211 : vector<16xi32>
      %parallel_loop3A_213 = arith.constant -2147483648 : i32
      %parallel_loop3A_214 = vector.broadcast %parallel_loop3A_213 : i32 to vector<16xi32>
      %parallel_loop3A_215 = arith.ori %parallel_loop3A_212, %parallel_loop3A_214 : vector<16xi32>
      %parallel_loop3A_216 = arith.xori %parallel_loop3A_205, %parallel_loop3A_215 : vector<16xi32>
      %parallel_loop3A_217 = arith.constant 0.000000e+00 : f32
      %parallel_loop3A_218 = vector.broadcast %parallel_loop3A_217 : f32 to vector<16xf32>
      %parallel_loop3A_219 = arith.cmpf ogt, %parallel_loop3A_209, %parallel_loop3A_218 : vector<16xf32>
      %parallel_loop3A_220 = arith.constant 0 : i32
      %parallel_loop3A_221 = vector.broadcast %parallel_loop3A_220 : i32 to vector<16xi32>
      %parallel_loop3A_222 = arith.select %parallel_loop3A_219, %parallel_loop3A_221, %parallel_loop3A_216 : vector<16xi1>, vector<16xi32>
      %parallel_loop3A_223 = arith.constant 16 : i32
      %parallel_loop3A_224 = arith.muli %parallel_loop3A_200, %parallel_loop3A_223 : i32
      %parallel_loop3A_225 = arith.index_cast %parallel_loop3A_224 : i32 to index
      %parallel_loop3A_226 = tpu.vector_load %arg8[%parallel_loop3A_225] {strides = array<i32>} : memref<32768xi32, #tpu.memory_space<vmem>>, vector<16xi32>,
      tpu.vector_store %arg8[%parallel_loop3A_225], %parallel_loop3A_222 {strides = array<i32>} : memref<32768xi32, #tpu.memory_space<vmem>>, vector<16xi32>,
      %parallel_loop3A_227 = arith.constant 24 : i32
      %parallel_loop3A_228 = vector.broadcast %parallel_loop3A_227 : i32 to vector<16xi32>
      %parallel_loop3A_229 = arith.shrui %parallel_loop3A_222, %parallel_loop3A_228 : vector<16xi32>
      %parallel_loop3A_230 = arith.constant 4 : i32
      %parallel_loop3A_231 = vector.broadcast %parallel_loop3A_230 : i32 to vector<16xi32>
      %parallel_loop3A_232 = arith.shli %parallel_loop3A_229, %parallel_loop3A_231 : vector<16xi32>
      %parallel_loop3A_233 = arith.addi %parallel_loop3A_232, %iota3A : vector<16xi32>
      tpu.vector_store_idx %arg9[%parallel_loop3A_233], %broadcast_in_dim3A_80 {add = true} : memref<4096xi32, #tpu.memory_space<vmem>>[vector<16xi32>], vector<16xi32>,
      %parallel_loop3A_234 = arith.addf %parallel_loop3A_198, %parallel_loop3A_209 : vector<16xf32>
      scf.yield %parallel_loop3A_234 : vector<16xf32>
    } {sc.loop_unroll_factor = 8 : i64, sc.parallel_access}
    %dma_wait3A_163 = arith.constant 24576 : i32
    %dma_wait3A_164 = tpu.memref_slice %arg6[%dma_wait3A_163] : memref<32768xf32, #tpu.memory_space<vmem>> -> memref<8192xf32, #tpu.memory_space<vmem>>
    %dma_wait3A_165 = arith.constant 24576 : i32
    %dma_wait3A_166 = tpu.memref_slice %arg2[%add3A, %dma_wait3A_165] : memref<32x32768xf32, #tpu.memory_space<hbm>> -> memref<1x8192xf32, #tpu.memory_space<hbm>>
    %dma_wait3A_167 = tpu.memref_squeeze %dma_wait3A_166 : memref<1x8192xf32, #tpu.memory_space<hbm>> -> memref<8192xf32, #tpu.memory_space<hbm>>
    %dma_wait3A_168 = arith.constant 24576 : i32
    %dma_wait3A_169 = tpu.memref_slice %arg6[%dma_wait3A_168] : memref<32768xf32, #tpu.memory_space<vmem>> -> memref<8192xf32, #tpu.memory_space<vmem>>
    %dma_wait3A_170 = arith.constant 24576 : i32
    %dma_wait3A_171 = tpu.memref_slice %arg2[%add3A, %dma_wait3A_170] : memref<32x32768xf32, #tpu.memory_space<hbm>> -> memref<1x8192xf32, #tpu.memory_space<hbm>>
    %dma_wait3A_172 = tpu.memref_squeeze %dma_wait3A_171 : memref<1x8192xf32, #tpu.memory_space<hbm>> -> memref<8192xf32, #tpu.memory_space<hbm>>
    tpu.wait_dma2 semaphore(%arg18 : memref<!tpu.dma_semaphore, #tpu.memory_space<semaphore_mem>>) src(%dma_wait3A_172 : memref<8192xf32, #tpu.memory_space<hbm>>) dst(%dma_wait3A_169 : memref<8192xf32, #tpu.memory_space<vmem>>)
    %dma_wait3A_173 = arith.constant 24576 : i32
    %dma_wait3A_174 = tpu.memref_slice %arg7[%dma_wait3A_173] : memref<32768xf32, #tpu.memory_space<vmem>> -> memref<8192xf32, #tpu.memory_space<vmem>>
    %dma_wait3A_175 = arith.constant 24576 : i32
    %dma_wait3A_176 = tpu.memref_slice %arg3[%add3A, %dma_wait3A_175] : memref<32x32768xf32, #tpu.memory_space<hbm>> -> memref<1x8192xf32, #tpu.memory_space<hbm>>
    %dma_wait3A_177 = tpu.memref_squeeze %dma_wait3A_176 : memref<1x8192xf32, #tpu.memory_space<hbm>> -> memref<8192xf32, #tpu.memory_space<hbm>>
    %dma_wait3A_178 = arith.constant 24576 : i32
    %dma_wait3A_179 = tpu.memref_slice %arg7[%dma_wait3A_178] : memref<32768xf32, #tpu.memory_space<vmem>> -> memref<8192xf32, #tpu.memory_space<vmem>>
    %dma_wait3A_180 = arith.constant 24576 : i32
    %dma_wait3A_181 = tpu.memref_slice %arg3[%add3A, %dma_wait3A_180] : memref<32x32768xf32, #tpu.memory_space<hbm>> -> memref<1x8192xf32, #tpu.memory_space<hbm>>
    %dma_wait3A_182 = tpu.memref_squeeze %dma_wait3A_181 : memref<1x8192xf32, #tpu.memory_space<hbm>> -> memref<8192xf32, #tpu.memory_space<hbm>>
    tpu.wait_dma2 semaphore(%arg19 : memref<!tpu.dma_semaphore, #tpu.memory_space<semaphore_mem>>) src(%dma_wait3A_182 : memref<8192xf32, #tpu.memory_space<hbm>>) dst(%dma_wait3A_179 : memref<8192xf32, #tpu.memory_space<vmem>>)
    %parallel_loop3A_183 = arith.constant 0 : i32
    %parallel_loop3A_184 = arith.constant 512 : i32
    %parallel_loop3A_185 = arith.constant 1 : i32
    %parallel_loop3A_186 = scf.for %parallel_loop3A_197 = %parallel_loop3A_183 to %parallel_loop3A_184 step %parallel_loop3A_185 iter_args(%parallel_loop3A_198 = %parallel_loop3A_162) -> (vector<16xf32>)  : i32 {
      %parallel_loop3A_199 = arith.constant 1536 : i32
      %parallel_loop3A_200 = arith.addi %parallel_loop3A_197, %parallel_loop3A_199 : i32
      %parallel_loop3A_201 = arith.constant 16 : i32
      %parallel_loop3A_202 = arith.muli %parallel_loop3A_200, %parallel_loop3A_201 : i32
      %parallel_loop3A_203 = arith.index_cast %parallel_loop3A_202 : i32 to index
      %parallel_loop3A_204 = tpu.vector_load %arg6[%parallel_loop3A_203] {strides = array<i32>} : memref<32768xf32, #tpu.memory_space<vmem>>, vector<16xf32>,
      %parallel_loop3A_205 = vector.bitcast %parallel_loop3A_204 : vector<16xf32> to vector<16xi32>
      %parallel_loop3A_206 = arith.constant 16 : i32
      %parallel_loop3A_207 = arith.muli %parallel_loop3A_200, %parallel_loop3A_206 : i32
      %parallel_loop3A_208 = arith.index_cast %parallel_loop3A_207 : i32 to index
      %parallel_loop3A_209 = tpu.vector_load %arg7[%parallel_loop3A_208] {strides = array<i32>} : memref<32768xf32, #tpu.memory_space<vmem>>, vector<16xf32>,
      %parallel_loop3A_210 = arith.constant 31 : i32
      %parallel_loop3A_211 = vector.broadcast %parallel_loop3A_210 : i32 to vector<16xi32>
      %parallel_loop3A_212 = arith.shrsi %parallel_loop3A_205, %parallel_loop3A_211 : vector<16xi32>
      %parallel_loop3A_213 = arith.constant -2147483648 : i32
      %parallel_loop3A_214 = vector.broadcast %parallel_loop3A_213 : i32 to vector<16xi32>
      %parallel_loop3A_215 = arith.ori %parallel_loop3A_212, %parallel_loop3A_214 : vector<16xi32>
      %parallel_loop3A_216 = arith.xori %parallel_loop3A_205, %parallel_loop3A_215 : vector<16xi32>
      %parallel_loop3A_217 = arith.constant 0.000000e+00 : f32
      %parallel_loop3A_218 = vector.broadcast %parallel_loop3A_217 : f32 to vector<16xf32>
      %parallel_loop3A_219 = arith.cmpf ogt, %parallel_loop3A_209, %parallel_loop3A_218 : vector<16xf32>
      %parallel_loop3A_220 = arith.constant 0 : i32
      %parallel_loop3A_221 = vector.broadcast %parallel_loop3A_220 : i32 to vector<16xi32>
      %parallel_loop3A_222 = arith.select %parallel_loop3A_219, %parallel_loop3A_221, %parallel_loop3A_216 : vector<16xi1>, vector<16xi32>
      %parallel_loop3A_223 = arith.constant 16 : i32
      %parallel_loop3A_224 = arith.muli %parallel_loop3A_200, %parallel_loop3A_223 : i32
      %parallel_loop3A_225 = arith.index_cast %parallel_loop3A_224 : i32 to index
      %parallel_loop3A_226 = tpu.vector_load %arg8[%parallel_loop3A_225] {strides = array<i32>} : memref<32768xi32, #tpu.memory_space<vmem>>, vector<16xi32>,
      tpu.vector_store %arg8[%parallel_loop3A_225], %parallel_loop3A_222 {strides = array<i32>} : memref<32768xi32, #tpu.memory_space<vmem>>, vector<16xi32>,
      %parallel_loop3A_227 = arith.constant 24 : i32
      %parallel_loop3A_228 = vector.broadcast %parallel_loop3A_227 : i32 to vector<16xi32>
      %parallel_loop3A_229 = arith.shrui %parallel_loop3A_222, %parallel_loop3A_228 : vector<16xi32>
      %parallel_loop3A_230 = arith.constant 4 : i32
      %parallel_loop3A_231 = vector.broadcast %parallel_loop3A_230 : i32 to vector<16xi32>
      %parallel_loop3A_232 = arith.shli %parallel_loop3A_229, %parallel_loop3A_231 : vector<16xi32>
      %parallel_loop3A_233 = arith.addi %parallel_loop3A_232, %iota3A : vector<16xi32>
      tpu.vector_store_idx %arg9[%parallel_loop3A_233], %broadcast_in_dim3A_80 {add = true} : memref<4096xi32, #tpu.memory_space<vmem>>[vector<16xi32>], vector<16xi32>,
      %parallel_loop3A_234 = arith.addf %parallel_loop3A_198, %parallel_loop3A_209 : vector<16xf32>
      scf.yield %parallel_loop3A_234 : vector<16xf32>
    } {sc.loop_unroll_factor = 8 : i64, sc.parallel_access}
    %reduce_sum3A = arith.constant true
    %reduce_sum3A_187 = vector.broadcast %reduce_sum3A : i1 to vector<16xi1>
    %reduce_sum3A_188 = tpu.scan <sum>, %parallel_loop3A_186 masked %reduce_sum3A_187 : vector<16xf32>, vector<16xi1> -> vector<16xf32>
    %reduce_sum3A_189 = vector.extract %reduce_sum3A_188[15] : f32 from vector<16xf32>
    %convert_element_type3A = arith.fptosi %reduce_sum3A_189 : f32 to i32
    %mul3A_190 = arith.constant 3.000000e+00 : f32
    %mul3A_191 = arith.mulf %mul3A_190, %reduce_sum3A_189 : f32
    %convert_element_type3A_192 = arith.fptosi %mul3A_191 : f32 to i32
    %sub3A = arith.constant 32768 : i32
    %sub3A_193 = arith.subi %sub3A, %convert_element_type3A : i32
    %min3A = arith.minsi %convert_element_type3A_192, %sub3A_193 : i32
    %gt3A = arith.constant 0 : i32
    %gt3A_194 = arith.cmpi sgt, %min3A, %gt3A : i32
    %convert_element_type3A_195 = arith.extui %gt3A_194 : i1 to i32
    %cond3A = arith.constant 0 : i32
    %cond3A_196 = arith.cmpi ne, %convert_element_type3A_195, %cond3A : i32
    scf.if %cond3A_196 {
      %scan3A = arith.constant 0 : i32
      %scan3A_197 = arith.constant -1 : i32
      %scan3A_198 = arith.constant 0 : i32
      %scan3A_199 = arith.constant 0 : i32
      %scan3A_200 = arith.constant 16 : i32
      %scan3A_201 = arith.addi %scan3A_199, %scan3A_200 : i32
      %scan3A_202 = arith.constant 1 : i32
      %scan3A_203:3 = scf.for %scan3A_1234 = %scan3A_199 to %scan3A_201 step %scan3A_202 iter_args(%scan3A_1235 = %scan3A, %scan3A_1236 = %scan3A_197, %scan3A_1237 = %scan3A_198) -> (i32, i32, i32)  : i32 {
        %sub3A_1238 = arith.constant 15 : i32
        %sub3A_1239 = arith.subi %sub3A_1238, %scan3A_1234 : i32
        %mul3A_1240 = arith.constant 256 : i32
        %mul3A_1241 = arith.muli %sub3A_1239, %mul3A_1240 : i32
        %get3A_1242 = arith.index_cast %mul3A_1241 : i32 to index
        %get3A_1243 = tpu.vector_load %arg9[%get3A_1242] {strides = array<i32>} : memref<4096xi32, #tpu.memory_space<vmem>>, vector<16xi32>,
        %mul3A_1244 = arith.constant 256 : i32
        %mul3A_1245 = arith.muli %sub3A_1239, %mul3A_1244 : i32
        %add3A_1246 = arith.constant 16 : i32
        %add3A_1247 = arith.addi %mul3A_1245, %add3A_1246 : i32
        %get3A_1248 = arith.index_cast %add3A_1247 : i32 to index
        %get3A_1249 = tpu.vector_load %arg9[%get3A_1248] {strides = array<i32>} : memref<4096xi32, #tpu.memory_space<vmem>>, vector<16xi32>,
        %add3A_1250 = arith.addi %get3A_1243, %get3A_1249 : vector<16xi32>
        %mul3A_1251 = arith.constant 256 : i32
        %mul3A_1252 = arith.muli %sub3A_1239, %mul3A_1251 : i32
        %add3A_1253 = arith.constant 32 : i32
        %add3A_1254 = arith.addi %mul3A_1252, %add3A_1253 : i32
        %get3A_1255 = arith.index_cast %add3A_1254 : i32 to index
        %get3A_1256 = tpu.vector_load %arg9[%get3A_1255] {strides = array<i32>} : memref<4096xi32, #tpu.memory_space<vmem>>, vector<16xi32>,
        %add3A_1257 = arith.addi %add3A_1250, %get3A_1256 : vector<16xi32>
        %mul3A_1258 = arith.constant 256 : i32
        %mul3A_1259 = arith.muli %sub3A_1239, %mul3A_1258 : i32
        %add3A_1260 = arith.constant 48 : i32
        %add3A_1261 = arith.addi %mul3A_1259, %add3A_1260 : i32
        %get3A_1262 = arith.index_cast %add3A_1261 : i32 to index
        %get3A_1263 = tpu.vector_load %arg9[%get3A_1262] {strides = array<i32>} : memref<4096xi32, #tpu.memory_space<vmem>>, vector<16xi32>,
        %add3A_1264 = arith.addi %add3A_1257, %get3A_1263 : vector<16xi32>
        %mul3A_1265 = arith.constant 256 : i32
        %mul3A_1266 = arith.muli %sub3A_1239, %mul3A_1265 : i32
        %add3A_1267 = arith.constant 64 : i32
        %add3A_1268 = arith.addi %mul3A_1266, %add3A_1267 : i32
        %get3A_1269 = arith.index_cast %add3A_1268 : i32 to index
        %get3A_1270 = tpu.vector_load %arg9[%get3A_1269] {strides = array<i32>} : memref<4096xi32, #tpu.memory_space<vmem>>, vector<16xi32>,
        %add3A_1271 = arith.addi %add3A_1264, %get3A_1270 : vector<16xi32>
        %mul3A_1272 = arith.constant 256 : i32
        %mul3A_1273 = arith.muli %sub3A_1239, %mul3A_1272 : i32
        %add3A_1274 = arith.constant 80 : i32
        %add3A_1275 = arith.addi %mul3A_1273, %add3A_1274 : i32
        %get3A_1276 = arith.index_cast %add3A_1275 : i32 to index
        %get3A_1277 = tpu.vector_load %arg9[%get3A_1276] {strides = array<i32>} : memref<4096xi32, #tpu.memory_space<vmem>>, vector<16xi32>,
        %add3A_1278 = arith.addi %add3A_1271, %get3A_1277 : vector<16xi32>
        %mul3A_1279 = arith.constant 256 : i32
        %mul3A_1280 = arith.muli %sub3A_1239, %mul3A_1279 : i32
        %add3A_1281 = arith.constant 96 : i32
        %add3A_1282 = arith.addi %mul3A_1280, %add3A_1281 : i32
        %get3A_1283 = arith.index_cast %add3A_1282 : i32 to index
        %get3A_1284 = tpu.vector_load %arg9[%get3A_1283] {strides = array<i32>} : memref<4096xi32, #tpu.memory_space<vmem>>, vector<16xi32>,
        %add3A_1285 = arith.addi %add3A_1278, %get3A_1284 : vector<16xi32>
        %mul3A_1286 = arith.constant 256 : i32
        %mul3A_1287 = arith.muli %sub3A_1239, %mul3A_1286 : i32
        %add3A_1288 = arith.constant 112 : i32
        %add3A_1289 = arith.addi %mul3A_1287, %add3A_1288 : i32
        %get3A_1290 = arith.index_cast %add3A_1289 : i32 to index
        %get3A_1291 = tpu.vector_load %arg9[%get3A_1290] {strides = array<i32>} : memref<4096xi32, #tpu.memory_space<vmem>>, vector<16xi32>,
        %add3A_1292 = arith.addi %add3A_1285, %get3A_1291 : vector<16xi32>
        %mul3A_1293 = arith.constant 256 : i32
        %mul3A_1294 = arith.muli %sub3A_1239, %mul3A_1293 : i32
        %add3A_1295 = arith.constant 128 : i32
        %add3A_1296 = arith.addi %mul3A_1294, %add3A_1295 : i32
        %get3A_1297 = arith.index_cast %add3A_1296 : i32 to index
        %get3A_1298 = tpu.vector_load %arg9[%get3A_1297] {strides = array<i32>} : memref<4096xi32, #tpu.memory_space<vmem>>, vector<16xi32>,
        %add3A_1299 = arith.addi %add3A_1292, %get3A_1298 : vector<16xi32>
        %mul3A_1300 = arith.constant 256 : i32
        %mul3A_1301 = arith.muli %sub3A_1239, %mul3A_1300 : i32
        %add3A_1302 = arith.constant 144 : i32
        %add3A_1303 = arith.addi %mul3A_1301, %add3A_1302 : i32
        %get3A_1304 = arith.index_cast %add3A_1303 : i32 to index
        %get3A_1305 = tpu.vector_load %arg9[%get3A_1304] {strides = array<i32>} : memref<4096xi32, #tpu.memory_space<vmem>>, vector<16xi32>,
        %add3A_1306 = arith.addi %add3A_1299, %get3A_1305 : vector<16xi32>
        %mul3A_1307 = arith.constant 256 : i32
        %mul3A_1308 = arith.muli %sub3A_1239, %mul3A_1307 : i32
        %add3A_1309 = arith.constant 160 : i32
        %add3A_1310 = arith.addi %mul3A_1308, %add3A_1309 : i32
        %get3A_1311 = arith.index_cast %add3A_1310 : i32 to index
        %get3A_1312 = tpu.vector_load %arg9[%get3A_1311] {strides = array<i32>} : memref<4096xi32, #tpu.memory_space<vmem>>, vector<16xi32>,
        %add3A_1313 = arith.addi %add3A_1306, %get3A_1312 : vector<16xi32>
        %mul3A_1314 = arith.constant 256 : i32
        %mul3A_1315 = arith.muli %sub3A_1239, %mul3A_1314 : i32
        %add3A_1316 = arith.constant 176 : i32
        %add3A_1317 = arith.addi %mul3A_1315, %add3A_1316 : i32
        %get3A_1318 = arith.index_cast %add3A_1317 : i32 to index
        %get3A_1319 = tpu.vector_load %arg9[%get3A_1318] {strides = array<i32>} : memref<4096xi32, #tpu.memory_space<vmem>>, vector<16xi32>,
        %add3A_1320 = arith.addi %add3A_1313, %get3A_1319 : vector<16xi32>
        %mul3A_1321 = arith.constant 256 : i32
        %mul3A_1322 = arith.muli %sub3A_1239, %mul3A_1321 : i32
        %add3A_1323 = arith.constant 192 : i32
        %add3A_1324 = arith.addi %mul3A_1322, %add3A_1323 : i32
        %get3A_1325 = arith.index_cast %add3A_1324 : i32 to index
        %get3A_1326 = tpu.vector_load %arg9[%get3A_1325] {strides = array<i32>} : memref<4096xi32, #tpu.memory_space<vmem>>, vector<16xi32>,
        %add3A_1327 = arith.addi %add3A_1320, %get3A_1326 : vector<16xi32>
        %mul3A_1328 = arith.constant 256 : i32
        %mul3A_1329 = arith.muli %sub3A_1239, %mul3A_1328 : i32
        %add3A_1330 = arith.constant 208 : i32
        %add3A_1331 = arith.addi %mul3A_1329, %add3A_1330 : i32
        %get3A_1332 = arith.index_cast %add3A_1331 : i32 to index
        %get3A_1333 = tpu.vector_load %arg9[%get3A_1332] {strides = array<i32>} : memref<4096xi32, #tpu.memory_space<vmem>>, vector<16xi32>,
        %add3A_1334 = arith.addi %add3A_1327, %get3A_1333 : vector<16xi32>
        %mul3A_1335 = arith.constant 256 : i32
        %mul3A_1336 = arith.muli %sub3A_1239, %mul3A_1335 : i32
        %add3A_1337 = arith.constant 224 : i32
        %add3A_1338 = arith.addi %mul3A_1336, %add3A_1337 : i32
        %get3A_1339 = arith.index_cast %add3A_1338 : i32 to index
        %get3A_1340 = tpu.vector_load %arg9[%get3A_1339] {strides = array<i32>} : memref<4096xi32, #tpu.memory_space<vmem>>, vector<16xi32>,
        %add3A_1341 = arith.addi %add3A_1334, %get3A_1340 : vector<16xi32>
        %mul3A_1342 = arith.constant 256 : i32
        %mul3A_1343 = arith.muli %sub3A_1239, %mul3A_1342 : i32
        %add3A_1344 = arith.constant 240 : i32
        %add3A_1345 = arith.addi %mul3A_1343, %add3A_1344 : i32
        %get3A_1346 = arith.index_cast %add3A_1345 : i32 to index
        %get3A_1347 = tpu.vector_load %arg9[%get3A_1346] {strides = array<i32>} : memref<4096xi32, #tpu.memory_space<vmem>>, vector<16xi32>,
        %add3A_1348 = arith.addi %add3A_1341, %get3A_1347 : vector<16xi32>
        %reduce_sum3A_1349 = arith.constant true
        %reduce_sum3A_1350 = vector.broadcast %reduce_sum3A_1349 : i1 to vector<16xi1>
        %reduce_sum3A_1351 = tpu.scan <sum>, %add3A_1348 masked %reduce_sum3A_1350 : vector<16xi32>, vector<16xi1> -> vector<16xi32>
        %reduce_sum3A_1352 = vector.extract %reduce_sum3A_1351[15] : i32 from vector<16xi32>
        %add3A_1353 = arith.addi %scan3A_1235, %reduce_sum3A_1352 : i32
        %ge3A_1354 = arith.cmpi sge, %add3A_1353, %min3A : i32
        %lt3A_1355 = arith.constant 0 : i32
        %lt3A_1356 = arith.cmpi slt, %scan3A_1236, %lt3A_1355 : i32
        %and3A = arith.andi %ge3A_1354, %lt3A_1356 : i1
        %select_n3A_1357 = arith.select %and3A, %sub3A_1239, %scan3A_1236 : i32
        %select_n3A_1358 = arith.select %and3A, %scan3A_1235, %scan3A_1237 : i32
        %add3A_1359 = arith.addi %scan3A_1235, %reduce_sum3A_1352 : i32
        scf.yield %add3A_1359, %select_n3A_1357, %select_n3A_1358 : i32, i32, i32
      }
      %scan3A_204 = arith.constant 16 : i32
      %mul3A_205 = arith.constant 256 : i32
      %mul3A_206 = arith.muli %scan3A_203#1, %mul3A_205 : i32
      %add3A_207 = arith.constant 0 : i32
      %add3A_208 = arith.addi %mul3A_206, %add3A_207 : i32
      %get3A = arith.index_cast %add3A_208 : i32 to index
      %get3A_209 = tpu.vector_load %arg9[%get3A] {strides = array<i32>} : memref<4096xi32, #tpu.memory_space<vmem>>, vector<16xi32>,
      %reduce_sum3A_210 = arith.constant true
      %reduce_sum3A_211 = vector.broadcast %reduce_sum3A_210 : i1 to vector<16xi1>
      %reduce_sum3A_212 = tpu.scan <sum>, %get3A_209 masked %reduce_sum3A_211 : vector<16xi32>, vector<16xi1> -> vector<16xi32>
      %reduce_sum3A_213 = vector.extract %reduce_sum3A_212[15] : i32 from vector<16xi32>
      %mul3A_214 = arith.constant 256 : i32
      %mul3A_215 = arith.muli %scan3A_203#1, %mul3A_214 : i32
      %add3A_216 = arith.constant 16 : i32
      %add3A_217 = arith.addi %mul3A_215, %add3A_216 : i32
      %get3A_218 = arith.index_cast %add3A_217 : i32 to index
      %get3A_219 = tpu.vector_load %arg9[%get3A_218] {strides = array<i32>} : memref<4096xi32, #tpu.memory_space<vmem>>, vector<16xi32>,
      %reduce_sum3A_220 = arith.constant true
      %reduce_sum3A_221 = vector.broadcast %reduce_sum3A_220 : i1 to vector<16xi1>
      %reduce_sum3A_222 = tpu.scan <sum>, %get3A_219 masked %reduce_sum3A_221 : vector<16xi32>, vector<16xi1> -> vector<16xi32>
      %reduce_sum3A_223 = vector.extract %reduce_sum3A_222[15] : i32 from vector<16xi32>
      %mul3A_224 = arith.constant 256 : i32
      %mul3A_225 = arith.muli %scan3A_203#1, %mul3A_224 : i32
      %add3A_226 = arith.constant 32 : i32
      %add3A_227 = arith.addi %mul3A_225, %add3A_226 : i32
      %get3A_228 = arith.index_cast %add3A_227 : i32 to index
      %get3A_229 = tpu.vector_load %arg9[%get3A_228] {strides = array<i32>} : memref<4096xi32, #tpu.memory_space<vmem>>, vector<16xi32>,
      %reduce_sum3A_230 = arith.constant true
      %reduce_sum3A_231 = vector.broadcast %reduce_sum3A_230 : i1 to vector<16xi1>
      %reduce_sum3A_232 = tpu.scan <sum>, %get3A_229 masked %reduce_sum3A_231 : vector<16xi32>, vector<16xi1> -> vector<16xi32>
      %reduce_sum3A_233 = vector.extract %reduce_sum3A_232[15] : i32 from vector<16xi32>
      %mul3A_234 = arith.constant 256 : i32
      %mul3A_235 = arith.muli %scan3A_203#1, %mul3A_234 : i32
      %add3A_236 = arith.constant 48 : i32
      %add3A_237 = arith.addi %mul3A_235, %add3A_236 : i32
      %get3A_238 = arith.index_cast %add3A_237 : i32 to index
      %get3A_239 = tpu.vector_load %arg9[%get3A_238] {strides = array<i32>} : memref<4096xi32, #tpu.memory_space<vmem>>, vector<16xi32>,
      %reduce_sum3A_240 = arith.constant true
      %reduce_sum3A_241 = vector.broadcast %reduce_sum3A_240 : i1 to vector<16xi1>
      %reduce_sum3A_242 = tpu.scan <sum>, %get3A_239 masked %reduce_sum3A_241 : vector<16xi32>, vector<16xi1> -> vector<16xi32>
      %reduce_sum3A_243 = vector.extract %reduce_sum3A_242[15] : i32 from vector<16xi32>
      %mul3A_244 = arith.constant 256 : i32
      %mul3A_245 = arith.muli %scan3A_203#1, %mul3A_244 : i32
      %add3A_246 = arith.constant 64 : i32
      %add3A_247 = arith.addi %mul3A_245, %add3A_246 : i32
      %get3A_248 = arith.index_cast %add3A_247 : i32 to index
      %get3A_249 = tpu.vector_load %arg9[%get3A_248] {strides = array<i32>} : memref<4096xi32, #tpu.memory_space<vmem>>, vector<16xi32>,
      %reduce_sum3A_250 = arith.constant true
      %reduce_sum3A_251 = vector.broadcast %reduce_sum3A_250 : i1 to vector<16xi1>
      %reduce_sum3A_252 = tpu.scan <sum>, %get3A_249 masked %reduce_sum3A_251 : vector<16xi32>, vector<16xi1> -> vector<16xi32>
      %reduce_sum3A_253 = vector.extract %reduce_sum3A_252[15] : i32 from vector<16xi32>
      %mul3A_254 = arith.constant 256 : i32
      %mul3A_255 = arith.muli %scan3A_203#1, %mul3A_254 : i32
      %add3A_256 = arith.constant 80 : i32
      %add3A_257 = arith.addi %mul3A_255, %add3A_256 : i32
      %get3A_258 = arith.index_cast %add3A_257 : i32 to index
      %get3A_259 = tpu.vector_load %arg9[%get3A_258] {strides = array<i32>} : memref<4096xi32, #tpu.memory_space<vmem>>, vector<16xi32>,
      %reduce_sum3A_260 = arith.constant true
      %reduce_sum3A_261 = vector.broadcast %reduce_sum3A_260 : i1 to vector<16xi1>
      %reduce_sum3A_262 = tpu.scan <sum>, %get3A_259 masked %reduce_sum3A_261 : vector<16xi32>, vector<16xi1> -> vector<16xi32>
      %reduce_sum3A_263 = vector.extract %reduce_sum3A_262[15] : i32 from vector<16xi32>
      %mul3A_264 = arith.constant 256 : i32
      %mul3A_265 = arith.muli %scan3A_203#1, %mul3A_264 : i32
      %add3A_266 = arith.constant 96 : i32
      %add3A_267 = arith.addi %mul3A_265, %add3A_266 : i32
      %get3A_268 = arith.index_cast %add3A_267 : i32 to index
      %get3A_269 = tpu.vector_load %arg9[%get3A_268] {strides = array<i32>} : memref<4096xi32, #tpu.memory_space<vmem>>, vector<16xi32>,
      %reduce_sum3A_270 = arith.constant true
      %reduce_sum3A_271 = vector.broadcast %reduce_sum3A_270 : i1 to vector<16xi1>
      %reduce_sum3A_272 = tpu.scan <sum>, %get3A_269 masked %reduce_sum3A_271 : vector<16xi32>, vector<16xi1> -> vector<16xi32>
      %reduce_sum3A_273 = vector.extract %reduce_sum3A_272[15] : i32 from vector<16xi32>
      %mul3A_274 = arith.constant 256 : i32
      %mul3A_275 = arith.muli %scan3A_203#1, %mul3A_274 : i32
      %add3A_276 = arith.constant 112 : i32
      %add3A_277 = arith.addi %mul3A_275, %add3A_276 : i32
      %get3A_278 = arith.index_cast %add3A_277 : i32 to index
      %get3A_279 = tpu.vector_load %arg9[%get3A_278] {strides = array<i32>} : memref<4096xi32, #tpu.memory_space<vmem>>, vector<16xi32>,
      %reduce_sum3A_280 = arith.constant true
      %reduce_sum3A_281 = vector.broadcast %reduce_sum3A_280 : i1 to vector<16xi1>
      %reduce_sum3A_282 = tpu.scan <sum>, %get3A_279 masked %reduce_sum3A_281 : vector<16xi32>, vector<16xi1> -> vector<16xi32>
      %reduce_sum3A_283 = vector.extract %reduce_sum3A_282[15] : i32 from vector<16xi32>
      %mul3A_284 = arith.constant 256 : i32
      %mul3A_285 = arith.muli %scan3A_203#1, %mul3A_284 : i32
      %add3A_286 = arith.constant 128 : i32
      %add3A_287 = arith.addi %mul3A_285, %add3A_286 : i32
      %get3A_288 = arith.index_cast %add3A_287 : i32 to index
      %get3A_289 = tpu.vector_load %arg9[%get3A_288] {strides = array<i32>} : memref<4096xi32, #tpu.memory_space<vmem>>, vector<16xi32>,
      %reduce_sum3A_290 = arith.constant true
      %reduce_sum3A_291 = vector.broadcast %reduce_sum3A_290 : i1 to vector<16xi1>
      %reduce_sum3A_292 = tpu.scan <sum>, %get3A_289 masked %reduce_sum3A_291 : vector<16xi32>, vector<16xi1> -> vector<16xi32>
      %reduce_sum3A_293 = vector.extract %reduce_sum3A_292[15] : i32 from vector<16xi32>
      %mul3A_294 = arith.constant 256 : i32
      %mul3A_295 = arith.muli %scan3A_203#1, %mul3A_294 : i32
      %add3A_296 = arith.constant 144 : i32
      %add3A_297 = arith.addi %mul3A_295, %add3A_296 : i32
      %get3A_298 = arith.index_cast %add3A_297 : i32 to index
      %get3A_299 = tpu.vector_load %arg9[%get3A_298] {strides = array<i32>} : memref<4096xi32, #tpu.memory_space<vmem>>, vector<16xi32>,
      %reduce_sum3A_300 = arith.constant true
      %reduce_sum3A_301 = vector.broadcast %reduce_sum3A_300 : i1 to vector<16xi1>
      %reduce_sum3A_302 = tpu.scan <sum>, %get3A_299 masked %reduce_sum3A_301 : vector<16xi32>, vector<16xi1> -> vector<16xi32>
      %reduce_sum3A_303 = vector.extract %reduce_sum3A_302[15] : i32 from vector<16xi32>
      %mul3A_304 = arith.constant 256 : i32
      %mul3A_305 = arith.muli %scan3A_203#1, %mul3A_304 : i32
      %add3A_306 = arith.constant 160 : i32
      %add3A_307 = arith.addi %mul3A_305, %add3A_306 : i32
      %get3A_308 = arith.index_cast %add3A_307 : i32 to index
      %get3A_309 = tpu.vector_load %arg9[%get3A_308] {strides = array<i32>} : memref<4096xi32, #tpu.memory_space<vmem>>, vector<16xi32>,
      %reduce_sum3A_310 = arith.constant true
      %reduce_sum3A_311 = vector.broadcast %reduce_sum3A_310 : i1 to vector<16xi1>
      %reduce_sum3A_312 = tpu.scan <sum>, %get3A_309 masked %reduce_sum3A_311 : vector<16xi32>, vector<16xi1> -> vector<16xi32>
      %reduce_sum3A_313 = vector.extract %reduce_sum3A_312[15] : i32 from vector<16xi32>
      %mul3A_314 = arith.constant 256 : i32
      %mul3A_315 = arith.muli %scan3A_203#1, %mul3A_314 : i32
      %add3A_316 = arith.constant 176 : i32
      %add3A_317 = arith.addi %mul3A_315, %add3A_316 : i32
      %get3A_318 = arith.index_cast %add3A_317 : i32 to index
      %get3A_319 = tpu.vector_load %arg9[%get3A_318] {strides = array<i32>} : memref<4096xi32, #tpu.memory_space<vmem>>, vector<16xi32>,
      %reduce_sum3A_320 = arith.constant true
      %reduce_sum3A_321 = vector.broadcast %reduce_sum3A_320 : i1 to vector<16xi1>
      %reduce_sum3A_322 = tpu.scan <sum>, %get3A_319 masked %reduce_sum3A_321 : vector<16xi32>, vector<16xi1> -> vector<16xi32>
      %reduce_sum3A_323 = vector.extract %reduce_sum3A_322[15] : i32 from vector<16xi32>
      %mul3A_324 = arith.constant 256 : i32
      %mul3A_325 = arith.muli %scan3A_203#1, %mul3A_324 : i32
      %add3A_326 = arith.constant 192 : i32
      %add3A_327 = arith.addi %mul3A_325, %add3A_326 : i32
      %get3A_328 = arith.index_cast %add3A_327 : i32 to index
      %get3A_329 = tpu.vector_load %arg9[%get3A_328] {strides = array<i32>} : memref<4096xi32, #tpu.memory_space<vmem>>, vector<16xi32>,
      %reduce_sum3A_330 = arith.constant true
      %reduce_sum3A_331 = vector.broadcast %reduce_sum3A_330 : i1 to vector<16xi1>
      %reduce_sum3A_332 = tpu.scan <sum>, %get3A_329 masked %reduce_sum3A_331 : vector<16xi32>, vector<16xi1> -> vector<16xi32>
      %reduce_sum3A_333 = vector.extract %reduce_sum3A_332[15] : i32 from vector<16xi32>
      %mul3A_334 = arith.constant 256 : i32
      %mul3A_335 = arith.muli %scan3A_203#1, %mul3A_334 : i32
      %add3A_336 = arith.constant 208 : i32
      %add3A_337 = arith.addi %mul3A_335, %add3A_336 : i32
      %get3A_338 = arith.index_cast %add3A_337 : i32 to index
      %get3A_339 = tpu.vector_load %arg9[%get3A_338] {strides = array<i32>} : memref<4096xi32, #tpu.memory_space<vmem>>, vector<16xi32>,
      %reduce_sum3A_340 = arith.constant true
      %reduce_sum3A_341 = vector.broadcast %reduce_sum3A_340 : i1 to vector<16xi1>
      %reduce_sum3A_342 = tpu.scan <sum>, %get3A_339 masked %reduce_sum3A_341 : vector<16xi32>, vector<16xi1> -> vector<16xi32>
      %reduce_sum3A_343 = vector.extract %reduce_sum3A_342[15] : i32 from vector<16xi32>
      %mul3A_344 = arith.constant 256 : i32
      %mul3A_345 = arith.muli %scan3A_203#1, %mul3A_344 : i32
      %add3A_346 = arith.constant 224 : i32
      %add3A_347 = arith.addi %mul3A_345, %add3A_346 : i32
      %get3A_348 = arith.index_cast %add3A_347 : i32 to index
      %get3A_349 = tpu.vector_load %arg9[%get3A_348] {strides = array<i32>} : memref<4096xi32, #tpu.memory_space<vmem>>, vector<16xi32>,
      %reduce_sum3A_350 = arith.constant true
      %reduce_sum3A_351 = vector.broadcast %reduce_sum3A_350 : i1 to vector<16xi1>
      %reduce_sum3A_352 = tpu.scan <sum>, %get3A_349 masked %reduce_sum3A_351 : vector<16xi32>, vector<16xi1> -> vector<16xi32>
      %reduce_sum3A_353 = vector.extract %reduce_sum3A_352[15] : i32 from vector<16xi32>
      %mul3A_354 = arith.constant 256 : i32
      %mul3A_355 = arith.muli %scan3A_203#1, %mul3A_354 : i32
      %add3A_356 = arith.constant 240 : i32
      %add3A_357 = arith.addi %mul3A_355, %add3A_356 : i32
      %get3A_358 = arith.index_cast %add3A_357 : i32 to index
      %get3A_359 = tpu.vector_load %arg9[%get3A_358] {strides = array<i32>} : memref<4096xi32, #tpu.memory_space<vmem>>, vector<16xi32>,
      %reduce_sum3A_360 = arith.constant true
      %reduce_sum3A_361 = vector.broadcast %reduce_sum3A_360 : i1 to vector<16xi1>
      %reduce_sum3A_362 = tpu.scan <sum>, %get3A_359 masked %reduce_sum3A_361 : vector<16xi32>, vector<16xi1> -> vector<16xi32>
      %reduce_sum3A_363 = vector.extract %reduce_sum3A_362[15] : i32 from vector<16xi32>
      %add3A_364 = arith.constant 0 : i32
      %add3A_365 = arith.addi %add3A_364, %reduce_sum3A_363 : i32
      %add3A_366 = arith.addi %add3A_365, %reduce_sum3A_353 : i32
      %add3A_367 = arith.addi %add3A_366, %reduce_sum3A_343 : i32
      %add3A_368 = arith.addi %add3A_367, %reduce_sum3A_333 : i32
      %add3A_369 = arith.addi %add3A_368, %reduce_sum3A_323 : i32
      %add3A_370 = arith.addi %add3A_369, %reduce_sum3A_313 : i32
      %add3A_371 = arith.addi %add3A_370, %reduce_sum3A_303 : i32
      %add3A_372 = arith.addi %add3A_371, %reduce_sum3A_293 : i32
      %add3A_373 = arith.addi %add3A_372, %reduce_sum3A_283 : i32
      %add3A_374 = arith.addi %add3A_373, %reduce_sum3A_273 : i32
      %add3A_375 = arith.addi %add3A_374, %reduce_sum3A_263 : i32
      %add3A_376 = arith.addi %add3A_375, %reduce_sum3A_253 : i32
      %add3A_377 = arith.addi %add3A_376, %reduce_sum3A_243 : i32
      %add3A_378 = arith.addi %add3A_377, %reduce_sum3A_233 : i32
      %add3A_379 = arith.addi %add3A_378, %reduce_sum3A_223 : i32
      %add3A_380 = arith.addi %add3A_379, %reduce_sum3A_213 : i32
      %add3A_381 = arith.addi %scan3A_203#2, %add3A_380 : i32
      %ge3A = arith.cmpi sge, %add3A_381, %min3A : i32
      %convert_element_type3A_382 = arith.extui %ge3A : i1 to i32
      %add3A_383 = arith.addi %scan3A_203#2, %add3A_379 : i32
      %ge3A_384 = arith.cmpi sge, %add3A_383, %min3A : i32
      %convert_element_type3A_385 = arith.extui %ge3A_384 : i1 to i32
      %add3A_386 = arith.addi %scan3A_203#2, %add3A_378 : i32
      %ge3A_387 = arith.cmpi sge, %add3A_386, %min3A : i32
      %convert_element_type3A_388 = arith.extui %ge3A_387 : i1 to i32
      %add3A_389 = arith.addi %scan3A_203#2, %add3A_377 : i32
      %ge3A_390 = arith.cmpi sge, %add3A_389, %min3A : i32
      %convert_element_type3A_391 = arith.extui %ge3A_390 : i1 to i32
      %add3A_392 = arith.addi %scan3A_203#2, %add3A_376 : i32
      %ge3A_393 = arith.cmpi sge, %add3A_392, %min3A : i32
      %convert_element_type3A_394 = arith.extui %ge3A_393 : i1 to i32
      %add3A_395 = arith.addi %scan3A_203#2, %add3A_375 : i32
      %ge3A_396 = arith.cmpi sge, %add3A_395, %min3A : i32
      %convert_element_type3A_397 = arith.extui %ge3A_396 : i1 to i32
      %add3A_398 = arith.addi %scan3A_203#2, %add3A_374 : i32
      %ge3A_399 = arith.cmpi sge, %add3A_398, %min3A : i32
      %convert_element_type3A_400 = arith.extui %ge3A_399 : i1 to i32
      %add3A_401 = arith.addi %scan3A_203#2, %add3A_373 : i32
      %ge3A_402 = arith.cmpi sge, %add3A_401, %min3A : i32
      %convert_element_type3A_403 = arith.extui %ge3A_402 : i1 to i32
      %add3A_404 = arith.addi %scan3A_203#2, %add3A_372 : i32
      %ge3A_405 = arith.cmpi sge, %add3A_404, %min3A : i32
      %convert_element_type3A_406 = arith.extui %ge3A_405 : i1 to i32
      %add3A_407 = arith.addi %scan3A_203#2, %add3A_371 : i32
      %ge3A_408 = arith.cmpi sge, %add3A_407, %min3A : i32
      %convert_element_type3A_409 = arith.extui %ge3A_408 : i1 to i32
      %add3A_410 = arith.addi %scan3A_203#2, %add3A_370 : i32
      %ge3A_411 = arith.cmpi sge, %add3A_410, %min3A : i32
      %convert_element_type3A_412 = arith.extui %ge3A_411 : i1 to i32
      %add3A_413 = arith.addi %scan3A_203#2, %add3A_369 : i32
      %ge3A_414 = arith.cmpi sge, %add3A_413, %min3A : i32
      %convert_element_type3A_415 = arith.extui %ge3A_414 : i1 to i32
      %add3A_416 = arith.addi %scan3A_203#2, %add3A_368 : i32
      %ge3A_417 = arith.cmpi sge, %add3A_416, %min3A : i32
      %convert_element_type3A_418 = arith.extui %ge3A_417 : i1 to i32
      %add3A_419 = arith.addi %scan3A_203#2, %add3A_367 : i32
      %ge3A_420 = arith.cmpi sge, %add3A_419, %min3A : i32
      %convert_element_type3A_421 = arith.extui %ge3A_420 : i1 to i32
      %add3A_422 = arith.addi %scan3A_203#2, %add3A_366 : i32
      %ge3A_423 = arith.cmpi sge, %add3A_422, %min3A : i32
      %convert_element_type3A_424 = arith.extui %ge3A_423 : i1 to i32
      %add3A_425 = arith.addi %scan3A_203#2, %add3A_365 : i32
      %ge3A_426 = arith.cmpi sge, %add3A_425, %min3A : i32
      %convert_element_type3A_427 = arith.extui %ge3A_426 : i1 to i32
      %add3A_428 = arith.constant 0 : i32
      %add3A_429 = arith.addi %add3A_428, %convert_element_type3A_382 : i32
      %add3A_430 = arith.addi %add3A_429, %convert_element_type3A_385 : i32
      %add3A_431 = arith.addi %add3A_430, %convert_element_type3A_388 : i32
      %add3A_432 = arith.addi %add3A_431, %convert_element_type3A_391 : i32
      %add3A_433 = arith.addi %add3A_432, %convert_element_type3A_394 : i32
      %add3A_434 = arith.addi %add3A_433, %convert_element_type3A_397 : i32
      %add3A_435 = arith.addi %add3A_434, %convert_element_type3A_400 : i32
      %add3A_436 = arith.addi %add3A_435, %convert_element_type3A_403 : i32
      %add3A_437 = arith.addi %add3A_436, %convert_element_type3A_406 : i32
      %add3A_438 = arith.addi %add3A_437, %convert_element_type3A_409 : i32
      %add3A_439 = arith.addi %add3A_438, %convert_element_type3A_412 : i32
      %add3A_440 = arith.addi %add3A_439, %convert_element_type3A_415 : i32
      %add3A_441 = arith.addi %add3A_440, %convert_element_type3A_418 : i32
      %add3A_442 = arith.addi %add3A_441, %convert_element_type3A_421 : i32
      %add3A_443 = arith.addi %add3A_442, %convert_element_type3A_424 : i32
      %add3A_444 = arith.addi %add3A_443, %convert_element_type3A_427 : i32
      %sub3A_445 = arith.constant 1 : i32
      %sub3A_446 = arith.subi %add3A_444, %sub3A_445 : i32
      %lt3A = arith.constant 0 : i32
      %lt3A_447 = arith.cmpi slt, %sub3A_446, %lt3A : i32
      %jit3A = arith.constant 0 : i32
      %select_n3A = arith.select %lt3A_447, %reduce_sum3A_213, %jit3A : i32
      %add3A_448 = arith.constant 0 : i32
      %add3A_449 = arith.addi %add3A_448, %select_n3A : i32
      %lt3A_450 = arith.constant 1 : i32
      %lt3A_451 = arith.cmpi slt, %sub3A_446, %lt3A_450 : i32
      %jit3A_452 = arith.constant 0 : i32
      %select_n3A_453 = arith.select %lt3A_451, %reduce_sum3A_223, %jit3A_452 : i32
      %add3A_454 = arith.addi %add3A_449, %select_n3A_453 : i32
      %lt3A_455 = arith.constant 2 : i32
      %lt3A_456 = arith.cmpi slt, %sub3A_446, %lt3A_455 : i32
      %jit3A_457 = arith.constant 0 : i32
      %select_n3A_458 = arith.select %lt3A_456, %reduce_sum3A_233, %jit3A_457 : i32
      %add3A_459 = arith.addi %add3A_454, %select_n3A_458 : i32
      %lt3A_460 = arith.constant 3 : i32
      %lt3A_461 = arith.cmpi slt, %sub3A_446, %lt3A_460 : i32
      %jit3A_462 = arith.constant 0 : i32
      %select_n3A_463 = arith.select %lt3A_461, %reduce_sum3A_243, %jit3A_462 : i32
      %add3A_464 = arith.addi %add3A_459, %select_n3A_463 : i32
      %lt3A_465 = arith.constant 4 : i32
      %lt3A_466 = arith.cmpi slt, %sub3A_446, %lt3A_465 : i32
      %jit3A_467 = arith.constant 0 : i32
      %select_n3A_468 = arith.select %lt3A_466, %reduce_sum3A_253, %jit3A_467 : i32
      %add3A_469 = arith.addi %add3A_464, %select_n3A_468 : i32
      %lt3A_470 = arith.constant 5 : i32
      %lt3A_471 = arith.cmpi slt, %sub3A_446, %lt3A_470 : i32
      %jit3A_472 = arith.constant 0 : i32
      %select_n3A_473 = arith.select %lt3A_471, %reduce_sum3A_263, %jit3A_472 : i32
      %add3A_474 = arith.addi %add3A_469, %select_n3A_473 : i32
      %lt3A_475 = arith.constant 6 : i32
      %lt3A_476 = arith.cmpi slt, %sub3A_446, %lt3A_475 : i32
      %jit3A_477 = arith.constant 0 : i32
      %select_n3A_478 = arith.select %lt3A_476, %reduce_sum3A_273, %jit3A_477 : i32
      %add3A_479 = arith.addi %add3A_474, %select_n3A_478 : i32
      %lt3A_480 = arith.constant 7 : i32
      %lt3A_481 = arith.cmpi slt, %sub3A_446, %lt3A_480 : i32
      %jit3A_482 = arith.constant 0 : i32
      %select_n3A_483 = arith.select %lt3A_481, %reduce_sum3A_283, %jit3A_482 : i32
      %add3A_484 = arith.addi %add3A_479, %select_n3A_483 : i32
      %lt3A_485 = arith.constant 8 : i32
      %lt3A_486 = arith.cmpi slt, %sub3A_446, %lt3A_485 : i32
      %jit3A_487 = arith.constant 0 : i32
      %select_n3A_488 = arith.select %lt3A_486, %reduce_sum3A_293, %jit3A_487 : i32
      %add3A_489 = arith.addi %add3A_484, %select_n3A_488 : i32
      %lt3A_490 = arith.constant 9 : i32
      %lt3A_491 = arith.cmpi slt, %sub3A_446, %lt3A_490 : i32
      %jit3A_492 = arith.constant 0 : i32
      %select_n3A_493 = arith.select %lt3A_491, %reduce_sum3A_303, %jit3A_492 : i32
      %add3A_494 = arith.addi %add3A_489, %select_n3A_493 : i32
      %lt3A_495 = arith.constant 10 : i32
      %lt3A_496 = arith.cmpi slt, %sub3A_446, %lt3A_495 : i32
      %jit3A_497 = arith.constant 0 : i32
      %select_n3A_498 = arith.select %lt3A_496, %reduce_sum3A_313, %jit3A_497 : i32
      %add3A_499 = arith.addi %add3A_494, %select_n3A_498 : i32
      %lt3A_500 = arith.constant 11 : i32
      %lt3A_501 = arith.cmpi slt, %sub3A_446, %lt3A_500 : i32
      %jit3A_502 = arith.constant 0 : i32
      %select_n3A_503 = arith.select %lt3A_501, %reduce_sum3A_323, %jit3A_502 : i32
      %add3A_504 = arith.addi %add3A_499, %select_n3A_503 : i32
      %lt3A_505 = arith.constant 12 : i32
      %lt3A_506 = arith.cmpi slt, %sub3A_446, %lt3A_505 : i32
      %jit3A_507 = arith.constant 0 : i32
      %select_n3A_508 = arith.select %lt3A_506, %reduce_sum3A_333, %jit3A_507 : i32
      %add3A_509 = arith.addi %add3A_504, %select_n3A_508 : i32
      %lt3A_510 = arith.constant 13 : i32
      %lt3A_511 = arith.cmpi slt, %sub3A_446, %lt3A_510 : i32
      %jit3A_512 = arith.constant 0 : i32
      %select_n3A_513 = arith.select %lt3A_511, %reduce_sum3A_343, %jit3A_512 : i32
      %add3A_514 = arith.addi %add3A_509, %select_n3A_513 : i32
      %lt3A_515 = arith.constant 14 : i32
      %lt3A_516 = arith.cmpi slt, %sub3A_446, %lt3A_515 : i32
      %jit3A_517 = arith.constant 0 : i32
      %select_n3A_518 = arith.select %lt3A_516, %reduce_sum3A_353, %jit3A_517 : i32
      %add3A_519 = arith.addi %add3A_514, %select_n3A_518 : i32
      %lt3A_520 = arith.constant 15 : i32
      %lt3A_521 = arith.cmpi slt, %sub3A_446, %lt3A_520 : i32
      %jit3A_522 = arith.constant 0 : i32
      %select_n3A_523 = arith.select %lt3A_521, %reduce_sum3A_363, %jit3A_522 : i32
      %add3A_524 = arith.addi %add3A_519, %select_n3A_523 : i32
      %add3A_525 = arith.addi %scan3A_203#2, %add3A_524 : i32
      %mul3A_526 = arith.constant 16 : i32
      %mul3A_527 = arith.muli %scan3A_203#1, %mul3A_526 : i32
      %add3A_528 = arith.addi %mul3A_527, %sub3A_446 : i32
      %shift_left3A = arith.constant 0 : i32
      %shift_left3A_529 = arith.constant 8 : i32
      %shift_left3A_530 = arith.shli %shift_left3A, %shift_left3A_529 : i32
      %or3A = arith.ori %shift_left3A_530, %add3A_528 : i32
      %sub3A_531 = arith.subi %min3A, %add3A_525 : i32
      %parallel_loop3A_532 = arith.constant 0 : i32
      %parallel_loop3A_533 = arith.constant 256 : i32
      %parallel_loop3A_534 = arith.constant 1 : i32
      scf.for %parallel_loop3A_1234 = %parallel_loop3A_532 to %parallel_loop3A_533 step %parallel_loop3A_534  : i32 {
        %parallel_loop3A_1235 = arith.constant 16 : i32
        %parallel_loop3A_1236 = arith.muli %parallel_loop3A_1234, %parallel_loop3A_1235 : i32
        %parallel_loop3A_1237 = arith.index_cast %parallel_loop3A_1236 : i32 to index
        %parallel_loop3A_1238 = tpu.vector_load %arg9[%parallel_loop3A_1237] {strides = array<i32>} : memref<4096xi32, #tpu.memory_space<vmem>>, vector<16xi32>,
        tpu.vector_store %arg9[%parallel_loop3A_1237], %broadcast_in_dim3A_82 {strides = array<i32>} : memref<4096xi32, #tpu.memory_space<vmem>>, vector<16xi32>,
      } {sc.loop_unroll_factor = 8 : i64, sc.parallel_access}
      %parallel_loop3A_535 = arith.constant 0 : i32
      %parallel_loop3A_536 = arith.constant 2048 : i32
      %parallel_loop3A_537 = arith.constant 1 : i32
      scf.for %parallel_loop3A_1234 = %parallel_loop3A_535 to %parallel_loop3A_536 step %parallel_loop3A_537  : i32 {
        %parallel_loop3A_1235 = arith.constant 16 : i32
        %parallel_loop3A_1236 = arith.muli %parallel_loop3A_1234, %parallel_loop3A_1235 : i32
        %parallel_loop3A_1237 = arith.index_cast %parallel_loop3A_1236 : i32 to index
        %parallel_loop3A_1238 = tpu.vector_load %arg8[%parallel_loop3A_1237] {strides = array<i32>} : memref<32768xi32, #tpu.memory_space<vmem>>, vector<16xi32>,
        %parallel_loop3A_1239 = arith.constant 16 : i32
        %parallel_loop3A_1240 = vector.broadcast %parallel_loop3A_1239 : i32 to vector<16xi32>
        %parallel_loop3A_1241 = arith.shrui %parallel_loop3A_1238, %parallel_loop3A_1240 : vector<16xi32>
        %parallel_loop3A_1242 = arith.constant 255 : i32
        %parallel_loop3A_1243 = vector.broadcast %parallel_loop3A_1242 : i32 to vector<16xi32>
        %parallel_loop3A_1244 = arith.andi %parallel_loop3A_1241, %parallel_loop3A_1243 : vector<16xi32>
        %parallel_loop3A_1245 = arith.constant 4 : i32
        %parallel_loop3A_1246 = vector.broadcast %parallel_loop3A_1245 : i32 to vector<16xi32>
        %parallel_loop3A_1247 = arith.shli %parallel_loop3A_1244, %parallel_loop3A_1246 : vector<16xi32>
        %parallel_loop3A_1248 = arith.addi %parallel_loop3A_1247, %iota3A : vector<16xi32>
        %parallel_loop3A_1249 = arith.constant 24 : i32
        %parallel_loop3A_1250 = vector.broadcast %parallel_loop3A_1249 : i32 to vector<16xi32>
        %parallel_loop3A_1251 = arith.shrui %parallel_loop3A_1238, %parallel_loop3A_1250 : vector<16xi32>
        %parallel_loop3A_1252 = vector.broadcast %or3A : i32 to vector<16xi32>
        %parallel_loop3A_1253 = arith.cmpi eq, %parallel_loop3A_1251, %parallel_loop3A_1252 : vector<16xi32>
        tpu.vector_store_idx %arg9[%parallel_loop3A_1248], %broadcast_in_dim3A_80 masked %parallel_loop3A_1253 {add = true} : memref<4096xi32, #tpu.memory_space<vmem>>[vector<16xi32>], vector<16xi32>, vector<16xi1>
      } {sc.loop_unroll_factor = 8 : i64, sc.parallel_access}
      %scan3A_538 = arith.constant 0 : i32
      %scan3A_539 = arith.constant -1 : i32
      %scan3A_540 = arith.constant 0 : i32
      %scan3A_541 = arith.constant 0 : i32
      %scan3A_542 = arith.constant 16 : i32
      %scan3A_543 = arith.addi %scan3A_541, %scan3A_542 : i32
      %scan3A_544 = arith.constant 1 : i32
      %scan3A_545:3 = scf.for %scan3A_1234 = %scan3A_541 to %scan3A_543 step %scan3A_544 iter_args(%scan3A_1235 = %scan3A_538, %scan3A_1236 = %scan3A_539, %scan3A_1237 = %scan3A_540) -> (i32, i32, i32)  : i32 {
        %sub3A_1238 = arith.constant 15 : i32
        %sub3A_1239 = arith.subi %sub3A_1238, %scan3A_1234 : i32
        %mul3A_1240 = arith.constant 256 : i32
        %mul3A_1241 = arith.muli %sub3A_1239, %mul3A_1240 : i32
        %get3A_1242 = arith.index_cast %mul3A_1241 : i32 to index
        %get3A_1243 = tpu.vector_load %arg9[%get3A_1242] {strides = array<i32>} : memref<4096xi32, #tpu.memory_space<vmem>>, vector<16xi32>,
        %mul3A_1244 = arith.constant 256 : i32
        %mul3A_1245 = arith.muli %sub3A_1239, %mul3A_1244 : i32
        %add3A_1246 = arith.constant 16 : i32
        %add3A_1247 = arith.addi %mul3A_1245, %add3A_1246 : i32
        %get3A_1248 = arith.index_cast %add3A_1247 : i32 to index
        %get3A_1249 = tpu.vector_load %arg9[%get3A_1248] {strides = array<i32>} : memref<4096xi32, #tpu.memory_space<vmem>>, vector<16xi32>,
        %add3A_1250 = arith.addi %get3A_1243, %get3A_1249 : vector<16xi32>
        %mul3A_1251 = arith.constant 256 : i32
        %mul3A_1252 = arith.muli %sub3A_1239, %mul3A_1251 : i32
        %add3A_1253 = arith.constant 32 : i32
        %add3A_1254 = arith.addi %mul3A_1252, %add3A_1253 : i32
        %get3A_1255 = arith.index_cast %add3A_1254 : i32 to index
        %get3A_1256 = tpu.vector_load %arg9[%get3A_1255] {strides = array<i32>} : memref<4096xi32, #tpu.memory_space<vmem>>, vector<16xi32>,
        %add3A_1257 = arith.addi %add3A_1250, %get3A_1256 : vector<16xi32>
        %mul3A_1258 = arith.constant 256 : i32
        %mul3A_1259 = arith.muli %sub3A_1239, %mul3A_1258 : i32
        %add3A_1260 = arith.constant 48 : i32
        %add3A_1261 = arith.addi %mul3A_1259, %add3A_1260 : i32
        %get3A_1262 = arith.index_cast %add3A_1261 : i32 to index
        %get3A_1263 = tpu.vector_load %arg9[%get3A_1262] {strides = array<i32>} : memref<4096xi32, #tpu.memory_space<vmem>>, vector<16xi32>,
        %add3A_1264 = arith.addi %add3A_1257, %get3A_1263 : vector<16xi32>
        %mul3A_1265 = arith.constant 256 : i32
        %mul3A_1266 = arith.muli %sub3A_1239, %mul3A_1265 : i32
        %add3A_1267 = arith.constant 64 : i32
        %add3A_1268 = arith.addi %mul3A_1266, %add3A_1267 : i32
        %get3A_1269 = arith.index_cast %add3A_1268 : i32 to index
        %get3A_1270 = tpu.vector_load %arg9[%get3A_1269] {strides = array<i32>} : memref<4096xi32, #tpu.memory_space<vmem>>, vector<16xi32>,
        %add3A_1271 = arith.addi %add3A_1264, %get3A_1270 : vector<16xi32>
        %mul3A_1272 = arith.constant 256 : i32
        %mul3A_1273 = arith.muli %sub3A_1239, %mul3A_1272 : i32
        %add3A_1274 = arith.constant 80 : i32
        %add3A_1275 = arith.addi %mul3A_1273, %add3A_1274 : i32
        %get3A_1276 = arith.index_cast %add3A_1275 : i32 to index
        %get3A_1277 = tpu.vector_load %arg9[%get3A_1276] {strides = array<i32>} : memref<4096xi32, #tpu.memory_space<vmem>>, vector<16xi32>,
        %add3A_1278 = arith.addi %add3A_1271, %get3A_1277 : vector<16xi32>
        %mul3A_1279 = arith.constant 256 : i32
        %mul3A_1280 = arith.muli %sub3A_1239, %mul3A_1279 : i32
        %add3A_1281 = arith.constant 96 : i32
        %add3A_1282 = arith.addi %mul3A_1280, %add3A_1281 : i32
        %get3A_1283 = arith.index_cast %add3A_1282 : i32 to index
        %get3A_1284 = tpu.vector_load %arg9[%get3A_1283] {strides = array<i32>} : memref<4096xi32, #tpu.memory_space<vmem>>, vector<16xi32>,
        %add3A_1285 = arith.addi %add3A_1278, %get3A_1284 : vector<16xi32>
        %mul3A_1286 = arith.constant 256 : i32
        %mul3A_1287 = arith.muli %sub3A_1239, %mul3A_1286 : i32
        %add3A_1288 = arith.constant 112 : i32
        %add3A_1289 = arith.addi %mul3A_1287, %add3A_1288 : i32
        %get3A_1290 = arith.index_cast %add3A_1289 : i32 to index
        %get3A_1291 = tpu.vector_load %arg9[%get3A_1290] {strides = array<i32>} : memref<4096xi32, #tpu.memory_space<vmem>>, vector<16xi32>,
        %add3A_1292 = arith.addi %add3A_1285, %get3A_1291 : vector<16xi32>
        %mul3A_1293 = arith.constant 256 : i32
        %mul3A_1294 = arith.muli %sub3A_1239, %mul3A_1293 : i32
        %add3A_1295 = arith.constant 128 : i32
        %add3A_1296 = arith.addi %mul3A_1294, %add3A_1295 : i32
        %get3A_1297 = arith.index_cast %add3A_1296 : i32 to index
        %get3A_1298 = tpu.vector_load %arg9[%get3A_1297] {strides = array<i32>} : memref<4096xi32, #tpu.memory_space<vmem>>, vector<16xi32>,
        %add3A_1299 = arith.addi %add3A_1292, %get3A_1298 : vector<16xi32>
        %mul3A_1300 = arith.constant 256 : i32
        %mul3A_1301 = arith.muli %sub3A_1239, %mul3A_1300 : i32
        %add3A_1302 = arith.constant 144 : i32
        %add3A_1303 = arith.addi %mul3A_1301, %add3A_1302 : i32
        %get3A_1304 = arith.index_cast %add3A_1303 : i32 to index
        %get3A_1305 = tpu.vector_load %arg9[%get3A_1304] {strides = array<i32>} : memref<4096xi32, #tpu.memory_space<vmem>>, vector<16xi32>,
        %add3A_1306 = arith.addi %add3A_1299, %get3A_1305 : vector<16xi32>
        %mul3A_1307 = arith.constant 256 : i32
        %mul3A_1308 = arith.muli %sub3A_1239, %mul3A_1307 : i32
        %add3A_1309 = arith.constant 160 : i32
        %add3A_1310 = arith.addi %mul3A_1308, %add3A_1309 : i32
        %get3A_1311 = arith.index_cast %add3A_1310 : i32 to index
        %get3A_1312 = tpu.vector_load %arg9[%get3A_1311] {strides = array<i32>} : memref<4096xi32, #tpu.memory_space<vmem>>, vector<16xi32>,
        %add3A_1313 = arith.addi %add3A_1306, %get3A_1312 : vector<16xi32>
        %mul3A_1314 = arith.constant 256 : i32
        %mul3A_1315 = arith.muli %sub3A_1239, %mul3A_1314 : i32
        %add3A_1316 = arith.constant 176 : i32
        %add3A_1317 = arith.addi %mul3A_1315, %add3A_1316 : i32
        %get3A_1318 = arith.index_cast %add3A_1317 : i32 to index
        %get3A_1319 = tpu.vector_load %arg9[%get3A_1318] {strides = array<i32>} : memref<4096xi32, #tpu.memory_space<vmem>>, vector<16xi32>,
        %add3A_1320 = arith.addi %add3A_1313, %get3A_1319 : vector<16xi32>
        %mul3A_1321 = arith.constant 256 : i32
        %mul3A_1322 = arith.muli %sub3A_1239, %mul3A_1321 : i32
        %add3A_1323 = arith.constant 192 : i32
        %add3A_1324 = arith.addi %mul3A_1322, %add3A_1323 : i32
        %get3A_1325 = arith.index_cast %add3A_1324 : i32 to index
        %get3A_1326 = tpu.vector_load %arg9[%get3A_1325] {strides = array<i32>} : memref<4096xi32, #tpu.memory_space<vmem>>, vector<16xi32>,
        %add3A_1327 = arith.addi %add3A_1320, %get3A_1326 : vector<16xi32>
        %mul3A_1328 = arith.constant 256 : i32
        %mul3A_1329 = arith.muli %sub3A_1239, %mul3A_1328 : i32
        %add3A_1330 = arith.constant 208 : i32
        %add3A_1331 = arith.addi %mul3A_1329, %add3A_1330 : i32
        %get3A_1332 = arith.index_cast %add3A_1331 : i32 to index
        %get3A_1333 = tpu.vector_load %arg9[%get3A_1332] {strides = array<i32>} : memref<4096xi32, #tpu.memory_space<vmem>>, vector<16xi32>,
        %add3A_1334 = arith.addi %add3A_1327, %get3A_1333 : vector<16xi32>
        %mul3A_1335 = arith.constant 256 : i32
        %mul3A_1336 = arith.muli %sub3A_1239, %mul3A_1335 : i32
        %add3A_1337 = arith.constant 224 : i32
        %add3A_1338 = arith.addi %mul3A_1336, %add3A_1337 : i32
        %get3A_1339 = arith.index_cast %add3A_1338 : i32 to index
        %get3A_1340 = tpu.vector_load %arg9[%get3A_1339] {strides = array<i32>} : memref<4096xi32, #tpu.memory_space<vmem>>, vector<16xi32>,
        %add3A_1341 = arith.addi %add3A_1334, %get3A_1340 : vector<16xi32>
        %mul3A_1342 = arith.constant 256 : i32
        %mul3A_1343 = arith.muli %sub3A_1239, %mul3A_1342 : i32
        %add3A_1344 = arith.constant 240 : i32
        %add3A_1345 = arith.addi %mul3A_1343, %add3A_1344 : i32
        %get3A_1346 = arith.index_cast %add3A_1345 : i32 to index
        %get3A_1347 = tpu.vector_load %arg9[%get3A_1346] {strides = array<i32>} : memref<4096xi32, #tpu.memory_space<vmem>>, vector<16xi32>,
        %add3A_1348 = arith.addi %add3A_1341, %get3A_1347 : vector<16xi32>
        %reduce_sum3A_1349 = arith.constant true
        %reduce_sum3A_1350 = vector.broadcast %reduce_sum3A_1349 : i1 to vector<16xi1>
        %reduce_sum3A_1351 = tpu.scan <sum>, %add3A_1348 masked %reduce_sum3A_1350 : vector<16xi32>, vector<16xi1> -> vector<16xi32>
        %reduce_sum3A_1352 = vector.extract %reduce_sum3A_1351[15] : i32 from vector<16xi32>
        %add3A_1353 = arith.addi %scan3A_1235, %reduce_sum3A_1352 : i32
        %ge3A_1354 = arith.cmpi sge, %add3A_1353, %sub3A_531 : i32
        %lt3A_1355 = arith.constant 0 : i32
        %lt3A_1356 = arith.cmpi slt, %scan3A_1236, %lt3A_1355 : i32
        %and3A = arith.andi %ge3A_1354, %lt3A_1356 : i1
        %select_n3A_1357 = arith.select %and3A, %sub3A_1239, %scan3A_1236 : i32
        %select_n3A_1358 = arith.select %and3A, %scan3A_1235, %scan3A_1237 : i32
        %add3A_1359 = arith.addi %scan3A_1235, %reduce_sum3A_1352 : i32
        scf.yield %add3A_1359, %select_n3A_1357, %select_n3A_1358 : i32, i32, i32
      }
      %scan3A_546 = arith.constant 16 : i32
      %mul3A_547 = arith.constant 256 : i32
      %mul3A_548 = arith.muli %scan3A_545#1, %mul3A_547 : i32
      %add3A_549 = arith.constant 0 : i32
      %add3A_550 = arith.addi %mul3A_548, %add3A_549 : i32
      %get3A_551 = arith.index_cast %add3A_550 : i32 to index
      %get3A_552 = tpu.vector_load %arg9[%get3A_551] {strides = array<i32>} : memref<4096xi32, #tpu.memory_space<vmem>>, vector<16xi32>,
      %reduce_sum3A_553 = arith.constant true
      %reduce_sum3A_554 = vector.broadcast %reduce_sum3A_553 : i1 to vector<16xi1>
      %reduce_sum3A_555 = tpu.scan <sum>, %get3A_552 masked %reduce_sum3A_554 : vector<16xi32>, vector<16xi1> -> vector<16xi32>
      %reduce_sum3A_556 = vector.extract %reduce_sum3A_555[15] : i32 from vector<16xi32>
      %mul3A_557 = arith.constant 256 : i32
      %mul3A_558 = arith.muli %scan3A_545#1, %mul3A_557 : i32
      %add3A_559 = arith.constant 16 : i32
      %add3A_560 = arith.addi %mul3A_558, %add3A_559 : i32
      %get3A_561 = arith.index_cast %add3A_560 : i32 to index
      %get3A_562 = tpu.vector_load %arg9[%get3A_561] {strides = array<i32>} : memref<4096xi32, #tpu.memory_space<vmem>>, vector<16xi32>,
      %reduce_sum3A_563 = arith.constant true
      %reduce_sum3A_564 = vector.broadcast %reduce_sum3A_563 : i1 to vector<16xi1>
      %reduce_sum3A_565 = tpu.scan <sum>, %get3A_562 masked %reduce_sum3A_564 : vector<16xi32>, vector<16xi1> -> vector<16xi32>
      %reduce_sum3A_566 = vector.extract %reduce_sum3A_565[15] : i32 from vector<16xi32>
      %mul3A_567 = arith.constant 256 : i32
      %mul3A_568 = arith.muli %scan3A_545#1, %mul3A_567 : i32
      %add3A_569 = arith.constant 32 : i32
      %add3A_570 = arith.addi %mul3A_568, %add3A_569 : i32
      %get3A_571 = arith.index_cast %add3A_570 : i32 to index
      %get3A_572 = tpu.vector_load %arg9[%get3A_571] {strides = array<i32>} : memref<4096xi32, #tpu.memory_space<vmem>>, vector<16xi32>,
      %reduce_sum3A_573 = arith.constant true
      %reduce_sum3A_574 = vector.broadcast %reduce_sum3A_573 : i1 to vector<16xi1>
      %reduce_sum3A_575 = tpu.scan <sum>, %get3A_572 masked %reduce_sum3A_574 : vector<16xi32>, vector<16xi1> -> vector<16xi32>
      %reduce_sum3A_576 = vector.extract %reduce_sum3A_575[15] : i32 from vector<16xi32>
      %mul3A_577 = arith.constant 256 : i32
      %mul3A_578 = arith.muli %scan3A_545#1, %mul3A_577 : i32
      %add3A_579 = arith.constant 48 : i32
      %add3A_580 = arith.addi %mul3A_578, %add3A_579 : i32
      %get3A_581 = arith.index_cast %add3A_580 : i32 to index
      %get3A_582 = tpu.vector_load %arg9[%get3A_581] {strides = array<i32>} : memref<4096xi32, #tpu.memory_space<vmem>>, vector<16xi32>,
      %reduce_sum3A_583 = arith.constant true
      %reduce_sum3A_584 = vector.broadcast %reduce_sum3A_583 : i1 to vector<16xi1>
      %reduce_sum3A_585 = tpu.scan <sum>, %get3A_582 masked %reduce_sum3A_584 : vector<16xi32>, vector<16xi1> -> vector<16xi32>
      %reduce_sum3A_586 = vector.extract %reduce_sum3A_585[15] : i32 from vector<16xi32>
      %mul3A_587 = arith.constant 256 : i32
      %mul3A_588 = arith.muli %scan3A_545#1, %mul3A_587 : i32
      %add3A_589 = arith.constant 64 : i32
      %add3A_590 = arith.addi %mul3A_588, %add3A_589 : i32
      %get3A_591 = arith.index_cast %add3A_590 : i32 to index
      %get3A_592 = tpu.vector_load %arg9[%get3A_591] {strides = array<i32>} : memref<4096xi32, #tpu.memory_space<vmem>>, vector<16xi32>,
      %reduce_sum3A_593 = arith.constant true
      %reduce_sum3A_594 = vector.broadcast %reduce_sum3A_593 : i1 to vector<16xi1>
      %reduce_sum3A_595 = tpu.scan <sum>, %get3A_592 masked %reduce_sum3A_594 : vector<16xi32>, vector<16xi1> -> vector<16xi32>
      %reduce_sum3A_596 = vector.extract %reduce_sum3A_595[15] : i32 from vector<16xi32>
      %mul3A_597 = arith.constant 256 : i32
      %mul3A_598 = arith.muli %scan3A_545#1, %mul3A_597 : i32
      %add3A_599 = arith.constant 80 : i32
      %add3A_600 = arith.addi %mul3A_598, %add3A_599 : i32
      %get3A_601 = arith.index_cast %add3A_600 : i32 to index
      %get3A_602 = tpu.vector_load %arg9[%get3A_601] {strides = array<i32>} : memref<4096xi32, #tpu.memory_space<vmem>>, vector<16xi32>,
      %reduce_sum3A_603 = arith.constant true
      %reduce_sum3A_604 = vector.broadcast %reduce_sum3A_603 : i1 to vector<16xi1>
      %reduce_sum3A_605 = tpu.scan <sum>, %get3A_602 masked %reduce_sum3A_604 : vector<16xi32>, vector<16xi1> -> vector<16xi32>
      %reduce_sum3A_606 = vector.extract %reduce_sum3A_605[15] : i32 from vector<16xi32>
      %mul3A_607 = arith.constant 256 : i32
      %mul3A_608 = arith.muli %scan3A_545#1, %mul3A_607 : i32
      %add3A_609 = arith.constant 96 : i32
      %add3A_610 = arith.addi %mul3A_608, %add3A_609 : i32
      %get3A_611 = arith.index_cast %add3A_610 : i32 to index
      %get3A_612 = tpu.vector_load %arg9[%get3A_611] {strides = array<i32>} : memref<4096xi32, #tpu.memory_space<vmem>>, vector<16xi32>,
      %reduce_sum3A_613 = arith.constant true
      %reduce_sum3A_614 = vector.broadcast %reduce_sum3A_613 : i1 to vector<16xi1>
      %reduce_sum3A_615 = tpu.scan <sum>, %get3A_612 masked %reduce_sum3A_614 : vector<16xi32>, vector<16xi1> -> vector<16xi32>
      %reduce_sum3A_616 = vector.extract %reduce_sum3A_615[15] : i32 from vector<16xi32>
      %mul3A_617 = arith.constant 256 : i32
      %mul3A_618 = arith.muli %scan3A_545#1, %mul3A_617 : i32
      %add3A_619 = arith.constant 112 : i32
      %add3A_620 = arith.addi %mul3A_618, %add3A_619 : i32
      %get3A_621 = arith.index_cast %add3A_620 : i32 to index
      %get3A_622 = tpu.vector_load %arg9[%get3A_621] {strides = array<i32>} : memref<4096xi32, #tpu.memory_space<vmem>>, vector<16xi32>,
      %reduce_sum3A_623 = arith.constant true
      %reduce_sum3A_624 = vector.broadcast %reduce_sum3A_623 : i1 to vector<16xi1>
      %reduce_sum3A_625 = tpu.scan <sum>, %get3A_622 masked %reduce_sum3A_624 : vector<16xi32>, vector<16xi1> -> vector<16xi32>
      %reduce_sum3A_626 = vector.extract %reduce_sum3A_625[15] : i32 from vector<16xi32>
      %mul3A_627 = arith.constant 256 : i32
      %mul3A_628 = arith.muli %scan3A_545#1, %mul3A_627 : i32
      %add3A_629 = arith.constant 128 : i32
      %add3A_630 = arith.addi %mul3A_628, %add3A_629 : i32
      %get3A_631 = arith.index_cast %add3A_630 : i32 to index
      %get3A_632 = tpu.vector_load %arg9[%get3A_631] {strides = array<i32>} : memref<4096xi32, #tpu.memory_space<vmem>>, vector<16xi32>,
      %reduce_sum3A_633 = arith.constant true
      %reduce_sum3A_634 = vector.broadcast %reduce_sum3A_633 : i1 to vector<16xi1>
      %reduce_sum3A_635 = tpu.scan <sum>, %get3A_632 masked %reduce_sum3A_634 : vector<16xi32>, vector<16xi1> -> vector<16xi32>
      %reduce_sum3A_636 = vector.extract %reduce_sum3A_635[15] : i32 from vector<16xi32>
      %mul3A_637 = arith.constant 256 : i32
      %mul3A_638 = arith.muli %scan3A_545#1, %mul3A_637 : i32
      %add3A_639 = arith.constant 144 : i32
      %add3A_640 = arith.addi %mul3A_638, %add3A_639 : i32
      %get3A_641 = arith.index_cast %add3A_640 : i32 to index
      %get3A_642 = tpu.vector_load %arg9[%get3A_641] {strides = array<i32>} : memref<4096xi32, #tpu.memory_space<vmem>>, vector<16xi32>,
      %reduce_sum3A_643 = arith.constant true
      %reduce_sum3A_644 = vector.broadcast %reduce_sum3A_643 : i1 to vector<16xi1>
      %reduce_sum3A_645 = tpu.scan <sum>, %get3A_642 masked %reduce_sum3A_644 : vector<16xi32>, vector<16xi1> -> vector<16xi32>
      %reduce_sum3A_646 = vector.extract %reduce_sum3A_645[15] : i32 from vector<16xi32>
      %mul3A_647 = arith.constant 256 : i32
      %mul3A_648 = arith.muli %scan3A_545#1, %mul3A_647 : i32
      %add3A_649 = arith.constant 160 : i32
      %add3A_650 = arith.addi %mul3A_648, %add3A_649 : i32
      %get3A_651 = arith.index_cast %add3A_650 : i32 to index
      %get3A_652 = tpu.vector_load %arg9[%get3A_651] {strides = array<i32>} : memref<4096xi32, #tpu.memory_space<vmem>>, vector<16xi32>,
      %reduce_sum3A_653 = arith.constant true
      %reduce_sum3A_654 = vector.broadcast %reduce_sum3A_653 : i1 to vector<16xi1>
      %reduce_sum3A_655 = tpu.scan <sum>, %get3A_652 masked %reduce_sum3A_654 : vector<16xi32>, vector<16xi1> -> vector<16xi32>
      %reduce_sum3A_656 = vector.extract %reduce_sum3A_655[15] : i32 from vector<16xi32>
      %mul3A_657 = arith.constant 256 : i32
      %mul3A_658 = arith.muli %scan3A_545#1, %mul3A_657 : i32
      %add3A_659 = arith.constant 176 : i32
      %add3A_660 = arith.addi %mul3A_658, %add3A_659 : i32
      %get3A_661 = arith.index_cast %add3A_660 : i32 to index
      %get3A_662 = tpu.vector_load %arg9[%get3A_661] {strides = array<i32>} : memref<4096xi32, #tpu.memory_space<vmem>>, vector<16xi32>,
      %reduce_sum3A_663 = arith.constant true
      %reduce_sum3A_664 = vector.broadcast %reduce_sum3A_663 : i1 to vector<16xi1>
      %reduce_sum3A_665 = tpu.scan <sum>, %get3A_662 masked %reduce_sum3A_664 : vector<16xi32>, vector<16xi1> -> vector<16xi32>
      %reduce_sum3A_666 = vector.extract %reduce_sum3A_665[15] : i32 from vector<16xi32>
      %mul3A_667 = arith.constant 256 : i32
      %mul3A_668 = arith.muli %scan3A_545#1, %mul3A_667 : i32
      %add3A_669 = arith.constant 192 : i32
      %add3A_670 = arith.addi %mul3A_668, %add3A_669 : i32
      %get3A_671 = arith.index_cast %add3A_670 : i32 to index
      %get3A_672 = tpu.vector_load %arg9[%get3A_671] {strides = array<i32>} : memref<4096xi32, #tpu.memory_space<vmem>>, vector<16xi32>,
      %reduce_sum3A_673 = arith.constant true
      %reduce_sum3A_674 = vector.broadcast %reduce_sum3A_673 : i1 to vector<16xi1>
      %reduce_sum3A_675 = tpu.scan <sum>, %get3A_672 masked %reduce_sum3A_674 : vector<16xi32>, vector<16xi1> -> vector<16xi32>
      %reduce_sum3A_676 = vector.extract %reduce_sum3A_675[15] : i32 from vector<16xi32>
      %mul3A_677 = arith.constant 256 : i32
      %mul3A_678 = arith.muli %scan3A_545#1, %mul3A_677 : i32
      %add3A_679 = arith.constant 208 : i32
      %add3A_680 = arith.addi %mul3A_678, %add3A_679 : i32
      %get3A_681 = arith.index_cast %add3A_680 : i32 to index
      %get3A_682 = tpu.vector_load %arg9[%get3A_681] {strides = array<i32>} : memref<4096xi32, #tpu.memory_space<vmem>>, vector<16xi32>,
      %reduce_sum3A_683 = arith.constant true
      %reduce_sum3A_684 = vector.broadcast %reduce_sum3A_683 : i1 to vector<16xi1>
      %reduce_sum3A_685 = tpu.scan <sum>, %get3A_682 masked %reduce_sum3A_684 : vector<16xi32>, vector<16xi1> -> vector<16xi32>
      %reduce_sum3A_686 = vector.extract %reduce_sum3A_685[15] : i32 from vector<16xi32>
      %mul3A_687 = arith.constant 256 : i32
      %mul3A_688 = arith.muli %scan3A_545#1, %mul3A_687 : i32
      %add3A_689 = arith.constant 224 : i32
      %add3A_690 = arith.addi %mul3A_688, %add3A_689 : i32
      %get3A_691 = arith.index_cast %add3A_690 : i32 to index
      %get3A_692 = tpu.vector_load %arg9[%get3A_691] {strides = array<i32>} : memref<4096xi32, #tpu.memory_space<vmem>>, vector<16xi32>,
      %reduce_sum3A_693 = arith.constant true
      %reduce_sum3A_694 = vector.broadcast %reduce_sum3A_693 : i1 to vector<16xi1>
      %reduce_sum3A_695 = tpu.scan <sum>, %get3A_692 masked %reduce_sum3A_694 : vector<16xi32>, vector<16xi1> -> vector<16xi32>
      %reduce_sum3A_696 = vector.extract %reduce_sum3A_695[15] : i32 from vector<16xi32>
      %mul3A_697 = arith.constant 256 : i32
      %mul3A_698 = arith.muli %scan3A_545#1, %mul3A_697 : i32
      %add3A_699 = arith.constant 240 : i32
      %add3A_700 = arith.addi %mul3A_698, %add3A_699 : i32
      %get3A_701 = arith.index_cast %add3A_700 : i32 to index
      %get3A_702 = tpu.vector_load %arg9[%get3A_701] {strides = array<i32>} : memref<4096xi32, #tpu.memory_space<vmem>>, vector<16xi32>,
      %reduce_sum3A_703 = arith.constant true
      %reduce_sum3A_704 = vector.broadcast %reduce_sum3A_703 : i1 to vector<16xi1>
      %reduce_sum3A_705 = tpu.scan <sum>, %get3A_702 masked %reduce_sum3A_704 : vector<16xi32>, vector<16xi1> -> vector<16xi32>
      %reduce_sum3A_706 = vector.extract %reduce_sum3A_705[15] : i32 from vector<16xi32>
      %add3A_707 = arith.constant 0 : i32
      %add3A_708 = arith.addi %add3A_707, %reduce_sum3A_706 : i32
      %add3A_709 = arith.addi %add3A_708, %reduce_sum3A_696 : i32
      %add3A_710 = arith.addi %add3A_709, %reduce_sum3A_686 : i32
      %add3A_711 = arith.addi %add3A_710, %reduce_sum3A_676 : i32
      %add3A_712 = arith.addi %add3A_711, %reduce_sum3A_666 : i32
      %add3A_713 = arith.addi %add3A_712, %reduce_sum3A_656 : i32
      %add3A_714 = arith.addi %add3A_713, %reduce_sum3A_646 : i32
      %add3A_715 = arith.addi %add3A_714, %reduce_sum3A_636 : i32
      %add3A_716 = arith.addi %add3A_715, %reduce_sum3A_626 : i32
      %add3A_717 = arith.addi %add3A_716, %reduce_sum3A_616 : i32
      %add3A_718 = arith.addi %add3A_717, %reduce_sum3A_606 : i32
      %add3A_719 = arith.addi %add3A_718, %reduce_sum3A_596 : i32
      %add3A_720 = arith.addi %add3A_719, %reduce_sum3A_586 : i32
      %add3A_721 = arith.addi %add3A_720, %reduce_sum3A_576 : i32
      %add3A_722 = arith.addi %add3A_721, %reduce_sum3A_566 : i32
      %add3A_723 = arith.addi %add3A_722, %reduce_sum3A_556 : i32
      %add3A_724 = arith.addi %scan3A_545#2, %add3A_723 : i32
      %ge3A_725 = arith.cmpi sge, %add3A_724, %sub3A_531 : i32
      %convert_element_type3A_726 = arith.extui %ge3A_725 : i1 to i32
      %add3A_727 = arith.addi %scan3A_545#2, %add3A_722 : i32
      %ge3A_728 = arith.cmpi sge, %add3A_727, %sub3A_531 : i32
      %convert_element_type3A_729 = arith.extui %ge3A_728 : i1 to i32
      %add3A_730 = arith.addi %scan3A_545#2, %add3A_721 : i32
      %ge3A_731 = arith.cmpi sge, %add3A_730, %sub3A_531 : i32
      %convert_element_type3A_732 = arith.extui %ge3A_731 : i1 to i32
      %add3A_733 = arith.addi %scan3A_545#2, %add3A_720 : i32
      %ge3A_734 = arith.cmpi sge, %add3A_733, %sub3A_531 : i32
      %convert_element_type3A_735 = arith.extui %ge3A_734 : i1 to i32
      %add3A_736 = arith.addi %scan3A_545#2, %add3A_719 : i32
      %ge3A_737 = arith.cmpi sge, %add3A_736, %sub3A_531 : i32
      %convert_element_type3A_738 = arith.extui %ge3A_737 : i1 to i32
      %add3A_739 = arith.addi %scan3A_545#2, %add3A_718 : i32
      %ge3A_740 = arith.cmpi sge, %add3A_739, %sub3A_531 : i32
      %convert_element_type3A_741 = arith.extui %ge3A_740 : i1 to i32
      %add3A_742 = arith.addi %scan3A_545#2, %add3A_717 : i32
      %ge3A_743 = arith.cmpi sge, %add3A_742, %sub3A_531 : i32
      %convert_element_type3A_744 = arith.extui %ge3A_743 : i1 to i32
      %add3A_745 = arith.addi %scan3A_545#2, %add3A_716 : i32
      %ge3A_746 = arith.cmpi sge, %add3A_745, %sub3A_531 : i32
      %convert_element_type3A_747 = arith.extui %ge3A_746 : i1 to i32
      %add3A_748 = arith.addi %scan3A_545#2, %add3A_715 : i32
      %ge3A_749 = arith.cmpi sge, %add3A_748, %sub3A_531 : i32
      %convert_element_type3A_750 = arith.extui %ge3A_749 : i1 to i32
      %add3A_751 = arith.addi %scan3A_545#2, %add3A_714 : i32
      %ge3A_752 = arith.cmpi sge, %add3A_751, %sub3A_531 : i32
      %convert_element_type3A_753 = arith.extui %ge3A_752 : i1 to i32
      %add3A_754 = arith.addi %scan3A_545#2, %add3A_713 : i32
      %ge3A_755 = arith.cmpi sge, %add3A_754, %sub3A_531 : i32
      %convert_element_type3A_756 = arith.extui %ge3A_755 : i1 to i32
      %add3A_757 = arith.addi %scan3A_545#2, %add3A_712 : i32
      %ge3A_758 = arith.cmpi sge, %add3A_757, %sub3A_531 : i32
      %convert_element_type3A_759 = arith.extui %ge3A_758 : i1 to i32
      %add3A_760 = arith.addi %scan3A_545#2, %add3A_711 : i32
      %ge3A_761 = arith.cmpi sge, %add3A_760, %sub3A_531 : i32
      %convert_element_type3A_762 = arith.extui %ge3A_761 : i1 to i32
      %add3A_763 = arith.addi %scan3A_545#2, %add3A_710 : i32
      %ge3A_764 = arith.cmpi sge, %add3A_763, %sub3A_531 : i32
      %convert_element_type3A_765 = arith.extui %ge3A_764 : i1 to i32
      %add3A_766 = arith.addi %scan3A_545#2, %add3A_709 : i32
      %ge3A_767 = arith.cmpi sge, %add3A_766, %sub3A_531 : i32
      %convert_element_type3A_768 = arith.extui %ge3A_767 : i1 to i32
      %add3A_769 = arith.addi %scan3A_545#2, %add3A_708 : i32
      %ge3A_770 = arith.cmpi sge, %add3A_769, %sub3A_531 : i32
      %convert_element_type3A_771 = arith.extui %ge3A_770 : i1 to i32
      %add3A_772 = arith.constant 0 : i32
      %add3A_773 = arith.addi %add3A_772, %convert_element_type3A_726 : i32
      %add3A_774 = arith.addi %add3A_773, %convert_element_type3A_729 : i32
      %add3A_775 = arith.addi %add3A_774, %convert_element_type3A_732 : i32
      %add3A_776 = arith.addi %add3A_775, %convert_element_type3A_735 : i32
      %add3A_777 = arith.addi %add3A_776, %convert_element_type3A_738 : i32
      %add3A_778 = arith.addi %add3A_777, %convert_element_type3A_741 : i32
      %add3A_779 = arith.addi %add3A_778, %convert_element_type3A_744 : i32
      %add3A_780 = arith.addi %add3A_779, %convert_element_type3A_747 : i32
      %add3A_781 = arith.addi %add3A_780, %convert_element_type3A_750 : i32
      %add3A_782 = arith.addi %add3A_781, %convert_element_type3A_753 : i32
      %add3A_783 = arith.addi %add3A_782, %convert_element_type3A_756 : i32
      %add3A_784 = arith.addi %add3A_783, %convert_element_type3A_759 : i32
      %add3A_785 = arith.addi %add3A_784, %convert_element_type3A_762 : i32
      %add3A_786 = arith.addi %add3A_785, %convert_element_type3A_765 : i32
      %add3A_787 = arith.addi %add3A_786, %convert_element_type3A_768 : i32
      %add3A_788 = arith.addi %add3A_787, %convert_element_type3A_771 : i32
      %sub3A_789 = arith.constant 1 : i32
      %sub3A_790 = arith.subi %add3A_788, %sub3A_789 : i32
      %lt3A_791 = arith.constant 0 : i32
      %lt3A_792 = arith.cmpi slt, %sub3A_790, %lt3A_791 : i32
      %jit3A_793 = arith.constant 0 : i32
      %select_n3A_794 = arith.select %lt3A_792, %reduce_sum3A_556, %jit3A_793 : i32
      %add3A_795 = arith.constant 0 : i32
      %add3A_796 = arith.addi %add3A_795, %select_n3A_794 : i32
      %lt3A_797 = arith.constant 1 : i32
      %lt3A_798 = arith.cmpi slt, %sub3A_790, %lt3A_797 : i32
      %jit3A_799 = arith.constant 0 : i32
      %select_n3A_800 = arith.select %lt3A_798, %reduce_sum3A_566, %jit3A_799 : i32
      %add3A_801 = arith.addi %add3A_796, %select_n3A_800 : i32
      %lt3A_802 = arith.constant 2 : i32
      %lt3A_803 = arith.cmpi slt, %sub3A_790, %lt3A_802 : i32
      %jit3A_804 = arith.constant 0 : i32
      %select_n3A_805 = arith.select %lt3A_803, %reduce_sum3A_576, %jit3A_804 : i32
      %add3A_806 = arith.addi %add3A_801, %select_n3A_805 : i32
      %lt3A_807 = arith.constant 3 : i32
      %lt3A_808 = arith.cmpi slt, %sub3A_790, %lt3A_807 : i32
      %jit3A_809 = arith.constant 0 : i32
      %select_n3A_810 = arith.select %lt3A_808, %reduce_sum3A_586, %jit3A_809 : i32
      %add3A_811 = arith.addi %add3A_806, %select_n3A_810 : i32
      %lt3A_812 = arith.constant 4 : i32
      %lt3A_813 = arith.cmpi slt, %sub3A_790, %lt3A_812 : i32
      %jit3A_814 = arith.constant 0 : i32
      %select_n3A_815 = arith.select %lt3A_813, %reduce_sum3A_596, %jit3A_814 : i32
      %add3A_816 = arith.addi %add3A_811, %select_n3A_815 : i32
      %lt3A_817 = arith.constant 5 : i32
      %lt3A_818 = arith.cmpi slt, %sub3A_790, %lt3A_817 : i32
      %jit3A_819 = arith.constant 0 : i32
      %select_n3A_820 = arith.select %lt3A_818, %reduce_sum3A_606, %jit3A_819 : i32
      %add3A_821 = arith.addi %add3A_816, %select_n3A_820 : i32
      %lt3A_822 = arith.constant 6 : i32
      %lt3A_823 = arith.cmpi slt, %sub3A_790, %lt3A_822 : i32
      %jit3A_824 = arith.constant 0 : i32
      %select_n3A_825 = arith.select %lt3A_823, %reduce_sum3A_616, %jit3A_824 : i32
      %add3A_826 = arith.addi %add3A_821, %select_n3A_825 : i32
      %lt3A_827 = arith.constant 7 : i32
      %lt3A_828 = arith.cmpi slt, %sub3A_790, %lt3A_827 : i32
      %jit3A_829 = arith.constant 0 : i32
      %select_n3A_830 = arith.select %lt3A_828, %reduce_sum3A_626, %jit3A_829 : i32
      %add3A_831 = arith.addi %add3A_826, %select_n3A_830 : i32
      %lt3A_832 = arith.constant 8 : i32
      %lt3A_833 = arith.cmpi slt, %sub3A_790, %lt3A_832 : i32
      %jit3A_834 = arith.constant 0 : i32
      %select_n3A_835 = arith.select %lt3A_833, %reduce_sum3A_636, %jit3A_834 : i32
      %add3A_836 = arith.addi %add3A_831, %select_n3A_835 : i32
      %lt3A_837 = arith.constant 9 : i32
      %lt3A_838 = arith.cmpi slt, %sub3A_790, %lt3A_837 : i32
      %jit3A_839 = arith.constant 0 : i32
      %select_n3A_840 = arith.select %lt3A_838, %reduce_sum3A_646, %jit3A_839 : i32
      %add3A_841 = arith.addi %add3A_836, %select_n3A_840 : i32
      %lt3A_842 = arith.constant 10 : i32
      %lt3A_843 = arith.cmpi slt, %sub3A_790, %lt3A_842 : i32
      %jit3A_844 = arith.constant 0 : i32
      %select_n3A_845 = arith.select %lt3A_843, %reduce_sum3A_656, %jit3A_844 : i32
      %add3A_846 = arith.addi %add3A_841, %select_n3A_845 : i32
      %lt3A_847 = arith.constant 11 : i32
      %lt3A_848 = arith.cmpi slt, %sub3A_790, %lt3A_847 : i32
      %jit3A_849 = arith.constant 0 : i32
      %select_n3A_850 = arith.select %lt3A_848, %reduce_sum3A_666, %jit3A_849 : i32
      %add3A_851 = arith.addi %add3A_846, %select_n3A_850 : i32
      %lt3A_852 = arith.constant 12 : i32
      %lt3A_853 = arith.cmpi slt, %sub3A_790, %lt3A_852 : i32
      %jit3A_854 = arith.constant 0 : i32
      %select_n3A_855 = arith.select %lt3A_853, %reduce_sum3A_676, %jit3A_854 : i32
      %add3A_856 = arith.addi %add3A_851, %select_n3A_855 : i32
      %lt3A_857 = arith.constant 13 : i32
      %lt3A_858 = arith.cmpi slt, %sub3A_790, %lt3A_857 : i32
      %jit3A_859 = arith.constant 0 : i32
      %select_n3A_860 = arith.select %lt3A_858, %reduce_sum3A_686, %jit3A_859 : i32
      %add3A_861 = arith.addi %add3A_856, %select_n3A_860 : i32
      %lt3A_862 = arith.constant 14 : i32
      %lt3A_863 = arith.cmpi slt, %sub3A_790, %lt3A_862 : i32
      %jit3A_864 = arith.constant 0 : i32
      %select_n3A_865 = arith.select %lt3A_863, %reduce_sum3A_696, %jit3A_864 : i32
      %add3A_866 = arith.addi %add3A_861, %select_n3A_865 : i32
      %lt3A_867 = arith.constant 15 : i32
      %lt3A_868 = arith.cmpi slt, %sub3A_790, %lt3A_867 : i32
      %jit3A_869 = arith.constant 0 : i32
      %select_n3A_870 = arith.select %lt3A_868, %reduce_sum3A_706, %jit3A_869 : i32
      %add3A_871 = arith.addi %add3A_866, %select_n3A_870 : i32
      %add3A_872 = arith.addi %scan3A_545#2, %add3A_871 : i32
      %mul3A_873 = arith.constant 16 : i32
      %mul3A_874 = arith.muli %scan3A_545#1, %mul3A_873 : i32
      %add3A_875 = arith.addi %mul3A_874, %sub3A_790 : i32
      %shift_left3A_876 = arith.constant 8 : i32
      %shift_left3A_877 = arith.shli %or3A, %shift_left3A_876 : i32
      %or3A_878 = arith.ori %shift_left3A_877, %add3A_875 : i32
      %sub3A_879 = arith.subi %sub3A_531, %add3A_872 : i32
      %parallel_loop3A_880 = arith.constant 0 : i32
      %parallel_loop3A_881 = arith.constant 256 : i32
      %parallel_loop3A_882 = arith.constant 1 : i32
      scf.for %parallel_loop3A_1234 = %parallel_loop3A_880 to %parallel_loop3A_881 step %parallel_loop3A_882  : i32 {
        %parallel_loop3A_1235 = arith.constant 16 : i32
        %parallel_loop3A_1236 = arith.muli %parallel_loop3A_1234, %parallel_loop3A_1235 : i32
        %parallel_loop3A_1237 = arith.index_cast %parallel_loop3A_1236 : i32 to index
        %parallel_loop3A_1238 = tpu.vector_load %arg9[%parallel_loop3A_1237] {strides = array<i32>} : memref<4096xi32, #tpu.memory_space<vmem>>, vector<16xi32>,
        tpu.vector_store %arg9[%parallel_loop3A_1237], %broadcast_in_dim3A_82 {strides = array<i32>} : memref<4096xi32, #tpu.memory_space<vmem>>, vector<16xi32>,
      } {sc.loop_unroll_factor = 8 : i64, sc.parallel_access}
      %parallel_loop3A_883 = arith.constant 0 : i32
      %parallel_loop3A_884 = arith.constant 2048 : i32
      %parallel_loop3A_885 = arith.constant 1 : i32
      scf.for %parallel_loop3A_1234 = %parallel_loop3A_883 to %parallel_loop3A_884 step %parallel_loop3A_885  : i32 {
        %parallel_loop3A_1235 = arith.constant 16 : i32
        %parallel_loop3A_1236 = arith.muli %parallel_loop3A_1234, %parallel_loop3A_1235 : i32
        %parallel_loop3A_1237 = arith.index_cast %parallel_loop3A_1236 : i32 to index
        %parallel_loop3A_1238 = tpu.vector_load %arg8[%parallel_loop3A_1237] {strides = array<i32>} : memref<32768xi32, #tpu.memory_space<vmem>>, vector<16xi32>,
        %parallel_loop3A_1239 = arith.constant 8 : i32
        %parallel_loop3A_1240 = vector.broadcast %parallel_loop3A_1239 : i32 to vector<16xi32>
        %parallel_loop3A_1241 = arith.shrui %parallel_loop3A_1238, %parallel_loop3A_1240 : vector<16xi32>
        %parallel_loop3A_1242 = arith.constant 255 : i32
        %parallel_loop3A_1243 = vector.broadcast %parallel_loop3A_1242 : i32 to vector<16xi32>
        %parallel_loop3A_1244 = arith.andi %parallel_loop3A_1241, %parallel_loop3A_1243 : vector<16xi32>
        %parallel_loop3A_1245 = arith.constant 4 : i32
        %parallel_loop3A_1246 = vector.broadcast %parallel_loop3A_1245 : i32 to vector<16xi32>
        %parallel_loop3A_1247 = arith.shli %parallel_loop3A_1244, %parallel_loop3A_1246 : vector<16xi32>
        %parallel_loop3A_1248 = arith.addi %parallel_loop3A_1247, %iota3A : vector<16xi32>
        %parallel_loop3A_1249 = arith.constant 16 : i32
        %parallel_loop3A_1250 = vector.broadcast %parallel_loop3A_1249 : i32 to vector<16xi32>
        %parallel_loop3A_1251 = arith.shrui %parallel_loop3A_1238, %parallel_loop3A_1250 : vector<16xi32>
        %parallel_loop3A_1252 = vector.broadcast %or3A_878 : i32 to vector<16xi32>
        %parallel_loop3A_1253 = arith.cmpi eq, %parallel_loop3A_1251, %parallel_loop3A_1252 : vector<16xi32>
        tpu.vector_store_idx %arg9[%parallel_loop3A_1248], %broadcast_in_dim3A_80 masked %parallel_loop3A_1253 {add = true} : memref<4096xi32, #tpu.memory_space<vmem>>[vector<16xi32>], vector<16xi32>, vector<16xi1>
      } {sc.loop_unroll_factor = 8 : i64, sc.parallel_access}
      %scan3A_886 = arith.constant 0 : i32
      %scan3A_887 = arith.constant -1 : i32
      %scan3A_888 = arith.constant 0 : i32
      %scan3A_889 = arith.constant 0 : i32
      %scan3A_890 = arith.constant 16 : i32
      %scan3A_891 = arith.addi %scan3A_889, %scan3A_890 : i32
      %scan3A_892 = arith.constant 1 : i32
      %scan3A_893:3 = scf.for %scan3A_1234 = %scan3A_889 to %scan3A_891 step %scan3A_892 iter_args(%scan3A_1235 = %scan3A_886, %scan3A_1236 = %scan3A_887, %scan3A_1237 = %scan3A_888) -> (i32, i32, i32)  : i32 {
        %sub3A_1238 = arith.constant 15 : i32
        %sub3A_1239 = arith.subi %sub3A_1238, %scan3A_1234 : i32
        %mul3A_1240 = arith.constant 256 : i32
        %mul3A_1241 = arith.muli %sub3A_1239, %mul3A_1240 : i32
        %get3A_1242 = arith.index_cast %mul3A_1241 : i32 to index
        %get3A_1243 = tpu.vector_load %arg9[%get3A_1242] {strides = array<i32>} : memref<4096xi32, #tpu.memory_space<vmem>>, vector<16xi32>,
        %mul3A_1244 = arith.constant 256 : i32
        %mul3A_1245 = arith.muli %sub3A_1239, %mul3A_1244 : i32
        %add3A_1246 = arith.constant 16 : i32
        %add3A_1247 = arith.addi %mul3A_1245, %add3A_1246 : i32
        %get3A_1248 = arith.index_cast %add3A_1247 : i32 to index
        %get3A_1249 = tpu.vector_load %arg9[%get3A_1248] {strides = array<i32>} : memref<4096xi32, #tpu.memory_space<vmem>>, vector<16xi32>,
        %add3A_1250 = arith.addi %get3A_1243, %get3A_1249 : vector<16xi32>
        %mul3A_1251 = arith.constant 256 : i32
        %mul3A_1252 = arith.muli %sub3A_1239, %mul3A_1251 : i32
        %add3A_1253 = arith.constant 32 : i32
        %add3A_1254 = arith.addi %mul3A_1252, %add3A_1253 : i32
        %get3A_1255 = arith.index_cast %add3A_1254 : i32 to index
        %get3A_1256 = tpu.vector_load %arg9[%get3A_1255] {strides = array<i32>} : memref<4096xi32, #tpu.memory_space<vmem>>, vector<16xi32>,
        %add3A_1257 = arith.addi %add3A_1250, %get3A_1256 : vector<16xi32>
        %mul3A_1258 = arith.constant 256 : i32
        %mul3A_1259 = arith.muli %sub3A_1239, %mul3A_1258 : i32
        %add3A_1260 = arith.constant 48 : i32
        %add3A_1261 = arith.addi %mul3A_1259, %add3A_1260 : i32
        %get3A_1262 = arith.index_cast %add3A_1261 : i32 to index
        %get3A_1263 = tpu.vector_load %arg9[%get3A_1262] {strides = array<i32>} : memref<4096xi32, #tpu.memory_space<vmem>>, vector<16xi32>,
        %add3A_1264 = arith.addi %add3A_1257, %get3A_1263 : vector<16xi32>
        %mul3A_1265 = arith.constant 256 : i32
        %mul3A_1266 = arith.muli %sub3A_1239, %mul3A_1265 : i32
        %add3A_1267 = arith.constant 64 : i32
        %add3A_1268 = arith.addi %mul3A_1266, %add3A_1267 : i32
        %get3A_1269 = arith.index_cast %add3A_1268 : i32 to index
        %get3A_1270 = tpu.vector_load %arg9[%get3A_1269] {strides = array<i32>} : memref<4096xi32, #tpu.memory_space<vmem>>, vector<16xi32>,
        %add3A_1271 = arith.addi %add3A_1264, %get3A_1270 : vector<16xi32>
        %mul3A_1272 = arith.constant 256 : i32
        %mul3A_1273 = arith.muli %sub3A_1239, %mul3A_1272 : i32
        %add3A_1274 = arith.constant 80 : i32
        %add3A_1275 = arith.addi %mul3A_1273, %add3A_1274 : i32
        %get3A_1276 = arith.index_cast %add3A_1275 : i32 to index
        %get3A_1277 = tpu.vector_load %arg9[%get3A_1276] {strides = array<i32>} : memref<4096xi32, #tpu.memory_space<vmem>>, vector<16xi32>,
        %add3A_1278 = arith.addi %add3A_1271, %get3A_1277 : vector<16xi32>
        %mul3A_1279 = arith.constant 256 : i32
        %mul3A_1280 = arith.muli %sub3A_1239, %mul3A_1279 : i32
        %add3A_1281 = arith.constant 96 : i32
        %add3A_1282 = arith.addi %mul3A_1280, %add3A_1281 : i32
        %get3A_1283 = arith.index_cast %add3A_1282 : i32 to index
        %get3A_1284 = tpu.vector_load %arg9[%get3A_1283] {strides = array<i32>} : memref<4096xi32, #tpu.memory_space<vmem>>, vector<16xi32>,
        %add3A_1285 = arith.addi %add3A_1278, %get3A_1284 : vector<16xi32>
        %mul3A_1286 = arith.constant 256 : i32
        %mul3A_1287 = arith.muli %sub3A_1239, %mul3A_1286 : i32
        %add3A_1288 = arith.constant 112 : i32
        %add3A_1289 = arith.addi %mul3A_1287, %add3A_1288 : i32
        %get3A_1290 = arith.index_cast %add3A_1289 : i32 to index
        %get3A_1291 = tpu.vector_load %arg9[%get3A_1290] {strides = array<i32>} : memref<4096xi32, #tpu.memory_space<vmem>>, vector<16xi32>,
        %add3A_1292 = arith.addi %add3A_1285, %get3A_1291 : vector<16xi32>
        %mul3A_1293 = arith.constant 256 : i32
        %mul3A_1294 = arith.muli %sub3A_1239, %mul3A_1293 : i32
        %add3A_1295 = arith.constant 128 : i32
        %add3A_1296 = arith.addi %mul3A_1294, %add3A_1295 : i32
        %get3A_1297 = arith.index_cast %add3A_1296 : i32 to index
        %get3A_1298 = tpu.vector_load %arg9[%get3A_1297] {strides = array<i32>} : memref<4096xi32, #tpu.memory_space<vmem>>, vector<16xi32>,
        %add3A_1299 = arith.addi %add3A_1292, %get3A_1298 : vector<16xi32>
        %mul3A_1300 = arith.constant 256 : i32
        %mul3A_1301 = arith.muli %sub3A_1239, %mul3A_1300 : i32
        %add3A_1302 = arith.constant 144 : i32
        %add3A_1303 = arith.addi %mul3A_1301, %add3A_1302 : i32
        %get3A_1304 = arith.index_cast %add3A_1303 : i32 to index
        %get3A_1305 = tpu.vector_load %arg9[%get3A_1304] {strides = array<i32>} : memref<4096xi32, #tpu.memory_space<vmem>>, vector<16xi32>,
        %add3A_1306 = arith.addi %add3A_1299, %get3A_1305 : vector<16xi32>
        %mul3A_1307 = arith.constant 256 : i32
        %mul3A_1308 = arith.muli %sub3A_1239, %mul3A_1307 : i32
        %add3A_1309 = arith.constant 160 : i32
        %add3A_1310 = arith.addi %mul3A_1308, %add3A_1309 : i32
        %get3A_1311 = arith.index_cast %add3A_1310 : i32 to index
        %get3A_1312 = tpu.vector_load %arg9[%get3A_1311] {strides = array<i32>} : memref<4096xi32, #tpu.memory_space<vmem>>, vector<16xi32>,
        %add3A_1313 = arith.addi %add3A_1306, %get3A_1312 : vector<16xi32>
        %mul3A_1314 = arith.constant 256 : i32
        %mul3A_1315 = arith.muli %sub3A_1239, %mul3A_1314 : i32
        %add3A_1316 = arith.constant 176 : i32
        %add3A_1317 = arith.addi %mul3A_1315, %add3A_1316 : i32
        %get3A_1318 = arith.index_cast %add3A_1317 : i32 to index
        %get3A_1319 = tpu.vector_load %arg9[%get3A_1318] {strides = array<i32>} : memref<4096xi32, #tpu.memory_space<vmem>>, vector<16xi32>,
        %add3A_1320 = arith.addi %add3A_1313, %get3A_1319 : vector<16xi32>
        %mul3A_1321 = arith.constant 256 : i32
        %mul3A_1322 = arith.muli %sub3A_1239, %mul3A_1321 : i32
        %add3A_1323 = arith.constant 192 : i32
        %add3A_1324 = arith.addi %mul3A_1322, %add3A_1323 : i32
        %get3A_1325 = arith.index_cast %add3A_1324 : i32 to index
        %get3A_1326 = tpu.vector_load %arg9[%get3A_1325] {strides = array<i32>} : memref<4096xi32, #tpu.memory_space<vmem>>, vector<16xi32>,
        %add3A_1327 = arith.addi %add3A_1320, %get3A_1326 : vector<16xi32>
        %mul3A_1328 = arith.constant 256 : i32
        %mul3A_1329 = arith.muli %sub3A_1239, %mul3A_1328 : i32
        %add3A_1330 = arith.constant 208 : i32
        %add3A_1331 = arith.addi %mul3A_1329, %add3A_1330 : i32
        %get3A_1332 = arith.index_cast %add3A_1331 : i32 to index
        %get3A_1333 = tpu.vector_load %arg9[%get3A_1332] {strides = array<i32>} : memref<4096xi32, #tpu.memory_space<vmem>>, vector<16xi32>,
        %add3A_1334 = arith.addi %add3A_1327, %get3A_1333 : vector<16xi32>
        %mul3A_1335 = arith.constant 256 : i32
        %mul3A_1336 = arith.muli %sub3A_1239, %mul3A_1335 : i32
        %add3A_1337 = arith.constant 224 : i32
        %add3A_1338 = arith.addi %mul3A_1336, %add3A_1337 : i32
        %get3A_1339 = arith.index_cast %add3A_1338 : i32 to index
        %get3A_1340 = tpu.vector_load %arg9[%get3A_1339] {strides = array<i32>} : memref<4096xi32, #tpu.memory_space<vmem>>, vector<16xi32>,
        %add3A_1341 = arith.addi %add3A_1334, %get3A_1340 : vector<16xi32>
        %mul3A_1342 = arith.constant 256 : i32
        %mul3A_1343 = arith.muli %sub3A_1239, %mul3A_1342 : i32
        %add3A_1344 = arith.constant 240 : i32
        %add3A_1345 = arith.addi %mul3A_1343, %add3A_1344 : i32
        %get3A_1346 = arith.index_cast %add3A_1345 : i32 to index
        %get3A_1347 = tpu.vector_load %arg9[%get3A_1346] {strides = array<i32>} : memref<4096xi32, #tpu.memory_space<vmem>>, vector<16xi32>,
        %add3A_1348 = arith.addi %add3A_1341, %get3A_1347 : vector<16xi32>
        %reduce_sum3A_1349 = arith.constant true
        %reduce_sum3A_1350 = vector.broadcast %reduce_sum3A_1349 : i1 to vector<16xi1>
        %reduce_sum3A_1351 = tpu.scan <sum>, %add3A_1348 masked %reduce_sum3A_1350 : vector<16xi32>, vector<16xi1> -> vector<16xi32>
        %reduce_sum3A_1352 = vector.extract %reduce_sum3A_1351[15] : i32 from vector<16xi32>
        %add3A_1353 = arith.addi %scan3A_1235, %reduce_sum3A_1352 : i32
        %ge3A_1354 = arith.cmpi sge, %add3A_1353, %sub3A_879 : i32
        %lt3A_1355 = arith.constant 0 : i32
        %lt3A_1356 = arith.cmpi slt, %scan3A_1236, %lt3A_1355 : i32
        %and3A = arith.andi %ge3A_1354, %lt3A_1356 : i1
        %select_n3A_1357 = arith.select %and3A, %sub3A_1239, %scan3A_1236 : i32
        %select_n3A_1358 = arith.select %and3A, %scan3A_1235, %scan3A_1237 : i32
        %add3A_1359 = arith.addi %scan3A_1235, %reduce_sum3A_1352 : i32
        scf.yield %add3A_1359, %select_n3A_1357, %select_n3A_1358 : i32, i32, i32
      }
      %scan3A_894 = arith.constant 16 : i32
      %mul3A_895 = arith.constant 256 : i32
      %mul3A_896 = arith.muli %scan3A_893#1, %mul3A_895 : i32
      %add3A_897 = arith.constant 0 : i32
      %add3A_898 = arith.addi %mul3A_896, %add3A_897 : i32
      %get3A_899 = arith.index_cast %add3A_898 : i32 to index
      %get3A_900 = tpu.vector_load %arg9[%get3A_899] {strides = array<i32>} : memref<4096xi32, #tpu.memory_space<vmem>>, vector<16xi32>,
      %reduce_sum3A_901 = arith.constant true
      %reduce_sum3A_902 = vector.broadcast %reduce_sum3A_901 : i1 to vector<16xi1>
      %reduce_sum3A_903 = tpu.scan <sum>, %get3A_900 masked %reduce_sum3A_902 : vector<16xi32>, vector<16xi1> -> vector<16xi32>
      %reduce_sum3A_904 = vector.extract %reduce_sum3A_903[15] : i32 from vector<16xi32>
      %mul3A_905 = arith.constant 256 : i32
      %mul3A_906 = arith.muli %scan3A_893#1, %mul3A_905 : i32
      %add3A_907 = arith.constant 16 : i32
      %add3A_908 = arith.addi %mul3A_906, %add3A_907 : i32
      %get3A_909 = arith.index_cast %add3A_908 : i32 to index
      %get3A_910 = tpu.vector_load %arg9[%get3A_909] {strides = array<i32>} : memref<4096xi32, #tpu.memory_space<vmem>>, vector<16xi32>,
      %reduce_sum3A_911 = arith.constant true
      %reduce_sum3A_912 = vector.broadcast %reduce_sum3A_911 : i1 to vector<16xi1>
      %reduce_sum3A_913 = tpu.scan <sum>, %get3A_910 masked %reduce_sum3A_912 : vector<16xi32>, vector<16xi1> -> vector<16xi32>
      %reduce_sum3A_914 = vector.extract %reduce_sum3A_913[15] : i32 from vector<16xi32>
      %mul3A_915 = arith.constant 256 : i32
      %mul3A_916 = arith.muli %scan3A_893#1, %mul3A_915 : i32
      %add3A_917 = arith.constant 32 : i32
      %add3A_918 = arith.addi %mul3A_916, %add3A_917 : i32
      %get3A_919 = arith.index_cast %add3A_918 : i32 to index
      %get3A_920 = tpu.vector_load %arg9[%get3A_919] {strides = array<i32>} : memref<4096xi32, #tpu.memory_space<vmem>>, vector<16xi32>,
      %reduce_sum3A_921 = arith.constant true
      %reduce_sum3A_922 = vector.broadcast %reduce_sum3A_921 : i1 to vector<16xi1>
      %reduce_sum3A_923 = tpu.scan <sum>, %get3A_920 masked %reduce_sum3A_922 : vector<16xi32>, vector<16xi1> -> vector<16xi32>
      %reduce_sum3A_924 = vector.extract %reduce_sum3A_923[15] : i32 from vector<16xi32>
      %mul3A_925 = arith.constant 256 : i32
      %mul3A_926 = arith.muli %scan3A_893#1, %mul3A_925 : i32
      %add3A_927 = arith.constant 48 : i32
      %add3A_928 = arith.addi %mul3A_926, %add3A_927 : i32
      %get3A_929 = arith.index_cast %add3A_928 : i32 to index
      %get3A_930 = tpu.vector_load %arg9[%get3A_929] {strides = array<i32>} : memref<4096xi32, #tpu.memory_space<vmem>>, vector<16xi32>,
      %reduce_sum3A_931 = arith.constant true
      %reduce_sum3A_932 = vector.broadcast %reduce_sum3A_931 : i1 to vector<16xi1>
      %reduce_sum3A_933 = tpu.scan <sum>, %get3A_930 masked %reduce_sum3A_932 : vector<16xi32>, vector<16xi1> -> vector<16xi32>
      %reduce_sum3A_934 = vector.extract %reduce_sum3A_933[15] : i32 from vector<16xi32>
      %mul3A_935 = arith.constant 256 : i32
      %mul3A_936 = arith.muli %scan3A_893#1, %mul3A_935 : i32
      %add3A_937 = arith.constant 64 : i32
      %add3A_938 = arith.addi %mul3A_936, %add3A_937 : i32
      %get3A_939 = arith.index_cast %add3A_938 : i32 to index
      %get3A_940 = tpu.vector_load %arg9[%get3A_939] {strides = array<i32>} : memref<4096xi32, #tpu.memory_space<vmem>>, vector<16xi32>,
      %reduce_sum3A_941 = arith.constant true
      %reduce_sum3A_942 = vector.broadcast %reduce_sum3A_941 : i1 to vector<16xi1>
      %reduce_sum3A_943 = tpu.scan <sum>, %get3A_940 masked %reduce_sum3A_942 : vector<16xi32>, vector<16xi1> -> vector<16xi32>
      %reduce_sum3A_944 = vector.extract %reduce_sum3A_943[15] : i32 from vector<16xi32>
      %mul3A_945 = arith.constant 256 : i32
      %mul3A_946 = arith.muli %scan3A_893#1, %mul3A_945 : i32
      %add3A_947 = arith.constant 80 : i32
      %add3A_948 = arith.addi %mul3A_946, %add3A_947 : i32
      %get3A_949 = arith.index_cast %add3A_948 : i32 to index
      %get3A_950 = tpu.vector_load %arg9[%get3A_949] {strides = array<i32>} : memref<4096xi32, #tpu.memory_space<vmem>>, vector<16xi32>,
      %reduce_sum3A_951 = arith.constant true
      %reduce_sum3A_952 = vector.broadcast %reduce_sum3A_951 : i1 to vector<16xi1>
      %reduce_sum3A_953 = tpu.scan <sum>, %get3A_950 masked %reduce_sum3A_952 : vector<16xi32>, vector<16xi1> -> vector<16xi32>
      %reduce_sum3A_954 = vector.extract %reduce_sum3A_953[15] : i32 from vector<16xi32>
      %mul3A_955 = arith.constant 256 : i32
      %mul3A_956 = arith.muli %scan3A_893#1, %mul3A_955 : i32
      %add3A_957 = arith.constant 96 : i32
      %add3A_958 = arith.addi %mul3A_956, %add3A_957 : i32
      %get3A_959 = arith.index_cast %add3A_958 : i32 to index
      %get3A_960 = tpu.vector_load %arg9[%get3A_959] {strides = array<i32>} : memref<4096xi32, #tpu.memory_space<vmem>>, vector<16xi32>,
      %reduce_sum3A_961 = arith.constant true
      %reduce_sum3A_962 = vector.broadcast %reduce_sum3A_961 : i1 to vector<16xi1>
      %reduce_sum3A_963 = tpu.scan <sum>, %get3A_960 masked %reduce_sum3A_962 : vector<16xi32>, vector<16xi1> -> vector<16xi32>
      %reduce_sum3A_964 = vector.extract %reduce_sum3A_963[15] : i32 from vector<16xi32>
      %mul3A_965 = arith.constant 256 : i32
      %mul3A_966 = arith.muli %scan3A_893#1, %mul3A_965 : i32
      %add3A_967 = arith.constant 112 : i32
      %add3A_968 = arith.addi %mul3A_966, %add3A_967 : i32
      %get3A_969 = arith.index_cast %add3A_968 : i32 to index
      %get3A_970 = tpu.vector_load %arg9[%get3A_969] {strides = array<i32>} : memref<4096xi32, #tpu.memory_space<vmem>>, vector<16xi32>,
      %reduce_sum3A_971 = arith.constant true
      %reduce_sum3A_972 = vector.broadcast %reduce_sum3A_971 : i1 to vector<16xi1>
      %reduce_sum3A_973 = tpu.scan <sum>, %get3A_970 masked %reduce_sum3A_972 : vector<16xi32>, vector<16xi1> -> vector<16xi32>
      %reduce_sum3A_974 = vector.extract %reduce_sum3A_973[15] : i32 from vector<16xi32>
      %mul3A_975 = arith.constant 256 : i32
      %mul3A_976 = arith.muli %scan3A_893#1, %mul3A_975 : i32
      %add3A_977 = arith.constant 128 : i32
      %add3A_978 = arith.addi %mul3A_976, %add3A_977 : i32
      %get3A_979 = arith.index_cast %add3A_978 : i32 to index
      %get3A_980 = tpu.vector_load %arg9[%get3A_979] {strides = array<i32>} : memref<4096xi32, #tpu.memory_space<vmem>>, vector<16xi32>,
      %reduce_sum3A_981 = arith.constant true
      %reduce_sum3A_982 = vector.broadcast %reduce_sum3A_981 : i1 to vector<16xi1>
      %reduce_sum3A_983 = tpu.scan <sum>, %get3A_980 masked %reduce_sum3A_982 : vector<16xi32>, vector<16xi1> -> vector<16xi32>
      %reduce_sum3A_984 = vector.extract %reduce_sum3A_983[15] : i32 from vector<16xi32>
      %mul3A_985 = arith.constant 256 : i32
      %mul3A_986 = arith.muli %scan3A_893#1, %mul3A_985 : i32
      %add3A_987 = arith.constant 144 : i32
      %add3A_988 = arith.addi %mul3A_986, %add3A_987 : i32
      %get3A_989 = arith.index_cast %add3A_988 : i32 to index
      %get3A_990 = tpu.vector_load %arg9[%get3A_989] {strides = array<i32>} : memref<4096xi32, #tpu.memory_space<vmem>>, vector<16xi32>,
      %reduce_sum3A_991 = arith.constant true
      %reduce_sum3A_992 = vector.broadcast %reduce_sum3A_991 : i1 to vector<16xi1>
      %reduce_sum3A_993 = tpu.scan <sum>, %get3A_990 masked %reduce_sum3A_992 : vector<16xi32>, vector<16xi1> -> vector<16xi32>
      %reduce_sum3A_994 = vector.extract %reduce_sum3A_993[15] : i32 from vector<16xi32>
      %mul3A_995 = arith.constant 256 : i32
      %mul3A_996 = arith.muli %scan3A_893#1, %mul3A_995 : i32
      %add3A_997 = arith.constant 160 : i32
      %add3A_998 = arith.addi %mul3A_996, %add3A_997 : i32
      %get3A_999 = arith.index_cast %add3A_998 : i32 to index
      %get3A_1000 = tpu.vector_load %arg9[%get3A_999] {strides = array<i32>} : memref<4096xi32, #tpu.memory_space<vmem>>, vector<16xi32>,
      %reduce_sum3A_1001 = arith.constant true
      %reduce_sum3A_1002 = vector.broadcast %reduce_sum3A_1001 : i1 to vector<16xi1>
      %reduce_sum3A_1003 = tpu.scan <sum>, %get3A_1000 masked %reduce_sum3A_1002 : vector<16xi32>, vector<16xi1> -> vector<16xi32>
      %reduce_sum3A_1004 = vector.extract %reduce_sum3A_1003[15] : i32 from vector<16xi32>
      %mul3A_1005 = arith.constant 256 : i32
      %mul3A_1006 = arith.muli %scan3A_893#1, %mul3A_1005 : i32
      %add3A_1007 = arith.constant 176 : i32
      %add3A_1008 = arith.addi %mul3A_1006, %add3A_1007 : i32
      %get3A_1009 = arith.index_cast %add3A_1008 : i32 to index
      %get3A_1010 = tpu.vector_load %arg9[%get3A_1009] {strides = array<i32>} : memref<4096xi32, #tpu.memory_space<vmem>>, vector<16xi32>,
      %reduce_sum3A_1011 = arith.constant true
      %reduce_sum3A_1012 = vector.broadcast %reduce_sum3A_1011 : i1 to vector<16xi1>
      %reduce_sum3A_1013 = tpu.scan <sum>, %get3A_1010 masked %reduce_sum3A_1012 : vector<16xi32>, vector<16xi1> -> vector<16xi32>
      %reduce_sum3A_1014 = vector.extract %reduce_sum3A_1013[15] : i32 from vector<16xi32>
      %mul3A_1015 = arith.constant 256 : i32
      %mul3A_1016 = arith.muli %scan3A_893#1, %mul3A_1015 : i32
      %add3A_1017 = arith.constant 192 : i32
      %add3A_1018 = arith.addi %mul3A_1016, %add3A_1017 : i32
      %get3A_1019 = arith.index_cast %add3A_1018 : i32 to index
      %get3A_1020 = tpu.vector_load %arg9[%get3A_1019] {strides = array<i32>} : memref<4096xi32, #tpu.memory_space<vmem>>, vector<16xi32>,
      %reduce_sum3A_1021 = arith.constant true
      %reduce_sum3A_1022 = vector.broadcast %reduce_sum3A_1021 : i1 to vector<16xi1>
      %reduce_sum3A_1023 = tpu.scan <sum>, %get3A_1020 masked %reduce_sum3A_1022 : vector<16xi32>, vector<16xi1> -> vector<16xi32>
      %reduce_sum3A_1024 = vector.extract %reduce_sum3A_1023[15] : i32 from vector<16xi32>
      %mul3A_1025 = arith.constant 256 : i32
      %mul3A_1026 = arith.muli %scan3A_893#1, %mul3A_1025 : i32
      %add3A_1027 = arith.constant 208 : i32
      %add3A_1028 = arith.addi %mul3A_1026, %add3A_1027 : i32
      %get3A_1029 = arith.index_cast %add3A_1028 : i32 to index
      %get3A_1030 = tpu.vector_load %arg9[%get3A_1029] {strides = array<i32>} : memref<4096xi32, #tpu.memory_space<vmem>>, vector<16xi32>,
      %reduce_sum3A_1031 = arith.constant true
      %reduce_sum3A_1032 = vector.broadcast %reduce_sum3A_1031 : i1 to vector<16xi1>
      %reduce_sum3A_1033 = tpu.scan <sum>, %get3A_1030 masked %reduce_sum3A_1032 : vector<16xi32>, vector<16xi1> -> vector<16xi32>
      %reduce_sum3A_1034 = vector.extract %reduce_sum3A_1033[15] : i32 from vector<16xi32>
      %mul3A_1035 = arith.constant 256 : i32
      %mul3A_1036 = arith.muli %scan3A_893#1, %mul3A_1035 : i32
      %add3A_1037 = arith.constant 224 : i32
      %add3A_1038 = arith.addi %mul3A_1036, %add3A_1037 : i32
      %get3A_1039 = arith.index_cast %add3A_1038 : i32 to index
      %get3A_1040 = tpu.vector_load %arg9[%get3A_1039] {strides = array<i32>} : memref<4096xi32, #tpu.memory_space<vmem>>, vector<16xi32>,
      %reduce_sum3A_1041 = arith.constant true
      %reduce_sum3A_1042 = vector.broadcast %reduce_sum3A_1041 : i1 to vector<16xi1>
      %reduce_sum3A_1043 = tpu.scan <sum>, %get3A_1040 masked %reduce_sum3A_1042 : vector<16xi32>, vector<16xi1> -> vector<16xi32>
      %reduce_sum3A_1044 = vector.extract %reduce_sum3A_1043[15] : i32 from vector<16xi32>
      %mul3A_1045 = arith.constant 256 : i32
      %mul3A_1046 = arith.muli %scan3A_893#1, %mul3A_1045 : i32
      %add3A_1047 = arith.constant 240 : i32
      %add3A_1048 = arith.addi %mul3A_1046, %add3A_1047 : i32
      %get3A_1049 = arith.index_cast %add3A_1048 : i32 to index
      %get3A_1050 = tpu.vector_load %arg9[%get3A_1049] {strides = array<i32>} : memref<4096xi32, #tpu.memory_space<vmem>>, vector<16xi32>,
      %reduce_sum3A_1051 = arith.constant true
      %reduce_sum3A_1052 = vector.broadcast %reduce_sum3A_1051 : i1 to vector<16xi1>
      %reduce_sum3A_1053 = tpu.scan <sum>, %get3A_1050 masked %reduce_sum3A_1052 : vector<16xi32>, vector<16xi1> -> vector<16xi32>
      %reduce_sum3A_1054 = vector.extract %reduce_sum3A_1053[15] : i32 from vector<16xi32>
      %add3A_1055 = arith.constant 0 : i32
      %add3A_1056 = arith.addi %add3A_1055, %reduce_sum3A_1054 : i32
      %add3A_1057 = arith.addi %add3A_1056, %reduce_sum3A_1044 : i32
      %add3A_1058 = arith.addi %add3A_1057, %reduce_sum3A_1034 : i32
      %add3A_1059 = arith.addi %add3A_1058, %reduce_sum3A_1024 : i32
      %add3A_1060 = arith.addi %add3A_1059, %reduce_sum3A_1014 : i32
      %add3A_1061 = arith.addi %add3A_1060, %reduce_sum3A_1004 : i32
      %add3A_1062 = arith.addi %add3A_1061, %reduce_sum3A_994 : i32
      %add3A_1063 = arith.addi %add3A_1062, %reduce_sum3A_984 : i32
      %add3A_1064 = arith.addi %add3A_1063, %reduce_sum3A_974 : i32
      %add3A_1065 = arith.addi %add3A_1064, %reduce_sum3A_964 : i32
      %add3A_1066 = arith.addi %add3A_1065, %reduce_sum3A_954 : i32
      %add3A_1067 = arith.addi %add3A_1066, %reduce_sum3A_944 : i32
      %add3A_1068 = arith.addi %add3A_1067, %reduce_sum3A_934 : i32
      %add3A_1069 = arith.addi %add3A_1068, %reduce_sum3A_924 : i32
      %add3A_1070 = arith.addi %add3A_1069, %reduce_sum3A_914 : i32
      %add3A_1071 = arith.addi %add3A_1070, %reduce_sum3A_904 : i32
      %add3A_1072 = arith.addi %scan3A_893#2, %add3A_1071 : i32
      %ge3A_1073 = arith.cmpi sge, %add3A_1072, %sub3A_879 : i32
      %convert_element_type3A_1074 = arith.extui %ge3A_1073 : i1 to i32
      %add3A_1075 = arith.addi %scan3A_893#2, %add3A_1070 : i32
      %ge3A_1076 = arith.cmpi sge, %add3A_1075, %sub3A_879 : i32
      %convert_element_type3A_1077 = arith.extui %ge3A_1076 : i1 to i32
      %add3A_1078 = arith.addi %scan3A_893#2, %add3A_1069 : i32
      %ge3A_1079 = arith.cmpi sge, %add3A_1078, %sub3A_879 : i32
      %convert_element_type3A_1080 = arith.extui %ge3A_1079 : i1 to i32
      %add3A_1081 = arith.addi %scan3A_893#2, %add3A_1068 : i32
      %ge3A_1082 = arith.cmpi sge, %add3A_1081, %sub3A_879 : i32
      %convert_element_type3A_1083 = arith.extui %ge3A_1082 : i1 to i32
      %add3A_1084 = arith.addi %scan3A_893#2, %add3A_1067 : i32
      %ge3A_1085 = arith.cmpi sge, %add3A_1084, %sub3A_879 : i32
      %convert_element_type3A_1086 = arith.extui %ge3A_1085 : i1 to i32
      %add3A_1087 = arith.addi %scan3A_893#2, %add3A_1066 : i32
      %ge3A_1088 = arith.cmpi sge, %add3A_1087, %sub3A_879 : i32
      %convert_element_type3A_1089 = arith.extui %ge3A_1088 : i1 to i32
      %add3A_1090 = arith.addi %scan3A_893#2, %add3A_1065 : i32
      %ge3A_1091 = arith.cmpi sge, %add3A_1090, %sub3A_879 : i32
      %convert_element_type3A_1092 = arith.extui %ge3A_1091 : i1 to i32
      %add3A_1093 = arith.addi %scan3A_893#2, %add3A_1064 : i32
      %ge3A_1094 = arith.cmpi sge, %add3A_1093, %sub3A_879 : i32
      %convert_element_type3A_1095 = arith.extui %ge3A_1094 : i1 to i32
      %add3A_1096 = arith.addi %scan3A_893#2, %add3A_1063 : i32
      %ge3A_1097 = arith.cmpi sge, %add3A_1096, %sub3A_879 : i32
      %convert_element_type3A_1098 = arith.extui %ge3A_1097 : i1 to i32
      %add3A_1099 = arith.addi %scan3A_893#2, %add3A_1062 : i32
      %ge3A_1100 = arith.cmpi sge, %add3A_1099, %sub3A_879 : i32
      %convert_element_type3A_1101 = arith.extui %ge3A_1100 : i1 to i32
      %add3A_1102 = arith.addi %scan3A_893#2, %add3A_1061 : i32
      %ge3A_1103 = arith.cmpi sge, %add3A_1102, %sub3A_879 : i32
      %convert_element_type3A_1104 = arith.extui %ge3A_1103 : i1 to i32
      %add3A_1105 = arith.addi %scan3A_893#2, %add3A_1060 : i32
      %ge3A_1106 = arith.cmpi sge, %add3A_1105, %sub3A_879 : i32
      %convert_element_type3A_1107 = arith.extui %ge3A_1106 : i1 to i32
      %add3A_1108 = arith.addi %scan3A_893#2, %add3A_1059 : i32
      %ge3A_1109 = arith.cmpi sge, %add3A_1108, %sub3A_879 : i32
      %convert_element_type3A_1110 = arith.extui %ge3A_1109 : i1 to i32
      %add3A_1111 = arith.addi %scan3A_893#2, %add3A_1058 : i32
      %ge3A_1112 = arith.cmpi sge, %add3A_1111, %sub3A_879 : i32
      %convert_element_type3A_1113 = arith.extui %ge3A_1112 : i1 to i32
      %add3A_1114 = arith.addi %scan3A_893#2, %add3A_1057 : i32
      %ge3A_1115 = arith.cmpi sge, %add3A_1114, %sub3A_879 : i32
      %convert_element_type3A_1116 = arith.extui %ge3A_1115 : i1 to i32
      %add3A_1117 = arith.addi %scan3A_893#2, %add3A_1056 : i32
      %ge3A_1118 = arith.cmpi sge, %add3A_1117, %sub3A_879 : i32
      %convert_element_type3A_1119 = arith.extui %ge3A_1118 : i1 to i32
      %add3A_1120 = arith.constant 0 : i32
      %add3A_1121 = arith.addi %add3A_1120, %convert_element_type3A_1074 : i32
      %add3A_1122 = arith.addi %add3A_1121, %convert_element_type3A_1077 : i32
      %add3A_1123 = arith.addi %add3A_1122, %convert_element_type3A_1080 : i32
      %add3A_1124 = arith.addi %add3A_1123, %convert_element_type3A_1083 : i32
      %add3A_1125 = arith.addi %add3A_1124, %convert_element_type3A_1086 : i32
      %add3A_1126 = arith.addi %add3A_1125, %convert_element_type3A_1089 : i32
      %add3A_1127 = arith.addi %add3A_1126, %convert_element_type3A_1092 : i32
      %add3A_1128 = arith.addi %add3A_1127, %convert_element_type3A_1095 : i32
      %add3A_1129 = arith.addi %add3A_1128, %convert_element_type3A_1098 : i32
      %add3A_1130 = arith.addi %add3A_1129, %convert_element_type3A_1101 : i32
      %add3A_1131 = arith.addi %add3A_1130, %convert_element_type3A_1104 : i32
      %add3A_1132 = arith.addi %add3A_1131, %convert_element_type3A_1107 : i32
      %add3A_1133 = arith.addi %add3A_1132, %convert_element_type3A_1110 : i32
      %add3A_1134 = arith.addi %add3A_1133, %convert_element_type3A_1113 : i32
      %add3A_1135 = arith.addi %add3A_1134, %convert_element_type3A_1116 : i32
      %add3A_1136 = arith.addi %add3A_1135, %convert_element_type3A_1119 : i32
      %sub3A_1137 = arith.constant 1 : i32
      %sub3A_1138 = arith.subi %add3A_1136, %sub3A_1137 : i32
      %lt3A_1139 = arith.constant 0 : i32
      %lt3A_1140 = arith.cmpi slt, %sub3A_1138, %lt3A_1139 : i32
      %jit3A_1141 = arith.constant 0 : i32
      %select_n3A_1142 = arith.select %lt3A_1140, %reduce_sum3A_904, %jit3A_1141 : i32
      %add3A_1143 = arith.constant 0 : i32
      %add3A_1144 = arith.addi %add3A_1143, %select_n3A_1142 : i32
      %lt3A_1145 = arith.constant 1 : i32
      %lt3A_1146 = arith.cmpi slt, %sub3A_1138, %lt3A_1145 : i32
      %jit3A_1147 = arith.constant 0 : i32
      %select_n3A_1148 = arith.select %lt3A_1146, %reduce_sum3A_914, %jit3A_1147 : i32
      %add3A_1149 = arith.addi %add3A_1144, %select_n3A_1148 : i32
      %lt3A_1150 = arith.constant 2 : i32
      %lt3A_1151 = arith.cmpi slt, %sub3A_1138, %lt3A_1150 : i32
      %jit3A_1152 = arith.constant 0 : i32
      %select_n3A_1153 = arith.select %lt3A_1151, %reduce_sum3A_924, %jit3A_1152 : i32
      %add3A_1154 = arith.addi %add3A_1149, %select_n3A_1153 : i32
      %lt3A_1155 = arith.constant 3 : i32
      %lt3A_1156 = arith.cmpi slt, %sub3A_1138, %lt3A_1155 : i32
      %jit3A_1157 = arith.constant 0 : i32
      %select_n3A_1158 = arith.select %lt3A_1156, %reduce_sum3A_934, %jit3A_1157 : i32
      %add3A_1159 = arith.addi %add3A_1154, %select_n3A_1158 : i32
      %lt3A_1160 = arith.constant 4 : i32
      %lt3A_1161 = arith.cmpi slt, %sub3A_1138, %lt3A_1160 : i32
      %jit3A_1162 = arith.constant 0 : i32
      %select_n3A_1163 = arith.select %lt3A_1161, %reduce_sum3A_944, %jit3A_1162 : i32
      %add3A_1164 = arith.addi %add3A_1159, %select_n3A_1163 : i32
      %lt3A_1165 = arith.constant 5 : i32
      %lt3A_1166 = arith.cmpi slt, %sub3A_1138, %lt3A_1165 : i32
      %jit3A_1167 = arith.constant 0 : i32
      %select_n3A_1168 = arith.select %lt3A_1166, %reduce_sum3A_954, %jit3A_1167 : i32
      %add3A_1169 = arith.addi %add3A_1164, %select_n3A_1168 : i32
      %lt3A_1170 = arith.constant 6 : i32
      %lt3A_1171 = arith.cmpi slt, %sub3A_1138, %lt3A_1170 : i32
      %jit3A_1172 = arith.constant 0 : i32
      %select_n3A_1173 = arith.select %lt3A_1171, %reduce_sum3A_964, %jit3A_1172 : i32
      %add3A_1174 = arith.addi %add3A_1169, %select_n3A_1173 : i32
      %lt3A_1175 = arith.constant 7 : i32
      %lt3A_1176 = arith.cmpi slt, %sub3A_1138, %lt3A_1175 : i32
      %jit3A_1177 = arith.constant 0 : i32
      %select_n3A_1178 = arith.select %lt3A_1176, %reduce_sum3A_974, %jit3A_1177 : i32
      %add3A_1179 = arith.addi %add3A_1174, %select_n3A_1178 : i32
      %lt3A_1180 = arith.constant 8 : i32
      %lt3A_1181 = arith.cmpi slt, %sub3A_1138, %lt3A_1180 : i32
      %jit3A_1182 = arith.constant 0 : i32
      %select_n3A_1183 = arith.select %lt3A_1181, %reduce_sum3A_984, %jit3A_1182 : i32
      %add3A_1184 = arith.addi %add3A_1179, %select_n3A_1183 : i32
      %lt3A_1185 = arith.constant 9 : i32
      %lt3A_1186 = arith.cmpi slt, %sub3A_1138, %lt3A_1185 : i32
      %jit3A_1187 = arith.constant 0 : i32
      %select_n3A_1188 = arith.select %lt3A_1186, %reduce_sum3A_994, %jit3A_1187 : i32
      %add3A_1189 = arith.addi %add3A_1184, %select_n3A_1188 : i32
      %lt3A_1190 = arith.constant 10 : i32
      %lt3A_1191 = arith.cmpi slt, %sub3A_1138, %lt3A_1190 : i32
      %jit3A_1192 = arith.constant 0 : i32
      %select_n3A_1193 = arith.select %lt3A_1191, %reduce_sum3A_1004, %jit3A_1192 : i32
      %add3A_1194 = arith.addi %add3A_1189, %select_n3A_1193 : i32
      %lt3A_1195 = arith.constant 11 : i32
      %lt3A_1196 = arith.cmpi slt, %sub3A_1138, %lt3A_1195 : i32
      %jit3A_1197 = arith.constant 0 : i32
      %select_n3A_1198 = arith.select %lt3A_1196, %reduce_sum3A_1014, %jit3A_1197 : i32
      %add3A_1199 = arith.addi %add3A_1194, %select_n3A_1198 : i32
      %lt3A_1200 = arith.constant 12 : i32
      %lt3A_1201 = arith.cmpi slt, %sub3A_1138, %lt3A_1200 : i32
      %jit3A_1202 = arith.constant 0 : i32
      %select_n3A_1203 = arith.select %lt3A_1201, %reduce_sum3A_1024, %jit3A_1202 : i32
      %add3A_1204 = arith.addi %add3A_1199, %select_n3A_1203 : i32
      %lt3A_1205 = arith.constant 13 : i32
      %lt3A_1206 = arith.cmpi slt, %sub3A_1138, %lt3A_1205 : i32
      %jit3A_1207 = arith.constant 0 : i32
      %select_n3A_1208 = arith.select %lt3A_1206, %reduce_sum3A_1034, %jit3A_1207 : i32
      %add3A_1209 = arith.addi %add3A_1204, %select_n3A_1208 : i32
      %lt3A_1210 = arith.constant 14 : i32
      %lt3A_1211 = arith.cmpi slt, %sub3A_1138, %lt3A_1210 : i32
      %jit3A_1212 = arith.constant 0 : i32
      %select_n3A_1213 = arith.select %lt3A_1211, %reduce_sum3A_1044, %jit3A_1212 : i32
      %add3A_1214 = arith.addi %add3A_1209, %select_n3A_1213 : i32
      %lt3A_1215 = arith.constant 15 : i32
      %lt3A_1216 = arith.cmpi slt, %sub3A_1138, %lt3A_1215 : i32
      %jit3A_1217 = arith.constant 0 : i32
      %select_n3A_1218 = arith.select %lt3A_1216, %reduce_sum3A_1054, %jit3A_1217 : i32
      %add3A_1219 = arith.addi %add3A_1214, %select_n3A_1218 : i32
      %add3A_1220 = arith.addi %scan3A_893#2, %add3A_1219 : i32
      %mul3A_1221 = arith.constant 16 : i32
      %mul3A_1222 = arith.muli %scan3A_893#1, %mul3A_1221 : i32
      %add3A_1223 = arith.addi %mul3A_1222, %sub3A_1138 : i32
      %shift_left3A_1224 = arith.constant 8 : i32
      %shift_left3A_1225 = arith.shli %or3A_878, %shift_left3A_1224 : i32
      %or3A_1226 = arith.ori %shift_left3A_1225, %add3A_1223 : i32
      %sub3A_1227 = arith.subi %sub3A_879, %add3A_1220 : i32
      %broadcast_in_dim3A_1228 = vector.broadcast %or3A_1226 : i32 to vector<16xi32>
      %swap3A_1229 = arith.constant 0 : index
      %swap3A_1230 = tpu.vector_load %arg10[%swap3A_1229] {strides = array<i32>} : memref<16xi32, #tpu.memory_space<vmem>>, vector<16xi32>,
      tpu.vector_store %arg10[%swap3A_1229], %broadcast_in_dim3A_1228 {strides = array<i32>} : memref<16xi32, #tpu.memory_space<vmem>>, vector<16xi32>,
      %broadcast_in_dim3A_1231 = vector.broadcast %sub3A_1227 : i32 to vector<16xi32>
      %swap3A_1232 = arith.constant 0 : index
      %swap3A_1233 = tpu.vector_load %arg11[%swap3A_1232] {strides = array<i32>} : memref<16xi32, #tpu.memory_space<vmem>>, vector<16xi32>,
      tpu.vector_store %arg11[%swap3A_1232], %broadcast_in_dim3A_1231 {strides = array<i32>} : memref<16xi32, #tpu.memory_space<vmem>>, vector<16xi32>,
    } else {
    }
    "tpu.region"() ({
      %run_scoped3A = tpu.sem_alloc : memref<!tpu.dma_semaphore, #tpu.memory_space<semaphore_mem>>
      %dma_start3A_197 = arith.constant 0 : i32
      %dma_start3A_198 = tpu.memref_slice %arg4[%add3A, %dma_start3A_197] : memref<32x16xi32, #tpu.memory_space<hbm>> -> memref<1x16xi32, #tpu.memory_space<hbm>>
      %dma_start3A_199 = tpu.memref_squeeze %dma_start3A_198 : memref<1x16xi32, #tpu.memory_space<hbm>> -> memref<16xi32, #tpu.memory_space<hbm>>
      %dma_start3A_200 = arith.constant 0 : i32
      %dma_start3A_201 = tpu.memref_slice %arg4[%add3A, %dma_start3A_200] : memref<32x16xi32, #tpu.memory_space<hbm>> -> memref<1x16xi32, #tpu.memory_space<hbm>>
      %dma_start3A_202 = tpu.memref_squeeze %dma_start3A_201 : memref<1x16xi32, #tpu.memory_space<hbm>> -> memref<16xi32, #tpu.memory_space<hbm>>
      tpu.enqueue_dma source(%arg10 : memref<16xi32, #tpu.memory_space<vmem>>) target(%dma_start3A_202 : memref<16xi32, #tpu.memory_space<hbm>>) target_semaphore(%run_scoped3A : memref<!tpu.dma_semaphore, #tpu.memory_space<semaphore_mem>>)
      %dma_wait3A_203 = arith.constant 0 : i32
      %dma_wait3A_204 = tpu.memref_slice %arg4[%add3A, %dma_wait3A_203] : memref<32x16xi32, #tpu.memory_space<hbm>> -> memref<1x16xi32, #tpu.memory_space<hbm>>
      %dma_wait3A_205 = tpu.memref_squeeze %dma_wait3A_204 : memref<1x16xi32, #tpu.memory_space<hbm>> -> memref<16xi32, #tpu.memory_space<hbm>>
      %dma_wait3A_206 = arith.constant 0 : i32
      %dma_wait3A_207 = tpu.memref_slice %arg4[%add3A, %dma_wait3A_206] : memref<32x16xi32, #tpu.memory_space<hbm>> -> memref<1x16xi32, #tpu.memory_space<hbm>>
      %dma_wait3A_208 = tpu.memref_squeeze %dma_wait3A_207 : memref<1x16xi32, #tpu.memory_space<hbm>> -> memref<16xi32, #tpu.memory_space<hbm>>
      tpu.wait_dma2 semaphore(%run_scoped3A : memref<!tpu.dma_semaphore, #tpu.memory_space<semaphore_mem>>) src(%arg10 : memref<16xi32, #tpu.memory_space<vmem>>) dst(%dma_wait3A_208 : memref<16xi32, #tpu.memory_space<hbm>>)
      tpu.yield
    }) : () -> ()
    "tpu.region"() ({
      %run_scoped3A = tpu.sem_alloc : memref<!tpu.dma_semaphore, #tpu.memory_space<semaphore_mem>>
      %dma_start3A_197 = arith.constant 0 : i32
      %dma_start3A_198 = tpu.memref_slice %arg5[%add3A, %dma_start3A_197] : memref<32x16xi32, #tpu.memory_space<hbm>> -> memref<1x16xi32, #tpu.memory_space<hbm>>
      %dma_start3A_199 = tpu.memref_squeeze %dma_start3A_198 : memref<1x16xi32, #tpu.memory_space<hbm>> -> memref<16xi32, #tpu.memory_space<hbm>>
      %dma_start3A_200 = arith.constant 0 : i32
      %dma_start3A_201 = tpu.memref_slice %arg5[%add3A, %dma_start3A_200] : memref<32x16xi32, #tpu.memory_space<hbm>> -> memref<1x16xi32, #tpu.memory_space<hbm>>
      %dma_start3A_202 = tpu.memref_squeeze %dma_start3A_201 : memref<1x16xi32, #tpu.memory_space<hbm>> -> memref<16xi32, #tpu.memory_space<hbm>>
      tpu.enqueue_dma source(%arg11 : memref<16xi32, #tpu.memory_space<vmem>>) target(%dma_start3A_202 : memref<16xi32, #tpu.memory_space<hbm>>) target_semaphore(%run_scoped3A : memref<!tpu.dma_semaphore, #tpu.memory_space<semaphore_mem>>)
      %dma_wait3A_203 = arith.constant 0 : i32
      %dma_wait3A_204 = tpu.memref_slice %arg5[%add3A, %dma_wait3A_203] : memref<32x16xi32, #tpu.memory_space<hbm>> -> memref<1x16xi32, #tpu.memory_space<hbm>>
      %dma_wait3A_205 = tpu.memref_squeeze %dma_wait3A_204 : memref<1x16xi32, #tpu.memory_space<hbm>> -> memref<16xi32, #tpu.memory_space<hbm>>
      %dma_wait3A_206 = arith.constant 0 : i32
      %dma_wait3A_207 = tpu.memref_slice %arg5[%add3A, %dma_wait3A_206] : memref<32x16xi32, #tpu.memory_space<hbm>> -> memref<1x16xi32, #tpu.memory_space<hbm>>
      %dma_wait3A_208 = tpu.memref_squeeze %dma_wait3A_207 : memref<1x16xi32, #tpu.memory_space<hbm>> -> memref<16xi32, #tpu.memory_space<hbm>>
      tpu.wait_dma2 semaphore(%run_scoped3A : memref<!tpu.dma_semaphore, #tpu.memory_space<semaphore_mem>>) src(%arg11 : memref<16xi32, #tpu.memory_space<vmem>>) dst(%dma_wait3A_208 : memref<16xi32, #tpu.memory_space<hbm>>)
      tpu.yield
    }) : () -> ()
    return
  }
}

module attributes {stable_mosaic.version = 14 : i64} {
  func.func @_final_body(%arg0: i32, %arg1: memref<32x4096xf32, #tpu.memory_space<vmem>>, %arg2: memref<32x4096xi32, #tpu.memory_space<vmem>>, %arg3: memref<32x16xi32, #tpu.memory_space<vmem>>, %arg4: memref<32x16xi32, #tpu.memory_space<vmem>>, %arg5: memref<1x1xf32, #tpu.memory_space<vmem>>, %arg6: memref<32x1xf32, #tpu.memory_space<vmem>>, %arg7: memref<32x1xf32, #tpu.memory_space<vmem>>, %arg8: memref<32x1xi32, #tpu.memory_space<vmem>>, %arg9: memref<32x1xi32, #tpu.memory_space<vmem>>) attributes {dimension_semantics = [#tpu.dimension_semantics<arbitrary>], iteration_bounds = array<i64: 8>, scalar_prefetch = 0 : i64, scratch_operands = 4 : i64, tpu.core_type = #tpu.core_type<tc>, window_params = [{transform_indices = @transform_0, window_bounds = array<i64: 32, 4096>}, {transform_indices = @transform_1, window_bounds = array<i64: 32, 4096>}, {pipeline_mode = #tpu.pipeline_mode<synchronous>, transform_indices = @transform_2, window_bounds = array<i64: 32, 16>}, {pipeline_mode = #tpu.pipeline_mode<synchronous>, transform_indices = @transform_3, window_bounds = array<i64: 32, 16>}, {pipeline_mode = #tpu.pipeline_mode<synchronous>, transform_indices = @transform_4, window_bounds = array<i64: 1, 1>}]} {
    %get3A = arith.constant 0 : index
    %get3A_0 = arith.constant 0 : index
    %get3A_1 = vector.load %arg1[%get3A, %get3A_0] : memref<32x4096xf32, #tpu.memory_space<vmem>>, vector<32x4096xf32>
    %get3A_2 = arith.constant 0 : index
    %get3A_3 = arith.constant 0 : index
    %get3A_4 = vector.load %arg2[%get3A_2, %get3A_3] : memref<32x4096xi32, #tpu.memory_space<vmem>>, vector<32x4096xi32>
    %eq3A = arith.constant 0 : i32
    %eq3A_5 = vector.broadcast %eq3A : i32 to vector<32x4096xi32>
    %eq3A_6 = arith.cmpi eq, %get3A_4, %eq3A_5 : vector<32x4096xi32>
    %convert_element_type3A = arith.extui %eq3A_6 : vector<32x4096xi1> to vector<32x4096xi32>
    %reduce_sum3A = arith.constant dense<0> : vector<32xi32>
    %reduce_sum3A_7 = vector.multi_reduction <add>, %convert_element_type3A, %reduce_sum3A [1] : vector<32x4096xi32> to vector<32xi32>
    %broadcast_in_dim3A = vector.shape_cast %reduce_sum3A_7 : vector<32xi32> to vector<32x1xi32>
    %get3A_8 = arith.constant 0 : index
    %get3A_9 = arith.constant 0 : index
    %get3A_10 = vector.load %arg3[%get3A_8, %get3A_9] : memref<32x16xi32, #tpu.memory_space<vmem>>, vector<32x1xi32>
    %shift_right_logical3A = arith.constant 8 : i32
    %shift_right_logical3A_11 = vector.broadcast %shift_right_logical3A : i32 to vector<32x4096xi32>
    %shift_right_logical3A_12 = arith.shrui %get3A_4, %shift_right_logical3A_11 : vector<32x4096xi32>
    %gt3A = vector.broadcast %get3A_10 : vector<32x1xi32> to vector<32x4096xi32>
    %gt3A_13 = arith.cmpi sgt, %shift_right_logical3A_12, %gt3A : vector<32x4096xi32>
    %eq3A_14 = vector.broadcast %get3A_10 : vector<32x1xi32> to vector<32x4096xi32>
    %eq3A_15 = arith.cmpi eq, %shift_right_logical3A_12, %eq3A_14 : vector<32x4096xi32>
    %or3A = arith.ori %eq3A_6, %gt3A_13 : vector<32x4096xi1>
    %jit3A = arith.constant 0.000000e+00 : f32
    %broadcast_in_dim3A_16 = vector.broadcast %jit3A : f32 to vector<32x4096xf32>
    %select_n3A = arith.select %or3A, %get3A_1, %broadcast_in_dim3A_16 : vector<32x4096xi1>, vector<32x4096xf32>
    %reduce_sum3A_17 = arith.constant dense<0.000000e+00> : vector<32xf32>
    %reduce_sum3A_18 = vector.multi_reduction <add>, %select_n3A, %reduce_sum3A_17 [1] : vector<32x4096xf32> to vector<32xf32>
    %broadcast_in_dim3A_19 = vector.shape_cast %reduce_sum3A_18 : vector<32xf32> to vector<32x1xf32>
    %jit3A_20 = arith.constant 0.000000e+00 : f32
    %broadcast_in_dim3A_21 = vector.broadcast %jit3A_20 : f32 to vector<32x4096xf32>
    %select_n3A_22 = arith.select %eq3A_15, %get3A_1, %broadcast_in_dim3A_21 : vector<32x4096xi1>, vector<32x4096xf32>
    %reduce_sum3A_23 = arith.constant dense<0.000000e+00> : vector<32xf32>
    %reduce_sum3A_24 = vector.multi_reduction <add>, %select_n3A_22, %reduce_sum3A_23 [1] : vector<32x4096xf32> to vector<32xf32>
    %broadcast_in_dim3A_25 = vector.shape_cast %reduce_sum3A_24 : vector<32xf32> to vector<32x1xf32>
    %convert_element_type3A_26 = arith.extui %eq3A_15 : vector<32x4096xi1> to vector<32x4096xi32>
    %reduce_sum3A_27 = arith.constant dense<0> : vector<32xi32>
    %reduce_sum3A_28 = vector.multi_reduction <add>, %convert_element_type3A_26, %reduce_sum3A_27 [1] : vector<32x4096xi32> to vector<32xi32>
    %broadcast_in_dim3A_29 = vector.shape_cast %reduce_sum3A_28 : vector<32xi32> to vector<32x1xi32>
    %eq3A_30 = arith.constant 0 : i32
    %eq3A_31 = arith.cmpi eq, %arg0, %eq3A_30 : i32
    %convert_element_type3A_32 = arith.extui %eq3A_31 : i1 to i32
    %cond3A = arith.constant 0 : i32
    %cond3A_33 = arith.cmpi ne, %convert_element_type3A_32, %cond3A : i32
    scf.if %cond3A_33 {
      %swap3A = arith.constant 0 : index
      %swap3A_44 = arith.constant 0 : index
      %swap3A_45 = vector.load %arg6[%swap3A, %swap3A_44] : memref<32x1xf32, #tpu.memory_space<vmem>>, vector<32x1xf32>
      tpu.vector_store %arg6[%swap3A, %swap3A_44], %broadcast_in_dim3A_19 {strides = array<i32>} : memref<32x1xf32, #tpu.memory_space<vmem>>, vector<32x1xf32>,
      %swap3A_46 = arith.constant 0 : index
      %swap3A_47 = arith.constant 0 : index
      %swap3A_48 = vector.load %arg7[%swap3A_46, %swap3A_47] : memref<32x1xf32, #tpu.memory_space<vmem>>, vector<32x1xf32>
      tpu.vector_store %arg7[%swap3A_46, %swap3A_47], %broadcast_in_dim3A_25 {strides = array<i32>} : memref<32x1xf32, #tpu.memory_space<vmem>>, vector<32x1xf32>,
      %swap3A_49 = arith.constant 0 : index
      %swap3A_50 = arith.constant 0 : index
      %swap3A_51 = vector.load %arg8[%swap3A_49, %swap3A_50] : memref<32x1xi32, #tpu.memory_space<vmem>>, vector<32x1xi32>
      tpu.vector_store %arg8[%swap3A_49, %swap3A_50], %broadcast_in_dim3A_29 {strides = array<i32>} : memref<32x1xi32, #tpu.memory_space<vmem>>, vector<32x1xi32>,
      %swap3A_52 = arith.constant 0 : index
      %swap3A_53 = arith.constant 0 : index
      %swap3A_54 = vector.load %arg9[%swap3A_52, %swap3A_53] : memref<32x1xi32, #tpu.memory_space<vmem>>, vector<32x1xi32>
      tpu.vector_store %arg9[%swap3A_52, %swap3A_53], %broadcast_in_dim3A {strides = array<i32>} : memref<32x1xi32, #tpu.memory_space<vmem>>, vector<32x1xi32>,
    } else {
    }
    %gt3A_34 = arith.constant 0 : i32
    %gt3A_35 = arith.cmpi sgt, %arg0, %gt3A_34 : i32
    %convert_element_type3A_36 = arith.extui %gt3A_35 : i1 to i32
    %cond3A_37 = arith.constant 0 : i32
    %cond3A_38 = arith.cmpi ne, %convert_element_type3A_36, %cond3A_37 : i32
    scf.if %cond3A_38 {
      %get3A_44 = arith.constant 0 : index
      %get3A_45 = arith.constant 0 : index
      %get3A_46 = vector.load %arg6[%get3A_44, %get3A_45] : memref<32x1xf32, #tpu.memory_space<vmem>>, vector<32x1xf32>
      %add3A = arith.addf %get3A_46, %broadcast_in_dim3A_19 : vector<32x1xf32>
      %swap3A = arith.constant 0 : index
      %swap3A_47 = arith.constant 0 : index
      %swap3A_48 = vector.load %arg6[%swap3A, %swap3A_47] : memref<32x1xf32, #tpu.memory_space<vmem>>, vector<32x1xf32>
      tpu.vector_store %arg6[%swap3A, %swap3A_47], %add3A {strides = array<i32>} : memref<32x1xf32, #tpu.memory_space<vmem>>, vector<32x1xf32>,
      %get3A_49 = arith.constant 0 : index
      %get3A_50 = arith.constant 0 : index
      %get3A_51 = vector.load %arg7[%get3A_49, %get3A_50] : memref<32x1xf32, #tpu.memory_space<vmem>>, vector<32x1xf32>
      %add3A_52 = arith.addf %get3A_51, %broadcast_in_dim3A_25 : vector<32x1xf32>
      %swap3A_53 = arith.constant 0 : index
      %swap3A_54 = arith.constant 0 : index
      %swap3A_55 = vector.load %arg7[%swap3A_53, %swap3A_54] : memref<32x1xf32, #tpu.memory_space<vmem>>, vector<32x1xf32>
      tpu.vector_store %arg7[%swap3A_53, %swap3A_54], %add3A_52 {strides = array<i32>} : memref<32x1xf32, #tpu.memory_space<vmem>>, vector<32x1xf32>,
      %get3A_56 = arith.constant 0 : index
      %get3A_57 = arith.constant 0 : index
      %get3A_58 = vector.load %arg8[%get3A_56, %get3A_57] : memref<32x1xi32, #tpu.memory_space<vmem>>, vector<32x1xi32>
      %add3A_59 = arith.addi %get3A_58, %broadcast_in_dim3A_29 : vector<32x1xi32>
      %swap3A_60 = arith.constant 0 : index
      %swap3A_61 = arith.constant 0 : index
      %swap3A_62 = vector.load %arg8[%swap3A_60, %swap3A_61] : memref<32x1xi32, #tpu.memory_space<vmem>>, vector<32x1xi32>
      tpu.vector_store %arg8[%swap3A_60, %swap3A_61], %add3A_59 {strides = array<i32>} : memref<32x1xi32, #tpu.memory_space<vmem>>, vector<32x1xi32>,
      %get3A_63 = arith.constant 0 : index
      %get3A_64 = arith.constant 0 : index
      %get3A_65 = vector.load %arg9[%get3A_63, %get3A_64] : memref<32x1xi32, #tpu.memory_space<vmem>>, vector<32x1xi32>
      %add3A_66 = arith.addi %get3A_65, %broadcast_in_dim3A : vector<32x1xi32>
      %swap3A_67 = arith.constant 0 : index
      %swap3A_68 = arith.constant 0 : index
      %swap3A_69 = vector.load %arg9[%swap3A_67, %swap3A_68] : memref<32x1xi32, #tpu.memory_space<vmem>>, vector<32x1xi32>
      tpu.vector_store %arg9[%swap3A_67, %swap3A_68], %add3A_66 {strides = array<i32>} : memref<32x1xi32, #tpu.memory_space<vmem>>, vector<32x1xi32>,
    } else {
    }
    %eq3A_39 = arith.constant 7 : i32
    %eq3A_40 = arith.cmpi eq, %arg0, %eq3A_39 : i32
    %convert_element_type3A_41 = arith.extui %eq3A_40 : i1 to i32
    %cond3A_42 = arith.constant 0 : i32
    %cond3A_43 = arith.cmpi ne, %convert_element_type3A_41, %cond3A_42 : i32
    scf.if %cond3A_43 {
      %get3A_44 = arith.constant 0 : index
      %get3A_45 = arith.constant 0 : index
      %get3A_46 = vector.load %arg9[%get3A_44, %get3A_45] : memref<32x1xi32, #tpu.memory_space<vmem>>, vector<32x1xi32>
      %convert_element_type3A_47 = arith.sitofp %get3A_46 : vector<32x1xi32> to vector<32x1xf32>
      %mul3A = arith.constant 3.000000e+00 : f32
      %mul3A_48 = vector.broadcast %mul3A : f32 to vector<32x1xf32>
      %mul3A_49 = arith.mulf %mul3A_48, %convert_element_type3A_47 : vector<32x1xf32>
      %convert_element_type3A_50 = arith.fptosi %mul3A_49 : vector<32x1xf32> to vector<32x1xi32>
      %sub3A = arith.constant 32768 : i32
      %sub3A_51 = vector.broadcast %sub3A : i32 to vector<32x1xi32>
      %sub3A_52 = arith.subi %sub3A_51, %get3A_46 : vector<32x1xi32>
      %min3A = arith.minsi %convert_element_type3A_50, %sub3A_52 : vector<32x1xi32>
      %get3A_53 = arith.constant 0 : index
      %get3A_54 = arith.constant 0 : index
      %get3A_55 = vector.load %arg4[%get3A_53, %get3A_54] : memref<32x16xi32, #tpu.memory_space<vmem>>, vector<32x1xi32>
      %convert_element_type3A_56 = arith.sitofp %get3A_55 : vector<32x1xi32> to vector<32x1xf32>
      %gt3A_57 = arith.constant 0.000000e+00 : f32
      %gt3A_58 = vector.broadcast %gt3A_57 : f32 to vector<32x1xf32>
      %gt3A_59 = arith.cmpf ogt, %convert_element_type3A_56, %gt3A_58 : vector<32x1xf32>
      %get3A_60 = arith.constant 0 : index
      %get3A_61 = arith.constant 0 : index
      %get3A_62 = vector.load %arg7[%get3A_60, %get3A_61] : memref<32x1xf32, #tpu.memory_space<vmem>>, vector<32x1xf32>
      %mul3A_63 = arith.mulf %convert_element_type3A_56, %get3A_62 : vector<32x1xf32>
      %get3A_64 = arith.constant 0 : index
      %get3A_65 = arith.constant 0 : index
      %get3A_66 = vector.load %arg8[%get3A_64, %get3A_65] : memref<32x1xi32, #tpu.memory_space<vmem>>, vector<32x1xi32>
      %max3A = arith.constant 1 : i32
      %max3A_67 = vector.broadcast %max3A : i32 to vector<32x1xi32>
      %max3A_68 = arith.maxsi %get3A_66, %max3A_67 : vector<32x1xi32>
      %convert_element_type3A_69 = arith.sitofp %max3A_68 : vector<32x1xi32> to vector<32x1xf32>
      %div3A = arith.divf %mul3A_63, %convert_element_type3A_69 : vector<32x1xf32>
      %jit3A_70 = arith.constant 0.000000e+00 : f32
      %broadcast_in_dim3A_71 = vector.broadcast %jit3A_70 : f32 to vector<32x1xf32>
      %select_n3A_72 = arith.select %gt3A_59, %div3A, %broadcast_in_dim3A_71 : vector<32x1xi1>, vector<32x1xf32>
      %get3A_73 = arith.constant 0 : index
      %get3A_74 = arith.constant 0 : index
      %get3A_75 = vector.load %arg6[%get3A_73, %get3A_74] : memref<32x1xf32, #tpu.memory_space<vmem>>, vector<32x1xf32>
      %add3A = arith.addf %get3A_75, %select_n3A_72 : vector<32x1xf32>
      %reduce_sum3A_76 = vector.shape_cast %add3A : vector<32x1xf32> to vector<1x32x1xf32>
      %reduce_sum3A_77 = arith.constant dense<0.000000e+00> : vector<1xf32>
      %reduce_sum3A_78 = vector.multi_reduction <add>, %reduce_sum3A_76, %reduce_sum3A_77 [1, 2] : vector<1x32x1xf32> to vector<1xf32>
      %reduce_sum3A_79 = vector.shape_cast %reduce_sum3A_78 : vector<1xf32> to vector<1x1x1xf32>
      %reduce_sum3A_80 = vector.extract %reduce_sum3A_79[0, 0, 0] : f32 from vector<1x1x1xf32>
      %add3A_81 = arith.addi %get3A_46, %min3A : vector<32x1xi32>
      %reduce_sum3A_82 = vector.shape_cast %add3A_81 : vector<32x1xi32> to vector<1x32x1xi32>
      %reduce_sum3A_83 = arith.constant dense<0> : vector<1xi32>
      %reduce_sum3A_84 = vector.multi_reduction <add>, %reduce_sum3A_82, %reduce_sum3A_83 [1, 2] : vector<1x32x1xi32> to vector<1xi32>
      %reduce_sum3A_85 = vector.shape_cast %reduce_sum3A_84 : vector<1xi32> to vector<1x1x1xi32>
      %reduce_sum3A_86 = vector.extract %reduce_sum3A_85[0, 0, 0] : i32 from vector<1x1x1xi32>
      %convert_element_type3A_87 = arith.sitofp %reduce_sum3A_86 : i32 to f32
      %div3A_88 = arith.divf %reduce_sum3A_80, %convert_element_type3A_87 : f32
      %reshape3A = vector.broadcast %div3A_88 : f32 to vector<1x1xf32>
      %swap3A = arith.constant 0 : index
      %swap3A_89 = arith.constant 0 : index
      %swap3A_90 = vector.load %arg5[%swap3A, %swap3A_89] : memref<1x1xf32, #tpu.memory_space<vmem>>, vector<1x1xf32>
      tpu.vector_store %arg5[%swap3A, %swap3A_89], %reshape3A {strides = array<i32>} : memref<1x1xf32, #tpu.memory_space<vmem>>, vector<1x1xf32>,
    } else {
    }
    return
  }
  func.func @transform_0(%arg0: i32) -> (i32, i32) {
    %c0_i32 = arith.constant 0 : i32
    %c0_i32_0 = arith.constant 0 : i32
    return %c0_i32, %arg0 : i32, i32
  }
  func.func @transform_1(%arg0: i32) -> (i32, i32) {
    %c0_i32 = arith.constant 0 : i32
    %c0_i32_0 = arith.constant 0 : i32
    return %c0_i32, %arg0 : i32, i32
  }
  func.func @transform_2(%arg0: i32) -> (i32, i32) {
    %c0_i32 = arith.constant 0 : i32
    %c0_i32_0 = arith.constant 0 : i32
    %c0_i32_1 = arith.constant 0 : i32
    return %c0_i32, %c0_i32_0 : i32, i32
  }
  func.func @transform_3(%arg0: i32) -> (i32, i32) {
    %c0_i32 = arith.constant 0 : i32
    %c0_i32_0 = arith.constant 0 : i32
    %c0_i32_1 = arith.constant 0 : i32
    return %c0_i32, %c0_i32_0 : i32, i32
  }
  func.func @transform_4(%arg0: i32) -> (i32, i32) {
    %c0_i32 = arith.constant 0 : i32
    %c0_i32_0 = arith.constant 0 : i32
    %c0_i32_1 = arith.constant 0 : i32
    return %c0_i32, %c0_i32_0 : i32, i32
  }
}

module attributes {stable_mosaic.version = 14 : i64} {
  func.func @_elem_body(%arg0: i32, %arg1: memref<32x4096xf32, #tpu.memory_space<vmem>>, %arg2: memref<32x4096xf32, #tpu.memory_space<vmem>>, %arg3: memref<32x4096xf32, #tpu.memory_space<vmem>>, %arg4: memref<32x4096xi32, #tpu.memory_space<vmem>>) attributes {dimension_semantics = [#tpu.dimension_semantics<arbitrary>], iteration_bounds = array<i64: 8>, scalar_prefetch = 0 : i64, scratch_operands = 0 : i64, tpu.core_type = #tpu.core_type<tc>, window_params = [{transform_indices = @transform_0, window_bounds = array<i64: 32, 4096>}, {transform_indices = @transform_1, window_bounds = array<i64: 32, 4096>}, {transform_indices = @transform_2, window_bounds = array<i64: 32, 4096>}, {transform_indices = @transform_3, window_bounds = array<i64: 32, 4096>}]} {
    %get3A = arith.constant 0 : index
    %get3A_0 = arith.constant 0 : index
    %get3A_1 = vector.load %arg1[%get3A, %get3A_0] : memref<32x4096xf32, #tpu.memory_space<vmem>>, vector<32x4096xf32>
    %get3A_2 = arith.constant 0 : index
    %get3A_3 = arith.constant 0 : index
    %get3A_4 = vector.load %arg2[%get3A_2, %get3A_3] : memref<32x4096xf32, #tpu.memory_space<vmem>>, vector<32x4096xf32>
    %abs3A = math.absf %get3A_1 : vector<32x4096xf32>
    %neg3A = arith.constant 0.000000e+00 : f32
    %neg3A_5 = vector.broadcast %neg3A : f32 to vector<32x4096xf32>
    %neg3A_6 = arith.subf %neg3A_5, %abs3A : vector<32x4096xf32>
    %exp3A = math.exp %neg3A_6 : vector<32x4096xf32>
    %add3A = arith.constant 1.000000e+00 : f32
    %add3A_7 = vector.broadcast %add3A : f32 to vector<32x4096xf32>
    %add3A_8 = arith.addf %add3A_7, %exp3A : vector<32x4096xf32>
    %log3A = math.log %add3A_8 : vector<32x4096xf32>
    %min3A = arith.constant 0.000000e+00 : f32
    %min3A_9 = vector.broadcast %min3A : f32 to vector<32x4096xf32>
    %min3A_10 = arith.minimumf %get3A_1, %min3A_9 : vector<32x4096xf32>
    %sub3A = arith.subf %min3A_10, %log3A : vector<32x4096xf32>
    %neg3A_11 = arith.constant 0.000000e+00 : f32
    %neg3A_12 = vector.broadcast %neg3A_11 : f32 to vector<32x4096xf32>
    %neg3A_13 = arith.subf %neg3A_12, %get3A_1 : vector<32x4096xf32>
    %min3A_14 = arith.constant 0.000000e+00 : f32
    %min3A_15 = vector.broadcast %min3A_14 : f32 to vector<32x4096xf32>
    %min3A_16 = arith.minimumf %neg3A_13, %min3A_15 : vector<32x4096xf32>
    %sub3A_17 = arith.subf %min3A_16, %log3A : vector<32x4096xf32>
    %ge3A = arith.constant 0.000000e+00 : f32
    %ge3A_18 = vector.broadcast %ge3A : f32 to vector<32x4096xf32>
    %ge3A_19 = arith.cmpf oge, %get3A_1, %ge3A_18 : vector<32x4096xf32>
    %add3A_20 = arith.constant 1.000000e+00 : f32
    %add3A_21 = vector.broadcast %add3A_20 : f32 to vector<32x4096xf32>
    %add3A_22 = arith.addf %add3A_21, %exp3A : vector<32x4096xf32>
    %div3A = arith.constant 1.000000e+00 : f32
    %div3A_23 = vector.broadcast %div3A : f32 to vector<32x4096xf32>
    %div3A_24 = arith.divf %div3A_23, %add3A_22 : vector<32x4096xf32>
    %add3A_25 = arith.constant 1.000000e+00 : f32
    %add3A_26 = vector.broadcast %add3A_25 : f32 to vector<32x4096xf32>
    %add3A_27 = arith.addf %add3A_26, %exp3A : vector<32x4096xf32>
    %div3A_28 = arith.divf %exp3A, %add3A_27 : vector<32x4096xf32>
    %select_n3A = arith.select %ge3A_19, %div3A_24, %div3A_28 : vector<32x4096xi1>, vector<32x4096xf32>
    %mul3A = arith.mulf %get3A_4, %sub3A : vector<32x4096xf32>
    %sub3A_29 = arith.constant 1.000000e+00 : f32
    %sub3A_30 = vector.broadcast %sub3A_29 : f32 to vector<32x4096xf32>
    %sub3A_31 = arith.subf %sub3A_30, %get3A_4 : vector<32x4096xf32>
    %mul3A_32 = arith.mulf %sub3A_31, %sub3A_17 : vector<32x4096xf32>
    %add3A_33 = arith.addf %mul3A, %mul3A_32 : vector<32x4096xf32>
    %neg3A_34 = arith.constant 0.000000e+00 : f32
    %neg3A_35 = vector.broadcast %neg3A_34 : f32 to vector<32x4096xf32>
    %neg3A_36 = arith.subf %neg3A_35, %add3A_33 : vector<32x4096xf32>
    %mul3A_37 = arith.mulf %get3A_4, %select_n3A : vector<32x4096xf32>
    %sub3A_38 = arith.constant 1.000000e+00 : f32
    %sub3A_39 = vector.broadcast %sub3A_38 : f32 to vector<32x4096xf32>
    %sub3A_40 = arith.subf %sub3A_39, %get3A_4 : vector<32x4096xf32>
    %sub3A_41 = arith.constant 1.000000e+00 : f32
    %sub3A_42 = vector.broadcast %sub3A_41 : f32 to vector<32x4096xf32>
    %sub3A_43 = arith.subf %sub3A_42, %select_n3A : vector<32x4096xf32>
    %mul3A_44 = arith.mulf %sub3A_40, %sub3A_43 : vector<32x4096xf32>
    %add3A_45 = arith.addf %mul3A_37, %mul3A_44 : vector<32x4096xf32>
    %sub3A_46 = arith.constant 1.000000e+00 : f32
    %sub3A_47 = vector.broadcast %sub3A_46 : f32 to vector<32x4096xf32>
    %sub3A_48 = arith.subf %sub3A_47, %add3A_45 : vector<32x4096xf32>
    %mul3A_49 = arith.mulf %sub3A_48, %sub3A_48 : vector<32x4096xf32>
    %mul3A_50 = arith.mulf %neg3A_36, %mul3A_49 : vector<32x4096xf32>
    %mul3A_51 = arith.constant 7.500000e-01 : f32
    %mul3A_52 = vector.broadcast %mul3A_51 : f32 to vector<32x4096xf32>
    %mul3A_53 = arith.mulf %get3A_4, %mul3A_52 : vector<32x4096xf32>
    %sub3A_54 = arith.constant 1.000000e+00 : f32
    %sub3A_55 = vector.broadcast %sub3A_54 : f32 to vector<32x4096xf32>
    %sub3A_56 = arith.subf %sub3A_55, %get3A_4 : vector<32x4096xf32>
    %mul3A_57 = arith.constant 2.500000e-01 : f32
    %mul3A_58 = vector.broadcast %mul3A_57 : f32 to vector<32x4096xf32>
    %mul3A_59 = arith.mulf %sub3A_56, %mul3A_58 : vector<32x4096xf32>
    %add3A_60 = arith.addf %mul3A_53, %mul3A_59 : vector<32x4096xf32>
    %mul3A_61 = arith.mulf %mul3A_50, %add3A_60 : vector<32x4096xf32>
    %lt3A = arith.constant 5.000000e-01 : f32
    %lt3A_62 = vector.broadcast %lt3A : f32 to vector<32x4096xf32>
    %lt3A_63 = arith.cmpf olt, %select_n3A, %lt3A_62 : vector<32x4096xf32>
    %eq3A = arith.constant 1.000000e+00 : f32
    %eq3A_64 = vector.broadcast %eq3A : f32 to vector<32x4096xf32>
    %eq3A_65 = arith.cmpf oeq, %get3A_4, %eq3A_64 : vector<32x4096xf32>
    %and3A = arith.andi %lt3A_63, %eq3A_65 : vector<32x4096xi1>
    %ge3A_66 = arith.constant 5.000000e-01 : f32
    %ge3A_67 = vector.broadcast %ge3A_66 : f32 to vector<32x4096xf32>
    %ge3A_68 = arith.cmpf oge, %select_n3A, %ge3A_67 : vector<32x4096xf32>
    %eq3A_69 = arith.constant 0.000000e+00 : f32
    %eq3A_70 = vector.broadcast %eq3A_69 : f32 to vector<32x4096xf32>
    %eq3A_71 = arith.cmpf oeq, %get3A_4, %eq3A_70 : vector<32x4096xf32>
    %and3A_72 = arith.andi %ge3A_68, %eq3A_71 : vector<32x4096xi1>
    %or3A = arith.ori %and3A, %and3A_72 : vector<32x4096xi1>
    %mul3A_73 = arith.constant 3.000000e+00 : f32
    %mul3A_74 = vector.broadcast %mul3A_73 : f32 to vector<32x4096xf32>
    %mul3A_75 = arith.mulf %mul3A_61, %mul3A_74 : vector<32x4096xf32>
    %select_n3A_76 = arith.select %or3A, %mul3A_75, %mul3A_61 : vector<32x4096xi1>, vector<32x4096xf32>
    %swap3A = arith.constant 0 : index
    %swap3A_77 = arith.constant 0 : index
    %swap3A_78 = vector.load %arg3[%swap3A, %swap3A_77] : memref<32x4096xf32, #tpu.memory_space<vmem>>, vector<32x4096xf32>
    tpu.vector_store %arg3[%swap3A, %swap3A_77], %select_n3A_76 {strides = array<i32>} : memref<32x4096xf32, #tpu.memory_space<vmem>>, vector<32x4096xf32>,
    %gt3A = arith.constant 0.000000e+00 : f32
    %gt3A_79 = vector.broadcast %gt3A : f32 to vector<32x4096xf32>
    %gt3A_80 = arith.cmpf ogt, %get3A_4, %gt3A_79 : vector<32x4096xf32>
    %bitcast_convert_type3A = tpu.bitcast %get3A_1 : vector<32x4096xf32> -> vector<32x4096xi32>
    %shift_right_arithmetic3A = arith.constant 31 : i32
    %shift_right_arithmetic3A_81 = vector.broadcast %shift_right_arithmetic3A : i32 to vector<32x4096xi32>
    %shift_right_arithmetic3A_82 = arith.shrsi %bitcast_convert_type3A, %shift_right_arithmetic3A_81 : vector<32x4096xi32>
    %or3A_83 = arith.constant -2147483648 : i32
    %or3A_84 = vector.broadcast %or3A_83 : i32 to vector<32x4096xi32>
    %or3A_85 = arith.ori %shift_right_arithmetic3A_82, %or3A_84 : vector<32x4096xi32>
    %xor3A = arith.xori %bitcast_convert_type3A, %or3A_85 : vector<32x4096xi32>
    %jit3A = arith.constant 0 : i32
    %broadcast_in_dim3A = vector.broadcast %jit3A : i32 to vector<32x4096xi32>
    %select_n3A_86 = arith.select %gt3A_80, %broadcast_in_dim3A, %xor3A : vector<32x4096xi1>, vector<32x4096xi32>
    %swap3A_87 = arith.constant 0 : index
    %swap3A_88 = arith.constant 0 : index
    %swap3A_89 = vector.load %arg4[%swap3A_87, %swap3A_88] : memref<32x4096xi32, #tpu.memory_space<vmem>>, vector<32x4096xi32>
    tpu.vector_store %arg4[%swap3A_87, %swap3A_88], %select_n3A_86 {strides = array<i32>} : memref<32x4096xi32, #tpu.memory_space<vmem>>, vector<32x4096xi32>,
    return
  }
  func.func @transform_0(%arg0: i32) -> (i32, i32) {
    %c0_i32 = arith.constant 0 : i32
    %c0_i32_0 = arith.constant 0 : i32
    return %c0_i32, %arg0 : i32, i32
  }
  func.func @transform_1(%arg0: i32) -> (i32, i32) {
    %c0_i32 = arith.constant 0 : i32
    %c0_i32_0 = arith.constant 0 : i32
    return %c0_i32, %arg0 : i32, i32
  }
  func.func @transform_2(%arg0: i32) -> (i32, i32) {
    %c0_i32 = arith.constant 0 : i32
    %c0_i32_0 = arith.constant 0 : i32
    return %c0_i32, %arg0 : i32, i32
  }
  func.func @transform_3(%arg0: i32) -> (i32, i32) {
    %c0_i32 = arith.constant 0 : i32
    %c0_i32_0 = arith.constant 0 : i32
    return %c0_i32, %arg0 : i32, i32
  }
}

</mosaic_0001>

<sc_bundles>
// kernel: kernel.5.cloned.1.call-start
scs
__scs_entry_jumppad:
0x0: {  	(pc) =	sbr.rel $0x88, $3  }
0x1: {  	(tag) =	ssettag $0x0;
	lr =	simm.s32 $0x1  }
0x2: {  	[smem:$0x3F9F] =	sst lr;
	_ =	strace $0xD0000000  }
0x3: {  	_ = 	snop  }
0x4: {  	_ = 	snop  }
0x5: {  	_ = 	snop  }
0x6: {  	_ = 	snop  }
0x7: {  	_ = 	snop  }
__scs_overlays_trampoline_lowered:
0x8: {  	[smem:$0x3FAE] =	sst s0  }
0x9: {  	[smem:$0x3FAF] =	sst s1  }
0xa: {  	[smem:$0x3FB0] =	sst s2  }
0xb: {  	[smem:$0x3FB1] =	sst s3  }
0xc: {  	[smem:$0x3FB2] =	sst s4  }
0xd: {  	[smem:$0x3FB3] =	sst s5  }
0xe: {  	[smem:$0x3FB4] =	sst s6  }
0xf: {  	[smem:$0x3FB5] =	sst s7  }
0x10: {  	[smem:$0x3FB6] =	sst s8  }
0x11: {  	[smem:$0x3FB7] =	sst s9;
	s0 =	simm.s32 @!p0 $0x0  }
0x12: {  	s1 =	sld [smem:$0x3F9D];
	s0 =	simm.s32 @p0 $0x1  }
0x13: {  	[smem:$0x3FB8] =	sst s0;
	s0 =	simm.s32 @!p1 $0x0  }
0x14: {  	s2 =	sld [smem:$0x3F9C];
	s0 =	simm.s32 @p1 $0x1  }
0x15: {  	[smem:$0x3FB9] =	sst s0;
	s0 =	simm.s32 @!p2 $0x0  }
0x16: {  	s3 =	sld [smem:$0x3FDB];
	s0 =	simm.s32 @p2 $0x1  }
0x17: {  	s4 =	simm.s32 $0x1BF5;
	[smem:$0x3FBB] =	sst s0  }
0x18: {  	s0 =	sld [smem:$0x3F9E];
	_ =	swait.ge [sflag:s4], $0x0  }
0x19: {  	s7 =	sld [smem:$0x3F9F]  }
0x1a: {  	s8 =	sadd.s32 $0xFFFFE003, lr  }
0x1b: {  	s9 =	sadd.s32 $0xFFFFFEF7, lr;
	s5 =	simm.s32 $0xFFFFFFFF;
	p2 =	slt.u32 s8, $0xFFFFF086  }
0x1c: {  	p1 =	slt.u32 s9, $0xF7A;
	s5 =	simm.s32 @!p2 $0x0  }
0x1d: {  	s5 =	simm.s32 @p1 $0x1;
	p0 =	seq.s32 s7, s2  }
0x1e: {  	s7 =	smul.u32 @!p0 $0xF7A, s2;
	p2 =	seq.s32 @!p0 s5, $0x0  }
0x1f: {  	s9 =	smul.u32 $0xF7A, s1;
	s8 =	simm.s32 @!p0 $0x1BF5;
	p2 =	por !p2, p0  }
0x20: {  	[sflag:s8] =	ssyncset.s32 @!p0 $0xFFFFF086;
	s6 =	sadd.s32 @!p0 s3, s7;
	s7 =	simm.s32 @!p0 $0x108  }
0x21: {  	s3 =	sadd.s32 s3, s9;
	s6 =	sadd.s32 @!p0 $0x88, s6;
	s7 =	simm.s32 @p2 $0x1082  }
0x22: {  	[simem:s7], [sflag:s8] =	dma.local @!p0 [hbm:s6], $0xF7A  }
0x23: {  	s9 =	sor.u32 $0xD0000000, s2;
	s6 =	simm.s32 $0x108;
	_ =	swait.ge @!p0 [sflag:s8], $0x0  }
0x24: {  	s3 =	sadd.s32 $0x88, s3;
	s6 =	simm.s32 @!p1 $0x1082;
	[sflag:s4] =	ssyncset.s32 $0xFFFFF086  }
0x25: {  	[simem:s6], [sflag:s4] =	dma.local [hbm:s3], $0xF7A  }
0x26: {  	[smem:$0x3F9F] =	sst s1;
	(tag) =	ssettag s2;
	_ =	strace s9  }
0x27: {  	s1 =	sld [smem:$0x3FAF]  }
0x28: {  	s2 =	sld [smem:$0x3FB0]  }
0x29: {  	s4 =	sld [smem:$0x3FB2]  }
0x2a: {  	p0 =	seq.s32 s5, $0x0;
	s5 =	sld [smem:$0x3FB3]  }
0x2b: {  	s6 =	sld [smem:$0x3FB4]  }
0x2c: {  	s7 =	sld [smem:$0x3FB5]  }
0x2d: {  	s3 =	simm.s32 $0x108;
	s8 =	sld [smem:$0x3FB6]  }
0x2e: {  	s3 =	simm.s32 @!p0 $0x1082;
	s9 =	sld [smem:$0x3FB7]  }
0x2f: {  	lr =	sadd.s32 s0, s3;
	s0 =	sld [smem:$0x3FAE]  }
0x30: {  	s3 =	sld [smem:$0x3FB1]  }
0x31: {  	[smem:$0x3FBA] =	sst s10  }
0x32: {  	s10 =	sld [smem:$0x3FB8];
	_ =	sdelay $0x3  }
0x33: {  	p0 =	seq.s32 s10, $0x1;
	s10 =	sld [smem:$0x3FBA];
	_ =	sdelay $0x3  }
0x34: {  	[smem:$0x3FBA] =	sst s10  }
0x35: {  	s10 =	sld [smem:$0x3FB9];
	_ =	sdelay $0x3  }
0x36: {  	p1 =	seq.s32 s10, $0x1;
	s10 =	sld [smem:$0x3FBA];
	_ =	sdelay $0x3  }
0x37: {  	[smem:$0x3FBA] =	sst s10  }
0x38: {  	s10 =	sld [smem:$0x3FBB]  }
0x39: {  	_ = 	snop;
	(pc) =	sbr.ind lr, $3  }
0x3a: {  	_ = 	snop  }
0x3b: {  	_ = 	snop  }
0x3c: {  	p2 =	seq.s32 s10, $0x1;
	s10 =	sld [smem:$0x3FBA]  }
0x3d: {  	_ =	shalt  }
0x3e: {  	_ =	shalt  }
0x3f: {  	_ =	shalt  }
0x40: {  	_ =	shalt  }
0x41: {  	_ =	shalt  }
0x42: {  	_ =	shalt  }
0x43: {  	_ =	shalt  }
0x44: {  	_ =	shalt  }
0x45: {  	_ =	shalt  }
0x46: {  	_ =	shalt  }
0x47: {  	_ =	shalt  }
0x48: {  	_ =	shalt  }
0x49: {  	_ =	shalt  }
0x4a: {  	_ =	shalt  }
0x4b: {  	_ =	shalt  }
0x4c: {  	_ =	shalt  }
0x4d: {  	_ =	shalt  }
0x4e: {  	_ =	shalt  }
0x4f: {  	_ =	shalt  }
0x50: {  	_ =	shalt  }
0x51: {  	_ =	shalt  }
0x52: {  	_ =	shalt  }
0x53: {  	_ =	shalt  }
0x54: {  	_ =	shalt  }
0x55: {  	_ =	shalt  }
0x56: {  	_ =	shalt  }
0x57: {  	_ =	shalt  }
0x58: {  	_ =	shalt  }
0x59: {  	_ =	shalt  }
0x5a: {  	_ =	shalt  }
0x5b: {  	_ =	shalt  }
0x5c: {  	_ =	shalt  }
0x5d: {  	_ =	shalt  }
0x5e: {  	_ =	shalt  }
0x5f: {  	_ =	shalt  }
0x60: {  	_ =	shalt  }
0x61: {  	_ =	shalt  }
0x62: {  	_ =	shalt  }
0x63: {  	_ =	shalt  }
0x64: {  	_ =	shalt  }
0x65: {  	_ =	shalt  }
0x66: {  	_ =	shalt  }
0x67: {  	_ =	shalt  }
0x68: {  	_ =	shalt  }
0x69: {  	_ =	shalt  }
0x6a: {  	_ =	shalt  }
0x6b: {  	_ =	shalt  }
0x6c: {  	_ =	shalt  }
0x6d: {  	_ =	shalt  }
0x6e: {  	_ =	shalt  }
0x6f: {  	_ =	shalt  }
0x70: {  	_ =	shalt  }
0x71: {  	_ =	shalt  }
0x72: {  	_ =	shalt  }
0x73: {  	_ =	shalt  }
0x74: {  	_ =	shalt  }
0x75: {  	_ =	shalt  }
0x76: {  	_ =	shalt  }
0x77: {  	_ =	shalt  }
0x78: {  	_ =	shalt  }
0x79: {  	_ =	shalt  }
0x7a: {  	_ =	shalt  }
0x7b: {  	_ =	shalt  }
0x7c: {  	_ =	shalt  }
0x7d: {  	_ =	shalt  }
0x7e: {  	_ =	shalt  }
0x7f: {  	_ =	shalt  }
0x80: {  	_ =	shalt  }
0x81: {  	_ =	shalt  }
0x82: {  	_ =	shalt  }
0x83: {  	_ =	shalt  }
0x84: {  	_ =	shalt  }
0x85: {  	_ =	shalt  }
0x86: {  	_ =	shalt  }
0x87: {  	_ =	shalt  }
.Lfunc_end0:
.L_simem_size_0:
called_computation_lowered:
.L_overlay_start_0:
0x88: {  	s2 =	sld [smem:$0x3FD9]  }
0x89: {  	s3 =	sld [smem:$0x3FFE];
	_ =	sdelay $0x1  }
0x8a: {  	s1 =	srdreg.scid  }
0x8b: {  	s0 =	sand.u32 $0x1, s1  }
0x8c: {  	s17 =	sshll.u32 s0, $0xA;
	s2 =	sadd.s32 s3, s2  }
0x8d: {  	s2 =	sadd.s32 s2, s17  }
0x8e: {  	[smem:$0x3FC6] =	sst s2  }
0x8f: {  	_ = 	snop  }
0x90: {  	s2 =	sld [smem:$0x3FC9]  }
0x91: {  	s18 =	sld [smem:$0x3FC8];
	(tm) =	ssettm $0x1  }
0x92: {  	s4 =	sld [smem:$0x3FFB];
	_ =	sdelay $0x3  }
0x93: {  	_ =	strace s4  }
0x94: {  	s4 =	sld [smem:$0x3FFC];
	_ =	sdelay $0x3  }
0x95: {  	_ =	strace s4  }
0x96: {  	s4 =	sld [smem:$0x3FFD];
	_ =	sdelay $0x3  }
0x97: {  	_ =	strace s4  }
0x98: {  	_ =	strace $0x8FFFFFFF  }
0x99: {  	s19 =	sld [smem:$0x3FDB];
	_ =	sdelay $0x1  }
0x9a: {  	s5 =	simm.s32 $_scs_section_size  }
0x9b: {  	s6 =	simm.s32 $_size__tile_overlayer_lowered;
	s7 =	simm.s32 $_tile_overlayer_lowered  }
0x9c: {  	s22 =	simm.s32 $0x1BFF;
	s21 =	sshll.u32 s7, $0x1;
	s4 =	sadd.s32 s5, s19  }
0x9d: {  	s8 =	simm.s32 $0x0;
	s20 =	sshll.u32 s6, $0x1;
	s6 =	sadd.s32 s21, s4  }
0x9e: {  	[timem:s8], [sflag:s22] =	dma.local [hbm:s6], s20  }
0x9f: {  	_ =	swait.ge [sflag:s22], s20  }
0xa0: {  	s5 =	ssub.s32 $0x0, s20;
	[sflag:s22] =	ssyncset.done $0x0  }
0xa1: {  	[sflag:s22] =	ssyncadd.s32 s5;
	_ =	sdelay $0x1  }
0xa2: {  	s23 =	simm.s32 $0x1B8B  }
0xa3: {  	_ =	swait.ge [sflag:s23], $0x1  }
0xa4: {  	[sflag:s23] =	ssyncset.done $0x0  }
0xa5: {  	s25 =	simm.s32 $0x1B8E;
	s24 =	sld [smem:$0x3FFE];
	[sflag:s23] =	ssyncadd.s32 $0xFFFFFFFF  }
0xa6: {  	s26 =	simm.s32 $execute0_lowered;
	[smem:$0x3FD2] =	sst s25  }
0xa7: {  	s6 =	sshll.u32 s26, $0x1;
	_ =	strace $0x80000046;
	[dreg:$0x1] =	wrdreg $0xFFFFFFFF  }
0xa8: {  	s28 =	simm.s32 $_size_execute0_lowered;
	s4 =	sadd.s32 s4, s6;
	[dreg:$0x0] =	wrdreg $0x0  }
0xa9: {  	s6 =	sshll.u32 s28, $0x1;
	[dreg:$0x2] =	wrdreg s4  }
0xaa: {  	[dreg:$0x3] =	wrdreg s6  }
0xab: {  	[dreg:$0x4] =	wrdreg $0xC0  }
0xac: {  	_ =	task [dreg:s8], $0x5FFFF  }
0xad: {  	[dreg:$0x1] =	wrdreg $0xFFFFFFFF  }
0xae: {  	[dreg:$0x0] =	wrdreg $0x60  }
0xaf: {  	[dreg:$0x2] =	wrdreg s2  }
0xb0: {  	[dreg:$0x3] =	wrdreg s18  }
0xb1: {  	[dreg:$0x4] =	wrdreg s24  }
0xb2: {  	[dreg:$0x5] =	wrdreg $0x9  }
0xb3: {  	_ =	task.clear_ibuf [dreg:s8], $0x6FFFF;
	_ =	strace $0x90000046  }
0xb4: {  	s29 =	simm.s32 $0x9;
	_ =	strace $0x80000048  }
0xb5: {  	_ =	swait.ge [sflag:s29], $0x1  }
0xb6: {  	[sflag:s29] =	ssyncadd.s32 $0xFFFFFFFF  }
0xb7: {  	_ =	strace $0x90000048  }
0xb8: {  	_ =	sfence  }
0xb9: {  	s30 =	sld [smem:$0x0];
	_ =	sdelay $0x2  }
0xba: {  	s31 =	sshll.u32 s1, $0xD;
	s1 =	sshrl.u32 s1, $0x2  }
0xbb: {  	s3 =	sand.u32 $0x4000, s31;
	s1 =	sadd.s32 s1, s30  }
0xbc: {  	s0 =	sor.u32 s3, s0;
	s1 =	sshll.u32 s1, $0x11  }
0xbd: {  	s0 =	sor.u32 s1, s0  }
0xbe: {  	s0 =	sadd.s32 $0x8F2B, s0  }
0xbf: {  	[sflag:s0] =	ssyncadd.remote.s32 $0x1  }
0xc0: {  	_ =	sfence.sel $0xFFFF  }
0xc1: {  	[dreg:$0x0] =	wrdreg $0xFFFFFFFF;
	(pc) =	sbr.abs _section_cstart, $3  }
0xc2: {  	[dreg:$0x1] =	wrdreg $0xFFFFFFFF  }
0xc3: {  	_ =	task.clear_ibuf [dreg:s8], $0x2FFFF;
	_ =	strace $0x9FFFFFFF  }
0xc4: {  	(tm) =	ssettm $0x7FFFFFFF  }
0xc5: {  	_ =	shalt  }
tec
execute0_lowered:
.L_overlay_start_1:
0x0: {  	(tag) =	ssettag $0x1  }
0x1: {  	s0 =	rddreg [dreg:$0x0]  }
0x2: {  	s1 =	rddreg [dreg:$0x1]  }
0x3: {  	s2 =	rddreg [dreg:$0x2];
	s3 =	srdreg.scid  }
0x4: {  	s8 =	simm.s32 $0x0;
	s5 =	stileid.u32;
	s3 =	sand.u32 $0x1, s3  }
0x5: {  	s4 =	sshll.u32 s5, $0x8;
	s5 =	sshrl.u32 s5, $0x2;
	s6 =	sshll.u32 s3, $0x7  }
0x6: {  	s4 =	sand.u32 $0x300, s4;
	s20 =	sshll.u32 s5, $0xA;
	s3 =	ssub.s32 $0x2, s3  }
0x7: {  	s5 =	sshll.u32 s5, $0x12;
	s4 =	sor.u32 s6, s4;
	s7 =	sshrl.u32 s3, $0x1  }
0x8: {  	s6 =	sor.u32 s20, s4;
	s4 =	sor.u32 s5, s4;
	s3 =	ssub.s32 s3, s7  }
0x9: {  	[smem:$0x7FF] =	sst s8;
	s4 =	sshrl.u32 s4, $0x3;
	s31 =	smax.u32 s3, $0x1  }
0xa: {  	_ =	strace $0x80000047;
	s21 =	sadd.s32 s0, s4;
	[dreg:$0xe] =	wrdreg s31  }
0xb: {  	s22 =	sadd.s32 s1, s4;
	s23 =	sor.u32 $0x2000, s4;
	[dreg:$0x4] =	wrdreg s21  }
0xc: {  	s6 =	sshrl.u32 s6, $0x3;
	[dreg:$0x5] =	wrdreg s22;
	s24 =	sadd.s32 s0, s23  }
0xd: {  	s25 =	sor.u32 $0x4000, s4;
	s5 =	sadd.s32 s1, s23;
	[dreg:$0x6] =	wrdreg s24  }
0xe: {  	s4 =	sor.u32 $0x6000, s4;
	s26 =	sadd.s32 s0, s25;
	[dreg:$0x7] =	wrdreg s5  }
0xf: {  	s2 =	sadd.s32 s6, s2;
	s0 =	sadd.s32 s0, s4;
	[dreg:$0x8] =	wrdreg s26  }
.Ltmp0:
0x10: {  	s28 =	sadd.s32 s1, s4;
	[dreg:$0xa] =	wrdreg s0;
	(pc) =	sbr.rel .LBB2_1-.Ltmp0, $4  }
0x11: {  	s29 =	sadd.s32 $0x1200, s2;
	[dreg:$0xb] =	wrdreg s28  }
0x12: {  	s30 =	sadd.s32 $0x1400, s2;
	[dreg:$0xc] =	wrdreg s29  }
0x13: {  	v0 =	vimm.s32 $0xFFFFFF;
	s5 =	sadd.s32 s1, s25;
	[dreg:$0xd] =	wrdreg s30  }
0x14: {  	v1 =	vimm.s32 $0x0;
	v2 =	vlaneseq.u32;
	v3 =	vimm.s32 $0x1;
	s6 =	simm.s32 $0x0;
	s25 =	simm.s32 $0x18000;
	[dreg:$0x9] =	wrdreg s5  }
.LBB2_26:
0x15: {  	v4 =	vadd.s32 v4, v9  }
0x16: {  	v4 =	vadd.s32 v5, v4  }
0x17: {  	v4 =	vadd.s32 v6, v4  }
0x18: {  	v4 =	vadd.s32 v7, v4  }
0x19: {  	v4 =	vadd.s32 v8, v4  }
0x1a: {  	(xrf0) =	vadd.scan.msk.s32 $0xffff, v4;
	_ =	sdelay $0x5  }
0x1b: {  	v4, _, _ =	vpop (xrf0)  }
0x1c: {  	(v2sf) =	vpush v4, $0xF;
	_ =	sdelay $0xa  }
0x1d: {  	s0 =	spop (v2sf)  }
0x1e: {  	s3 =	smov.u32 @p0 s8;
	s26 =	sadd.s32 s4, s0  }
0x1f: {  	p2 =	slt.s32 s3, $0x0;
	p1 =	sge.s32 s26, s1  }
0x20: {  	p1 =	por !p2, !p1  }
0x21: {  	p1 =	por !p1, !p1;
	s29 =	spop (v2sf)  }
0x22: {  	s3 =	smov.u32 @p1 s7;
	s0 =	sadd.s32 s26, s29  }
0x23: {  	p3 =	slt.s32 s3, $0x0;
	p6 =	sge.s32 s0, s1  }
0x24: {  	p2 =	por !p3, !p6  }
0x25: {  	p2 =	por !p2, !p2  }
0x26: {  	s3 =	smov.u32 @p2 s6  }
0x27: {  	s30 =	sshll.u32 s3, $0xA  }
0x28: {  	s0 =	sshra.s32 s30, $0x2  }
0x29: {  	v4 =	vld [tilespmem:s0+$0x18000]  }
0x2a: {  	v5 =	vld [tilespmem:s0+$0x18010]  }
0x2b: {  	v49 =	vld [tilespmem:s0+$0x18020]  }
0x2c: {  	v50 =	vld [tilespmem:s0+$0x18030]  }
0x2d: {  	v51 =	vld [tilespmem:s0+$0x18040]  }
0x2e: {  	(xrf0) =	vadd.scan.msk.s32 $0xffff, v4;
	v4 =	vld [tilespmem:s0+$0x18050]  }
0x2f: {  	(xrf0) =	vadd.scan.msk.s32 $0xffff, v5;
	v5 =	vld [tilespmem:s0+$0x18060]  }
0x30: {  	v52 =	vld [tilespmem:s0+$0x18070];
	(xrf0) =	vadd.scan.msk.s32 $0xffff, v49  }
0x31: {  	v53 =	vld [tilespmem:s0+$0x18080];
	(xrf0) =	vadd.scan.msk.s32 $0xffff, v50  }
0x32: {  	v54 =	vld [tilespmem:s0+$0x18090];
	(xrf0) =	vadd.scan.msk.s32 $0xffff, v51  }
0x33: {  	(xrf0) =	vadd.scan.msk.s32 $0xffff, v4;
	v4 =	vld [tilespmem:s0+$0x180A0]  }
0x34: {  	v55, _, _ =	vpop (xrf0);
	(xrf0) =	vadd.scan.msk.s32 $0xffff, v5;
	v5 =	vld [tilespmem:s0+$0x180B0]  }
0x35: {  	v57 =	vld [tilespmem:s0+$0x180C0];
	(v2sf) =	vpush v55, $0xF;
	v56, _, _ =	vpop (xrf0);
	(xrf0) =	vadd.scan.msk.s32 $0xffff, v52  }
0x36: {  	v59 =	vld [tilespmem:s0+$0x180D0];
	(v2sf) =	vpush v56, $0xF;
	v58, _, _ =	vpop (xrf0);
	(xrf0) =	vadd.scan.msk.s32 $0xffff, v53  }
0x37: {  	v61 =	vld [tilespmem:s0+$0x180E0];
	(v2sf) =	vpush v58, $0xF;
	v60, _, _ =	vpop (xrf0);
	(xrf0) =	vadd.scan.msk.s32 $0xffff, v54  }
0x38: {  	(v2sf) =	vpush v60, $0xF;
	v62, _, _ =	vpop (xrf0);
	(xrf0) =	vadd.scan.msk.s32 $0xffff, v4;
	v4 =	vld [tilespmem:s0+$0x180F0]  }
0x39: {  	(v2sf) =	vpush v62, $0xF;
	v63, _, _ =	vpop (xrf0);
	(xrf0) =	vadd.scan.msk.s32 $0xffff, v5  }
0x3a: {  	(v2sf) =	vpush v63, $0xF;
	v5, _, _ =	vpop (xrf0);
	(xrf0) =	vadd.scan.msk.s32 $0xffff, v57  }
0x3b: {  	(v2sf) =	vpush v5, $0xF;
	v5, _, _ =	vpop (xrf0);
	(xrf0) =	vadd.scan.msk.s32 $0xffff, v59  }
0x3c: {  	(v2sf) =	vpush v5, $0xF;
	v5, _, _ =	vpop (xrf0);
	(xrf0) =	vadd.scan.msk.s32 $0xffff, v61  }
0x3d: {  	(v2sf) =	vpush v5, $0xF;
	v5, _, _ =	vpop (xrf0);
	(xrf0) =	vadd.scan.msk.s32 $0xffff, v4  }
0x3e: {  	v4, _, _ =	vpop (xrf0);
	(v2sf) =	vpush v5, $0xF  }
0x3f: {  	v5, _, _ =	vpop (xrf0);
	(v2sf) =	vpush v4, $0xF  }
0x40: {  	v4, _, _ =	vpop (xrf0);
	(v2sf) =	vpush v5, $0xF  }
0x41: {  	v5, _, _ =	vpop (xrf0);
	(v2sf) =	vpush v4, $0xF  }
0x42: {  	v4, _, _ =	vpop (xrf0);
	(v2sf) =	vpush v5, $0xF  }
0x43: {  	(v2sf) =	vpush v4, $0xF;
	v4, _, _ =	vpop (xrf0)  }
0x44: {  	s22 =	spop (v2sf);
	(v2sf) =	vpush v4, $0xF  }
0x45: {  	s24 =	spop (v2sf)  }
0x46: {  	s23 =	spop (v2sf)  }
0x47: {  	s21 =	spop (v2sf)  }
0x48: {  	s20 =	spop (v2sf)  }
0x49: {  	s17 =	spop (v2sf)  }
0x4a: {  	s13 =	spop (v2sf)  }
0x4b: {  	s12 =	spop (v2sf)  }
0x4c: {  	s11 =	spop (v2sf)  }
0x4d: {  	s10 =	spop (v2sf)  }
0x4e: {  	s9 =	spop (v2sf)  }
0x4f: {  	s18 =	spop (v2sf)  }
0x50: {  	s31 =	spop (v2sf)  }
0x51: {  	s2 =	smov.u32 @p0 s5;
	s15 =	spop (v2sf)  }
0x52: {  	s2 =	smov.u32 @p1 s4;
	s16 =	spop (v2sf)  }
0x53: {  	s2 =	smov.u32 @p2 s26;
	s19 =	spop (v2sf)  }
0x54: {  	s7 =	sadd.s32 s2, s19  }
0x55: {  	s14 =	sadd.s32 s16, s7  }
0x56: {  	[dreg:$0x1e] =	wrdreg s15;
	s15 =	sadd.s32 s15, s14  }
0x57: {  	[dreg:$0x1d] =	wrdreg s16;
	s16 =	sadd.s32 s31, s15  }
0x58: {  	[smem:$0x7F9] =	sst s18;
	s18 =	sadd.s32 s18, s16  }
0x59: {  	s26 =	sadd.s32 s9, s18  }
0x5a: {  	s28 =	sadd.s32 s10, s26  }
0x5b: {  	s29 =	sadd.s32 s11, s28  }
0x5c: {  	s30 =	sadd.s32 s12, s29  }
0x5d: {  	[dreg:$0x1f] =	wrdreg s31;
	s31 =	sadd.s32 s13, s30  }
0x5e: {  	[dreg:$0x1c] =	wrdreg s19;
	s19 =	sadd.s32 s17, s31  }
0x5f: {  	s6 =	sadd.s32 s20, s19  }
0x60: {  	s5 =	sadd.s32 s21, s6  }
0x61: {  	s4 =	sadd.s32 s23, s5  }
0x62: {  	s0 =	sadd.s32 s24, s4  }
0x63: {  	p1 =	sge.s32 s7, s1;
	s8 =	sadd.s32 s22, s0  }
0x64: {  	p5 =	sge.s32 s15, s1;
	p2 =	sge.s32 s16, s1;
	p0 =	sge.s32 s8, s1  }
0x65: {  	p6 =	sge.s32 s30, s1;
	p4 =	sge.s32 s6, s1;
	s8 =	simm.s32 @!p0 $0x0  }
0x66: {  	s6 =	simm.s32 $0x1;
	s8 =	simm.s32 @p0 $0x1;
	p0 =	sge.s32 s0, s1  }
0x67: {  	p3 =	sge.s32 s5, s1;
	s5 =	simm.s32 $0x1;
	s0 =	simm.s32 @!p0 $0x0  }
0x68: {  	s5 =	simm.s32 @!p5 $0x0;
	s0 =	simm.s32 @p0 $0x1;
	p0 =	sge.s32 s4, s1  }
0x69: {  	p5 =	sge.s32 s29, s1;
	[smem:$0x7F7] =	sst s0;
	s0 =	simm.s32 @!p0 $0x0  }
0x6a: {  	[smem:$0x7F8] =	sst s8;
	s4 =	simm.s32 $0x1;
	s0 =	simm.s32 @p0 $0x1  }
0x6b: {  	p0 =	sge.s32 s14, s1;
	[smem:$0x7F6] =	sst s0;
	s0 =	simm.s32 $0x1  }
0x6c: {  	s29 =	sld [smem:$0x7F8];
	s4 =	simm.s32 @!p1 $0x0;
	s0 =	simm.s32 @!p0 $0x0  }
0x6d: {  	p1 =	sge.s32 s18, s1;
	s0 =	sadd.s32 s4, s0;
	s4 =	simm.s32 $0x1  }
0x6e: {  	p0 =	sge.s32 s28, s1;
	s0 =	sadd.s32 s5, s0;
	s4 =	simm.s32 @!p2 $0x0  }
0x6f: {  	s5 =	simm.s32 $0x1;
	s0 =	sadd.s32 s4, s0;
	s4 =	simm.s32 $0x1  }
0x70: {  	s5 =	simm.s32 @!p1 $0x0;
	p1 =	sge.s32 s26, s1;
	s26 =	sld [smem:$0x7F6]  }
0x71: {  	s6 =	simm.s32 @!p1 $0x0;
	s0 =	sadd.s32 s5, s0;
	s5 =	simm.s32 $0x1  }
0x72: {  	s0 =	sadd.s32 s6, s0;
	s6 =	simm.s32 $0x1;
	s5 =	simm.s32 @!p0 $0x0  }
0x73: {  	s4 =	simm.s32 @!p6 $0x0;
	s0 =	sadd.s32 s5, s0;
	s6 =	simm.s32 @!p5 $0x0  }
0x74: {  	p1 =	sge.s32 s31, s1;
	p0 =	sge.s32 s19, s1;
	s0 =	sadd.s32 s6, s0  }
0x75: {  	s5 =	simm.s32 $0x1;
	s0 =	sadd.s32 s4, s0;
	s4 =	simm.s32 $0x1  }
0x76: {  	s28 =	sld [smem:$0x7F7];
	s5 =	simm.s32 @!p1 $0x0;
	s4 =	simm.s32 @!p0 $0x0  }
0x77: {  	s0 =	sadd.s32 s5, s0;
	s5 =	simm.s32 $0x1;
	p0 =	seq.s32 s26, $0x1  }
0x78: {  	s5 =	simm.s32 @!p4 $0x0;
	s0 =	sadd.s32 s4, s0;
	s4 =	simm.s32 $0x1  }
0x79: {  	s4 =	simm.s32 @!p3 $0x0;
	s0 =	sadd.s32 s5, s0;
	s5 =	simm.s32 $0x1  }
0x7a: {  	s5 =	simm.s32 @!p0 $0x0;
	s0 =	sadd.s32 s4, s0  }
0x7b: {  	s4 =	simm.s32 $0x1;
	p0 =	seq.s32 s28, $0x1;
	s0 =	sadd.s32 s5, s0  }
0x7c: {  	s5 =	simm.s32 $0x1;
	s4 =	simm.s32 @!p0 $0x0;
	p0 =	seq.s32 s29, $0x1  }
0x7d: {  	s0 =	sadd.s32 s4, s0;
	s5 =	simm.s32 @!p0 $0x0  }
0x7e: {  	s0 =	sadd.s32 s5, s0  }
0x7f: {  	p0 =	sgt.u32 s0, $0x1  }
0x80: {  	s4 =	sld [smem:$0x7F9];
	p1 =	seq.s32 s0, $0x0;
	s24 =	simm.s32 @p0 $0x0  }
0x81: {  	s22 =	simm.s32 @!p1 $0x0;
	p0 =	slt.u32 s0, $0x3;
	s2 =	sadd.s32 s24, s2  }
0x82: {  	s23 =	simm.s32 @!p0 $0x0;
	p0 =	slt.u32 s0, $0x4;
	s2 =	sadd.s32 s22, s2  }
0x83: {  	s21 =	simm.s32 @!p0 $0x0;
	p0 =	slt.u32 s0, $0x5;
	s2 =	sadd.s32 s23, s2  }
0x84: {  	s20 =	simm.s32 @!p0 $0x0;
	p0 =	slt.u32 s0, $0x6;
	s2 =	sadd.s32 s21, s2  }
0x85: {  	s17 =	simm.s32 @!p0 $0x0;
	p0 =	slt.u32 s0, $0x7;
	s2 =	sadd.s32 s20, s2  }
0x86: {  	s13 =	simm.s32 @!p0 $0x0;
	p0 =	slt.u32 s0, $0x8;
	s2 =	sadd.s32 s17, s2  }
0x87: {  	s12 =	simm.s32 @!p0 $0x0;
	p0 =	slt.u32 s0, $0x9;
	s2 =	sadd.s32 s13, s2  }
0x88: {  	s11 =	simm.s32 @!p0 $0x0;
	p0 =	slt.u32 s0, $0xA;
	s2 =	sadd.s32 s12, s2  }
0x89: {  	s10 =	simm.s32 @!p0 $0x0;
	p0 =	slt.u32 s0, $0xB;
	s2 =	sadd.s32 s11, s2  }
0x8a: {  	s9 =	simm.s32 @!p0 $0x0;
	p0 =	slt.u32 s0, $0xC;
	s2 =	sadd.s32 s10, s2  }
0x8b: {  	s4 =	simm.s32 @!p0 $0x0;
	s2 =	sadd.s32 s9, s2  }
0x8c: {  	p0 =	slt.u32 s0, $0xD;
	s2 =	sadd.s32 s4, s2;
	s4 =	rddreg [dreg:$0x1f]  }
0x8d: {  	s4 =	simm.s32 @!p0 $0x0  }
0x8e: {  	p0 =	slt.u32 s0, $0xE;
	s2 =	sadd.s32 s4, s2;
	s4 =	rddreg [dreg:$0x1e]  }
0x8f: {  	s3 =	sshll.u32 s3, $0x4;
	s4 =	simm.s32 @!p0 $0x0  }
0x90: {  	p0 =	slt.u32 s0, $0xF;
	s2 =	sadd.s32 s4, s2;
	s4 =	rddreg [dreg:$0x1d]  }
0x91: {  	s30 =	rddreg [dreg:$0x10];
	s4 =	simm.s32 @!p0 $0x0;
	p0 =	slt.u32 s0, $0x10  }
0x92: {  	s0 =	sadd.s32 s0, s3;
	s2 =	sadd.s32 s4, s2;
	s4 =	rddreg [dreg:$0x1c]  }
0x93: {  	s3 =	sshll.u32 s30, $0x8;
	s0 =	sadd.s32 $0xFFFFFFFF, s0;
	s4 =	simm.s32 @!p0 $0x0  }
0x94: {  	s0 =	sor.u32 s3, s0;
	s2 =	sadd.s32 s4, s2  }
0x95: {  	v4 =	vmov s0;
	s31 =	ssub.s32 s1, s2  }
0x96: {  	[tilespmem:$0x19000] =	vst v4;
	v5 =	vmov s31  }
0x97: {  	s8 =	simm.s32 $0x0;
	s6 =	rddreg [dreg:$0xf];
	[tilespmem:$0x19080] =	vst v5  }
.LBB2_27:
0x98: {  	s0 =	rddreg [dreg:$0xc];
	s1 =	simm.s32 $0x19000;
	s29 =	simm.s32 $0x9  }
0x99: {  	[hbm4b:s0+s8] =	stream.linear.scatter [tilespmem:s1], [sflag:$0x9], $0x80, $0x38;
	[tilespmem:$0x19100] =	vst v63  }
0x9a: {  	_ =	swait.ge [sflag:s29], $0x80  }
0x9b: {  	[sflag:s29] =	ssyncset.done $0x0  }
0x9c: {  	s2 =	simm.s32 $0x19080;
	s30 =	rddreg [dreg:$0xd];
	[sflag:s29] =	ssyncadd.s32 $0xFFFFFF80  }
0x9d: {  	[hbm4b:s30+s8] =	stream.linear.scatter [tilespmem:s2], [sflag:$0x9], $0x80, $0x38;
	[tilespmem:$0x19100] =	vst v63  }
0x9e: {  	_ =	swait.ge [sflag:s29], $0x80  }
0x9f: {  	s6 =	sadd.s32 $0x1, s6;
	s31 =	rddreg [dreg:$0xe]  }
0xa0: {  	p0 =	sne.s32 s6, s31  }
.Ltmp1:
0xa1: {  	_ = 	snop;
	(pc) =	sbr.rel @!p0 .LBB2_28-.Ltmp1, $3  }
0xa2: {  	_ =	sdelay $0x1  }
0xa3: {  	[sflag:s29] =	ssyncset.done $0x0  }
0xa4: {  	[sflag:s29] =	ssyncadd.s32 $0xFFFFFF80  }
.LBB2_1:
0xa5: {  	s0 =	rddreg [dreg:$0x4];
	s1 =	simm.s32 $0x80;
	s2 =	simm.s32 $0x400  }
0xa6: {  	[tilespmem:s8], [sflag:$0x1] =	stream.strided.gather [hbm4b:s0+s1], $0x2000, s2, s1, $0x38;
	[tilespmem:$0x19100] =	vst v63  }
0xa7: {  	s17 =	rddreg [dreg:$0x5];
	s3 =	simm.s32 $0x8000  }
0xa8: {  	[tilespmem:s3], [sflag:$0x2] =	stream.strided.gather [hbm4b:s17+s1], $0x2000, s2, s1, $0x38;
	[tilespmem:$0x19100] =	vst v63  }
0xa9: {  	s18 =	rddreg [dreg:$0x6];
	s19 =	simm.s32 $0x2000  }
0xaa: {  	[tilespmem:s19], [sflag:$0x3] =	stream.strided.gather [hbm4b:s18+s1], $0x2000, s2, s1, $0x38;
	[tilespmem:$0x19100] =	vst v63  }
0xab: {  	s20 =	rddreg [dreg:$0x7];
	s21 =	simm.s32 $0xA000  }
0xac: {  	[tilespmem:s21], [sflag:$0x4] =	stream.strided.gather [hbm4b:s20+s1], $0x2000, s2, s1, $0x38;
	[tilespmem:$0x19100] =	vst v63  }
0xad: {  	s22 =	rddreg [dreg:$0x8];
	s23 =	simm.s32 $0x4000  }
0xae: {  	[tilespmem:s23], [sflag:$0x5] =	stream.strided.gather [hbm4b:s22+s1], $0x2000, s2, s1, $0x38;
	[tilespmem:$0x19100] =	vst v63  }
0xaf: {  	s24 =	rddreg [dreg:$0x9];
	s26 =	simm.s32 $0xC000  }
0xb0: {  	[tilespmem:s26], [sflag:$0x6] =	stream.strided.gather [hbm4b:s24+s1], $0x2000, s2, s1, $0x38;
	[tilespmem:$0x19100] =	vst v63  }
0xb1: {  	s28 =	rddreg [dreg:$0xa];
	s29 =	simm.s32 $0x6000  }
0xb2: {  	[tilespmem:s29], [sflag:$0x7] =	stream.strided.gather [hbm4b:s28+s1], $0x2000, s2, s1, $0x38;
	[tilespmem:$0x19100] =	vst v63  }
0xb3: {  	s30 =	rddreg [dreg:$0xb];
	s31 =	simm.s32 $0xE000  }
0xb4: {  	[tilespmem:s31], [sflag:$0x8] =	stream.strided.gather [hbm4b:s30+s1], $0x2000, s2, s1, $0x38;
	[tilespmem:$0x19100] =	vst v63  }
0xb5: {  	[tilespmem:$0x19000] =	vst v0  }
0xb6: {  	s1 =	simm.s32 $0x18040;
	[tilespmem:$0x19080] =	vst v1  }
0xb7: {  	[tilespmem:s1+$0xFFFFFFC0] =	vst v1  }
0xb8: {  	[tilespmem:s1+$0x30] =	vst v1  }
0xb9: {  	[tilespmem:s1+$0x20] =	vst v1  }
0xba: {  	[tilespmem:s1+$0x10] =	vst v1  }
0xbb: {  	[tilespmem:s1+$0x0] =	vst v1  }
0xbc: {  	[tilespmem:s1+$0xFFFFFFF0] =	vst v1  }
0xbd: {  	s2 =	simm.s32 $0x0;
	[tilespmem:s1+$0xFFFFFFE0] =	vst v1  }
.LBB2_2:
0xbe: {  	s2 =	sadd.s32 $0x8, s2;
	[tilespmem:s1+$0xFFFFFFD0] =	vst v1;
	s1 =	sadd.s32 $0x80, s1  }
0xbf: {  	[tilespmem:s1+$0xFFFFFFC0] =	vst v1;
	p0 =	slt.u32 s2, $0xF8  }
0xc0: {  	[tilespmem:s1+$0x30] =	vst v1  }
.Ltmp2:
0xc1: {  	[tilespmem:s1+$0x20] =	vst v1;
	(pc) =	sbr.rel @p0 .LBB2_2-.Ltmp2, $4  }
0xc2: {  	[tilespmem:s1+$0x10] =	vst v1  }
0xc3: {  	[tilespmem:s1+$0x0] =	vst v1  }
0xc4: {  	[tilespmem:s1+$0xFFFFFFF0] =	vst v1  }
0xc5: {  	[tilespmem:s1+$0xFFFFFFE0] =	vst v1  }
0xc6: {  	[tilespmem:s1+$0xFFFFFFD0] =	vst v1;
	s0 =	simm.s32 $0x1  }
0xc7: {  	_ =	swait.ge [sflag:s0], $0x2000  }
0xc8: {  	[sflag:s0] =	ssyncset.done $0x0  }
0xc9: {  	s31 =	simm.s32 $0x2;
	[sflag:s0] =	ssyncadd.s32 $0xFFFFE000  }
0xca: {  	_ =	swait.ge [sflag:s31], $0x2000  }
0xcb: {  	[sflag:s31] =	ssyncset.done $0x0  }
0xcc: {  	s3 =	simm.s32 $0x40;
	[sflag:s31] =	ssyncadd.s32 $0xFFFFE000  }
0xcd: {  	s1 =	simm.s32 $0x8040;
	v9 =	vld [tilespmem:s3+$0xFFFFFFE0]  }
0xce: {  	v7 =	vld [tilespmem:s1+$0x30]  }
0xcf: {  	v8 =	vld [tilespmem:s3+$0x30]  }
0xd0: {  	v6 =	vld [tilespmem:s1+$0x0]  }
0xd1: {  	v12 =	vld [tilespmem:s3+$0x0]  }
0xd2: {  	v14 =	vld [tilespmem:s1+$0xFFFFFFE0]  }
0xd3: {  	v4 =	vld [tilespmem:s1+$0xFFFFFFC0]  }
0xd4: {  	v10 =	vld [tilespmem:s3+$0x20]  }
0xd5: {  	v23 =	vld [tilespmem:s3+$0xFFFFFFC0]  }
0xd6: {  	v11 =	vshra.s32 v8, $0x1F  }
0xd7: {  	v15 =	vor.u32 $0x80000000, v11;
	v11 =	vld [tilespmem:s1+$0xFFFFFFD0]  }
0xd8: {  	v13 =	vimm.f32 $0.0e+00;
	v17 =	vld [tilespmem:s1+$0xFFFFFFF0];
	vm0 =	vgt.f32 v7, $0.0e+00;
	vm1 =	vgt.f32 v6, $0.0e+00  }
0xd9: {  	v5 =	vld [tilespmem:s1+$0x20];
	v16 =	vshra.s32 v9, $0x1F;
	v18 =	vshra.s32 v12, $0x1F;
	vm2 =	vgt.f32 v14, $0.0e+00  }
0xda: {  	v20 =	vadd.f32 v4, v13;
	v21 =	vshra.s32 v10, $0x1F;
	v24 =	vshra.s32 v23, $0x1F  }
0xdb: {  	v18 =	vor.u32 $0x80000000, v18;
	v13 =	vor.u32 $0x80000000, v16;
	v15 =	vxor.u32 v8, v15;
	v8 =	vld [tilespmem:s3+$0x10]  }
0xdc: {  	v12 =	vxor.u32 v12, v18;
	v22 =	vsel vm0, $0x0, v15;
	v15 =	vld [tilespmem:s3+$0xFFFFFFD0];
	v16 =	vadd.f32 v11, v20  }
0xdd: {  	v9 =	vxor.u32 v9, v13;
	vm0 =	vgt.f32 v17, $0.0e+00;
	v12 =	vsel vm1, $0x0, v12  }
0xde: {  	vm1 =	vgt.f32 v5, $0.0e+00;
	v20 =	vsel vm2, $0x0, v9;
	v25 =	vadd.f32 v14, v16;
	v16 =	vld [tilespmem:s3+$0xFFFFFFF0]  }
0xdf: {  	v18 =	vshrl.u32 v22, $0x14;
	v13 =	vshrl.u32 v12, $0x14;
	v9 =	vshrl.u32 v20, $0x14  }
0xe0: {  	s2 =	simm.s32 $0x10040;
	v19 =	vand.u32 $0xFF0, v18;
	v18 =	vshra.s32 v8, $0x1F;
	v9 =	vand.u32 $0xFF0, v9  }
0xe1: {  	[tilespmem:s2+$0x30] =	vst v22;
	v14 =	vor.u32 $0x80000000, v24;
	v22 =	vshra.s32 v15, $0x1F;
	v18 =	vor.u32 $0x80000000, v18  }
0xe2: {  	s4 =	simm.s32 $0xC0;
	s5 =	simm.s32 $0x10040;
	[tilespmem:s2+$0x0] =	vst v12;
	v12 =	vld [tilespmem:s1+$0x10];
	s3 =	simm.s32 $0x0;
	v9 =	vor.u32 v2, v9;
	v14 =	vxor.u32 v23, v14;
	v17 =	vadd.f32 v17, v25  }
.LBB2_4:
0xe3: {  	v23 =	vld [tilespmem:s4+$0xFFFFFFE0];
	s3 =	sadd.s32 $0x8, s3;
	[tilespmem:s2+$0xFFFFFFE0] =	vst v20;
	v20 =	vshra.s32 v16, $0x1F;
	v21 =	vor.u32 $0x80000000, v21;
	v19 =	vor.u32 v2, v19;
	s1 =	sadd.s32 $0x80, s1;
	s5 =	sadd.s32 $0x80, s5  }
0xe4: {  	vm2 =	vgt.f32 v11, $0.0e+00;
	v24 =	vld [tilespmem:s1+$0x20];
	p0 =	slt.u32 s3, $0x1F8;
	v11 =	vor.u32 $0x80000000, v20;
	v17 =	vadd.f32 v6, v17  }
0xe5: {  	v6 =	vor.u32 $0x80000000, v22;
	v10 =	vxor.u32 v10, v21;
	v25 =	vld [tilespmem:s1+$0xFFFFFFF0];
	v11 =	vxor.u32 v16, v11  }
0xe6: {  	v15 =	vxor.u32 v15, v6;
	v10 =	vsel vm1, $0x0, v10;
	v20 =	vld [tilespmem:s1+$0x30];
	v11 =	vsel vm0, $0x0, v11  }
0xe7: {  	v16 =	vshrl.u32 v10, $0x14;
	v6 =	vld [tilespmem:s1+$0x0];
	[tilespmem:s2+$0xFFFFFFF0] =	vst v11;
	v11 =	vshrl.u32 v11, $0x14;
	vm0 =	vgt.f32 v12, $0.0e+00  }
0xe8: {  	v13 =	vand.u32 $0xFF0, v13;
	v15 =	vsel vm2, $0x0, v15;
	v21 =	vld [tilespmem:s4+$0x30];
	[tilespmem:s2+$0x20] =	vst v10;
	v10 =	vand.u32 $0xFF0, v16  }
0xe9: {  	v12 =	vadd.f32 v12, v17;
	v11 =	vand.u32 $0xFF0, v11;
	v17 =	vor.u32 v2, v10;
	[tilespmem:v19+s25+$0x0] =	vst.idx.add.s32.msk $0xffff, v3  }
0xea: {  	v13 =	vor.u32 v2, v13;
	v19 =	vor.u32 v2, v11;
	v16 =	vld [tilespmem:s4+$0x10];
	[tilespmem:s2+$0xFFFFFFD0] =	vst v15;
	v15 =	vshrl.u32 v15, $0x14  }
0xeb: {  	vm1 =	vgt.f32 v4, $0.0e+00;
	v4 =	vxor.u32 v8, v18;
	v12 =	vadd.f32 v5, v12;
	v5 =	vmovc v24;
	v10 =	vld [tilespmem:s4+$0x20]  }
0xec: {  	v8 =	vsel vm1, $0x0, v14;
	v4 =	vsel vm0, $0x0, v4;
	v14 =	vand.u32 $0xFF0, v15;
	v18 =	vld [tilespmem:s4+$0x0]  }
0xed: {  	v29 =	vshrl.u32 v8, $0x14;
	vm0 =	vgt.f32 v20, $0.0e+00;
	v15 =	vshrl.u32 v4, $0x14;
	v22 =	vld [tilespmem:s1+$0xFFFFFFE0];
	[tilespmem:s2+$0xFFFFFFC0] =	vst v8  }
0xee: {  	v28 =	vand.u32 $0xFF0, v29;
	vm1 =	vgt.f32 v6, $0.0e+00;
	v15 =	vand.u32 $0xFF0, v15;
	v11 =	vld [tilespmem:s1+$0xFFFFFFD0];
	[tilespmem:s2+$0x10] =	vst v4;
	s2 =	smov.u32 s5  }
0xef: {  	v26 =	vor.u32 v2, v28;
	v24 =	vshra.s32 v21, $0x1F;
	v27 =	vor.u32 v2, v15;
	v4 =	vld [tilespmem:s1+$0xFFFFFFC0];
	v8 =	vmovc v16  }
0xf0: {  	v29 =	vshra.s32 v23, $0x1F;
	v14 =	vor.u32 v2, v14;
	v15 =	vor.u32 $0x80000000, v24;
	v28 =	vld [tilespmem:s4+$0xFFFFFFC0]  }
0xf1: {  	v12 =	vadd.f32 v7, v12;
	v15 =	vxor.u32 v21, v15;
	v24 =	vshra.s32 v18, $0x1F;
	[tilespmem:v13+s25+$0x0] =	vst.idx.add.s32.msk $0xffff, v3  }
0xf2: {  	v7 =	vmovc v20;
	v21 =	vsel vm0, $0x0, v15;
	vm2 =	vgt.f32 v22, $0.0e+00;
	v16 =	vld [tilespmem:s4+$0xFFFFFFF0];
	v13 =	vor.u32 $0x80000000, v24  }
0xf3: {  	vm0 =	vgt.f32 v25, $0.0e+00;
	v13 =	vxor.u32 v18, v13;
	v18 =	vshrl.u32 v21, $0x14;
	[tilespmem:v19+s25+$0x0] =	vst.idx.add.s32.msk $0xffff, v3  }
0xf4: {  	v19 =	vor.u32 $0x80000000, v29;
	v12 =	vadd.f32 v4, v12;
	v15 =	vld [tilespmem:s4+$0xFFFFFFD0];
	v24 =	vsel vm1, $0x0, v13;
	[tilespmem:s5+$0x30] =	vst v21  }
0xf5: {  	v20 =	vxor.u32 v23, v19;
	v19 =	vand.u32 $0xFF0, v18;
	v13 =	vshrl.u32 v24, $0x14;
	[tilespmem:v9+s25+$0x0] =	vst.idx.add.s32.msk $0xffff, v3  }
.Ltmp3:
0xf6: {  	v21 =	vshra.s32 v10, $0x1F;
	v20 =	vsel vm2, $0x0, v20;
	v9 =	vadd.f32 v11, v12;
	[tilespmem:v17+s25+$0x0] =	vst.idx.add.s32.msk $0xffff, v3;
	(pc) =	sbr.rel @p0 .LBB2_4-.Ltmp3, $4  }
0xf7: {  	v18 =	vshra.s32 v8, $0x1F;
	vm1 =	vgt.f32 v5, $0.0e+00;
	v12 =	vshrl.u32 v20, $0x14;
	[tilespmem:v14+s25+$0x0] =	vst.idx.add.s32.msk $0xffff, v3  }
0xf8: {  	v14 =	vshra.s32 v28, $0x1F;
	v12 =	vand.u32 $0xFF0, v12;
	v17 =	vadd.f32 v22, v9;
	[tilespmem:v27+s25+$0x0] =	vst.idx.add.s32.msk $0xffff, v3  }
0xf9: {  	v14 =	vor.u32 $0x80000000, v14;
	v9 =	vor.u32 v2, v12;
	v22 =	vshra.s32 v15, $0x1F;
	[tilespmem:v26+s25+$0x0] =	vst.idx.add.s32.msk $0xffff, v3  }
0xfa: {  	s4 =	sadd.s32 $0x80, s4;
	v18 =	vor.u32 $0x80000000, v18;
	v14 =	vxor.u32 v28, v14;
	v17 =	vadd.f32 v25, v17;
	[tilespmem:s5+$0x0] =	vst v24;
	v12 =	vld [tilespmem:s1+$0x10]  }
0xfb: {  	v23 =	vshra.s32 v16, $0x1F  }
0xfc: {  	v21 =	vor.u32 $0x80000000, v21;
	v19 =	vor.u32 v2, v19;
	vm2 =	vgt.f32 v11, $0.0e+00  }
0xfd: {  	v11 =	vor.u32 $0x80000000, v22;
	v13 =	vand.u32 $0xFF0, v13;
	v23 =	vor.u32 $0x80000000, v23  }
0xfe: {  	v10 =	vxor.u32 v10, v21;
	v11 =	vxor.u32 v15, v11;
	v13 =	vor.u32 v2, v13  }
0xff: {  	[tilespmem:s2+$0xFFFFFFE0] =	vst v20;
	v16 =	vxor.u32 v16, v23;
	v10 =	vsel vm1, $0x0, v10;
	v11 =	vsel vm2, $0x0, v11  }
0x100: {  	[tilespmem:v9+s25+$0x0] =	vst.idx.add.s32.msk $0xffff, v3;
	vm1 =	vgt.f32 v4, $0.0e+00;
	v4 =	vxor.u32 v8, v18;
	v15 =	vsel vm0, $0x0, v16  }
0x101: {  	[tilespmem:s2+$0xFFFFFFD0] =	vst v11;
	v8 =	vshrl.u32 v11, $0x14;
	v11 =	vsel vm1, $0x0, v14;
	v16 =	vshrl.u32 v15, $0x14  }
0x102: {  	vm0 =	vgt.f32 v12, $0.0e+00;
	[tilespmem:s2+$0xFFFFFFF0] =	vst v15;
	v15 =	vshrl.u32 v10, $0x14;
	v8 =	vand.u32 $0xFF0, v8  }
0x103: {  	[tilespmem:s2+$0x20] =	vst v10;
	v10 =	vand.u32 $0xFF0, v15;
	v15 =	vand.u32 $0xFF0, v16;
	v8 =	vor.u32 v2, v8  }
0x104: {  	[tilespmem:s2+$0xFFFFFFC0] =	vst v11;
	v11 =	vshrl.u32 v11, $0x14;
	v4 =	vsel vm0, $0x0, v4;
	v15 =	vor.u32 v2, v15  }
0x105: {  	[tilespmem:v19+s25+$0x0] =	vst.idx.add.s32.msk $0xffff, v3;
	v11 =	vand.u32 $0xFF0, v11;
	v10 =	vor.u32 v2, v10;
	v14 =	vshrl.u32 v4, $0x14  }
0x106: {  	[tilespmem:s2+$0x10] =	vst v4;
	v11 =	vor.u32 v2, v11;
	v4 =	vand.u32 $0xFF0, v14  }
0x107: {  	[tilespmem:v13+s25+$0x0] =	vst.idx.add.s32.msk $0xffff, v3;
	v4 =	vor.u32 v2, v4  }
0x108: {  	[tilespmem:v8+s25+$0x0] =	vst.idx.add.s32.msk $0xffff, v3  }
0x109: {  	[tilespmem:v15+s25+$0x0] =	vst.idx.add.s32.msk $0xffff, v3  }
0x10a: {  	[tilespmem:v10+s25+$0x0] =	vst.idx.add.s32.msk $0xffff, v3  }
0x10b: {  	[tilespmem:v11+s25+$0x0] =	vst.idx.add.s32.msk $0xffff, v3  }
0x10c: {  	s0 =	simm.s32 $0x3;
	[tilespmem:v4+s25+$0x0] =	vst.idx.add.s32.msk $0xffff, v3  }
0x10d: {  	_ =	swait.ge [sflag:s0], $0x2000  }
0x10e: {  	[sflag:s0] =	ssyncset.done $0x0  }
0x10f: {  	s31 =	simm.s32 $0x4;
	[sflag:s0] =	ssyncadd.s32 $0xFFFFE000  }
0x110: {  	_ =	swait.ge [sflag:s31], $0x2000  }
0x111: {  	[sflag:s31] =	ssyncset.done $0x0  }
0x112: {  	s3 =	simm.s32 $0x2070;
	[sflag:s31] =	ssyncadd.s32 $0xFFFFE000  }
0x113: {  	s1 =	simm.s32 $0xA070;
	v8 =	vld [tilespmem:s3+$0xFFFFFFB0]  }
0x114: {  	v9 =	vadd.f32 v6, v17;
	v4 =	vld [tilespmem:s1+$0xFFFFFFF0]  }
0x115: {  	v6 =	vld [tilespmem:s1+$0x0]  }
0x116: {  	v9 =	vadd.f32 v12, v9;
	v13 =	vld [tilespmem:s3+$0x0]  }
0x117: {  	v10 =	vld [tilespmem:s1+$0xFFFFFFD0]  }
0x118: {  	v5 =	vadd.f32 v5, v9;
	v12 =	vld [tilespmem:s3+$0xFFFFFFD0]  }
0x119: {  	v14 =	vld [tilespmem:s1+$0xFFFFFFB0]  }
0x11a: {  	v15 =	vadd.f32 v7, v5;
	v5 =	vld [tilespmem:s1+$0xFFFFFF90]  }
0x11b: {  	v9 =	vld [tilespmem:s3+$0xFFFFFFF0]  }
0x11c: {  	v23 =	vld [tilespmem:s3+$0xFFFFFF90]  }
0x11d: {  	v11 =	vld [tilespmem:s1+$0xFFFFFFA0];
	v7 =	vshra.s32 v13, $0x1F  }
0x11e: {  	v17 =	vld [tilespmem:s1+$0xFFFFFFC0];
	vm0 =	vgt.f32 v6, $0.0e+00;
	vm1 =	vgt.f32 v10, $0.0e+00;
	v16 =	vshra.s32 v8, $0x1F  }
0x11f: {  	v18 =	vshra.s32 v12, $0x1F;
	vm2 =	vgt.f32 v14, $0.0e+00;
	v20 =	vadd.f32 v5, v15  }
0x120: {  	v21 =	vshra.s32 v9, $0x1F;
	v7 =	vor.u32 $0x80000000, v7;
	v18 =	vor.u32 $0x80000000, v18  }
0x121: {  	v15 =	vld [tilespmem:s3+$0xFFFFFFA0];
	v24 =	vshra.s32 v23, $0x1F;
	v13 =	vxor.u32 v13, v7;
	v12 =	vxor.u32 v12, v18  }
0x122: {  	v7 =	vld [tilespmem:s3+$0xFFFFFFE0];
	v22 =	vsel vm0, $0x0, v13;
	v13 =	vor.u32 $0x80000000, v16;
	v16 =	vadd.f32 v11, v20  }
0x123: {  	vm0 =	vgt.f32 v17, $0.0e+00;
	v12 =	vsel vm1, $0x0, v12;
	vm1 =	vgt.f32 v4, $0.0e+00  }
0x124: {  	v18 =	vshrl.u32 v22, $0x14;
	v8 =	vxor.u32 v8, v13;
	v25 =	vadd.f32 v14, v16;
	v16 =	vld [tilespmem:s3+$0xFFFFFFC0]  }
0x125: {  	s2 =	simm.s32 $0x12070;
	v13 =	vshrl.u32 v12, $0x14;
	v19 =	vand.u32 $0xFF0, v18;
	v20 =	vsel vm2, $0x0, v8  }
0x126: {  	[tilespmem:s2+$0x0] =	vst v22;
	v14 =	vor.u32 $0x80000000, v24;
	v22 =	vshra.s32 v15, $0x1F;
	v8 =	vshrl.u32 v20, $0x14  }
0x127: {  	v14 =	vxor.u32 v23, v14;
	v18 =	vshra.s32 v7, $0x1F;
	v8 =	vand.u32 $0xFF0, v8  }
0x128: {  	s4 =	simm.s32 $0x20F0;
	s5 =	simm.s32 $0x12070;
	[tilespmem:s2+$0xFFFFFFD0] =	vst v12;
	v12 =	vld [tilespmem:s1+$0xFFFFFFE0];
	s3 =	simm.s32 $0x0;
	v17 =	vadd.f32 v17, v25;
	v8 =	vor.u32 v2, v8;
	v18 =	vor.u32 $0x80000000, v18  }
.LBB2_6:
0x129: {  	v23 =	vld [tilespmem:s4+$0xFFFFFFB0];
	s3 =	sadd.s32 $0x8, s3;
	[tilespmem:s2+$0xFFFFFFB0] =	vst v20;
	v20 =	vshra.s32 v16, $0x1F;
	v21 =	vor.u32 $0x80000000, v21;
	v19 =	vor.u32 v2, v19;
	s1 =	sadd.s32 $0x80, s1;
	s5 =	sadd.s32 $0x80, s5  }
0x12a: {  	vm2 =	vgt.f32 v11, $0.0e+00;
	v24 =	vld [tilespmem:s1+$0xFFFFFFF0];
	p0 =	slt.u32 s3, $0x1F8;
	v11 =	vor.u32 $0x80000000, v20;
	v17 =	vadd.f32 v10, v17  }
0x12b: {  	v10 =	vor.u32 $0x80000000, v22;
	v9 =	vxor.u32 v9, v21;
	v25 =	vld [tilespmem:s1+$0xFFFFFFC0];
	v11 =	vxor.u32 v16, v11  }
0x12c: {  	v15 =	vxor.u32 v15, v10;
	v9 =	vsel vm1, $0x0, v9;
	v20 =	vld [tilespmem:s1+$0x0];
	v11 =	vsel vm0, $0x0, v11  }
0x12d: {  	v16 =	vshrl.u32 v9, $0x14;
	v10 =	vld [tilespmem:s1+$0xFFFFFFD0];
	[tilespmem:s2+$0xFFFFFFC0] =	vst v11;
	v11 =	vshrl.u32 v11, $0x14;
	vm0 =	vgt.f32 v12, $0.0e+00  }
0x12e: {  	v13 =	vand.u32 $0xFF0, v13;
	v15 =	vsel vm2, $0x0, v15;
	v21 =	vld [tilespmem:s4+$0x0];
	[tilespmem:s2+$0xFFFFFFF0] =	vst v9;
	v9 =	vand.u32 $0xFF0, v16  }
0x12f: {  	v12 =	vadd.f32 v12, v17;
	v11 =	vand.u32 $0xFF0, v11;
	v17 =	vor.u32 v2, v9;
	[tilespmem:v19+s25+$0x0] =	vst.idx.add.s32.msk $0xffff, v3  }
0x130: {  	v13 =	vor.u32 v2, v13;
	v19 =	vor.u32 v2, v11;
	v16 =	vld [tilespmem:s4+$0xFFFFFFE0];
	[tilespmem:s2+$0xFFFFFFA0] =	vst v15;
	v15 =	vshrl.u32 v15, $0x14  }
0x131: {  	vm1 =	vgt.f32 v5, $0.0e+00;
	v5 =	vxor.u32 v7, v18;
	v12 =	vadd.f32 v4, v12;
	v4 =	vmovc v24;
	v9 =	vld [tilespmem:s4+$0xFFFFFFF0]  }
0x132: {  	v7 =	vsel vm1, $0x0, v14;
	v5 =	vsel vm0, $0x0, v5;
	v14 =	vand.u32 $0xFF0, v15;
	v18 =	vld [tilespmem:s4+$0xFFFFFFD0]  }
0x133: {  	v29 =	vshrl.u32 v7, $0x14;
	vm0 =	vgt.f32 v20, $0.0e+00;
	v15 =	vshrl.u32 v5, $0x14;
	v22 =	vld [tilespmem:s1+$0xFFFFFFB0];
	[tilespmem:s2+$0xFFFFFF90] =	vst v7  }
0x134: {  	v28 =	vand.u32 $0xFF0, v29;
	vm1 =	vgt.f32 v10, $0.0e+00;
	v15 =	vand.u32 $0xFF0, v15;
	v11 =	vld [tilespmem:s1+$0xFFFFFFA0];
	[tilespmem:s2+$0xFFFFFFE0] =	vst v5;
	s2 =	smov.u32 s5  }
0x135: {  	v26 =	vor.u32 v2, v28;
	v24 =	vshra.s32 v21, $0x1F;
	v27 =	vor.u32 v2, v15;
	v5 =	vld [tilespmem:s1+$0xFFFFFF90];
	v7 =	vmovc v16  }
0x136: {  	v29 =	vshra.s32 v23, $0x1F;
	v14 =	vor.u32 v2, v14;
	v15 =	vor.u32 $0x80000000, v24;
	v28 =	vld [tilespmem:s4+$0xFFFFFF90]  }
0x137: {  	v12 =	vadd.f32 v6, v12;
	v15 =	vxor.u32 v21, v15;
	v24 =	vshra.s32 v18, $0x1F;
	[tilespmem:v13+s25+$0x0] =	vst.idx.add.s32.msk $0xffff, v3  }
0x138: {  	v6 =	vmovc v20;
	v21 =	vsel vm0, $0x0, v15;
	vm2 =	vgt.f32 v22, $0.0e+00;
	v16 =	vld [tilespmem:s4+$0xFFFFFFC0];
	v13 =	vor.u32 $0x80000000, v24  }
0x139: {  	vm0 =	vgt.f32 v25, $0.0e+00;
	v13 =	vxor.u32 v18, v13;
	v18 =	vshrl.u32 v21, $0x14;
	[tilespmem:v19+s25+$0x0] =	vst.idx.add.s32.msk $0xffff, v3  }
0x13a: {  	v19 =	vor.u32 $0x80000000, v29;
	v12 =	vadd.f32 v5, v12;
	v15 =	vld [tilespmem:s4+$0xFFFFFFA0];
	v24 =	vsel vm1, $0x0, v13;
	[tilespmem:s5+$0x0] =	vst v21  }
0x13b: {  	v20 =	vxor.u32 v23, v19;
	v19 =	vand.u32 $0xFF0, v18;
	v13 =	vshrl.u32 v24, $0x14;
	[tilespmem:v8+s25+$0x0] =	vst.idx.add.s32.msk $0xffff, v3  }
.Ltmp4:
0x13c: {  	v21 =	vshra.s32 v9, $0x1F;
	v20 =	vsel vm2, $0x0, v20;
	v8 =	vadd.f32 v11, v12;
	[tilespmem:v17+s25+$0x0] =	vst.idx.add.s32.msk $0xffff, v3;
	(pc) =	sbr.rel @p0 .LBB2_6-.Ltmp4, $4  }
0x13d: {  	v18 =	vshra.s32 v7, $0x1F;
	vm1 =	vgt.f32 v4, $0.0e+00;
	v12 =	vshrl.u32 v20, $0x14;
	[tilespmem:v14+s25+$0x0] =	vst.idx.add.s32.msk $0xffff, v3  }
0x13e: {  	v14 =	vshra.s32 v28, $0x1F;
	v12 =	vand.u32 $0xFF0, v12;
	v17 =	vadd.f32 v22, v8;
	[tilespmem:v27+s25+$0x0] =	vst.idx.add.s32.msk $0xffff, v3  }
0x13f: {  	v14 =	vor.u32 $0x80000000, v14;
	v8 =	vor.u32 v2, v12;
	v22 =	vshra.s32 v15, $0x1F;
	[tilespmem:v26+s25+$0x0] =	vst.idx.add.s32.msk $0xffff, v3  }
0x140: {  	s4 =	sadd.s32 $0x80, s4;
	v18 =	vor.u32 $0x80000000, v18;
	v14 =	vxor.u32 v28, v14;
	v17 =	vadd.f32 v25, v17;
	[tilespmem:s5+$0xFFFFFFD0] =	vst v24;
	v12 =	vld [tilespmem:s1+$0xFFFFFFE0]  }
0x141: {  	v23 =	vshra.s32 v16, $0x1F  }
0x142: {  	v21 =	vor.u32 $0x80000000, v21;
	v19 =	vor.u32 v2, v19;
	vm2 =	vgt.f32 v11, $0.0e+00  }
0x143: {  	v11 =	vor.u32 $0x80000000, v22;
	v13 =	vand.u32 $0xFF0, v13;
	v23 =	vor.u32 $0x80000000, v23  }
0x144: {  	v9 =	vxor.u32 v9, v21;
	v11 =	vxor.u32 v15, v11;
	v13 =	vor.u32 v2, v13  }
0x145: {  	[tilespmem:s2+$0xFFFFFFB0] =	vst v20;
	v16 =	vxor.u32 v16, v23;
	v9 =	vsel vm1, $0x0, v9;
	v11 =	vsel vm2, $0x0, v11  }
0x146: {  	[tilespmem:v8+s25+$0x0] =	vst.idx.add.s32.msk $0xffff, v3;
	vm1 =	vgt.f32 v5, $0.0e+00;
	v5 =	vxor.u32 v7, v18;
	v15 =	vsel vm0, $0x0, v16  }
0x147: {  	[tilespmem:s2+$0xFFFFFFA0] =	vst v11;
	v7 =	vshrl.u32 v11, $0x14;
	v11 =	vsel vm1, $0x0, v14;
	v16 =	vshrl.u32 v15, $0x14  }
0x148: {  	vm0 =	vgt.f32 v12, $0.0e+00;
	[tilespmem:s2+$0xFFFFFFC0] =	vst v15;
	v15 =	vshrl.u32 v9, $0x14;
	v7 =	vand.u32 $0xFF0, v7  }
0x149: {  	[tilespmem:s2+$0xFFFFFFF0] =	vst v9;
	v9 =	vand.u32 $0xFF0, v15;
	v15 =	vand.u32 $0xFF0, v16;
	v7 =	vor.u32 v2, v7  }
0x14a: {  	[tilespmem:s2+$0xFFFFFF90] =	vst v11;
	v11 =	vshrl.u32 v11, $0x14;
	v5 =	vsel vm0, $0x0, v5;
	v15 =	vor.u32 v2, v15  }
0x14b: {  	[tilespmem:v19+s25+$0x0] =	vst.idx.add.s32.msk $0xffff, v3;
	v11 =	vand.u32 $0xFF0, v11;
	v9 =	vor.u32 v2, v9;
	v14 =	vshrl.u32 v5, $0x14  }
0x14c: {  	[tilespmem:s2+$0xFFFFFFE0] =	vst v5;
	v11 =	vor.u32 v2, v11;
	v5 =	vand.u32 $0xFF0, v14  }
0x14d: {  	[tilespmem:v13+s25+$0x0] =	vst.idx.add.s32.msk $0xffff, v3;
	v5 =	vor.u32 v2, v5  }
0x14e: {  	[tilespmem:v7+s25+$0x0] =	vst.idx.add.s32.msk $0xffff, v3  }
0x14f: {  	[tilespmem:v15+s25+$0x0] =	vst.idx.add.s32.msk $0xffff, v3  }
0x150: {  	[tilespmem:v9+s25+$0x0] =	vst.idx.add.s32.msk $0xffff, v3  }
0x151: {  	[tilespmem:v11+s25+$0x0] =	vst.idx.add.s32.msk $0xffff, v3  }
0x152: {  	s0 =	simm.s32 $0x5;
	[tilespmem:v5+s25+$0x0] =	vst.idx.add.s32.msk $0xffff, v3  }
0x153: {  	_ =	swait.ge [sflag:s0], $0x2000  }
0x154: {  	[sflag:s0] =	ssyncset.done $0x0  }
0x155: {  	s31 =	simm.s32 $0x6;
	[sflag:s0] =	ssyncadd.s32 $0xFFFFE000  }
0x156: {  	_ =	swait.ge [sflag:s31], $0x2000  }
0x157: {  	[sflag:s31] =	ssyncset.done $0x0  }
0x158: {  	s1 =	simm.s32 $0x0;
	[sflag:s31] =	ssyncadd.s32 $0xFFFFE000  }
0x159: {  	v8 =	vld [tilespmem:s1+$0xC060]  }
0x15a: {  	v7 =	vld [tilespmem:s1+$0xC050]  }
0x15b: {  	v11 =	vld [tilespmem:s1+$0xC030]  }
0x15c: {  	v9 =	vld [tilespmem:s1+$0xC040]  }
0x15d: {  	v14 =	vld [tilespmem:s1+$0x4050]  }
0x15e: {  	v10 =	vadd.f32 v10, v17;
	v5 =	vld [tilespmem:s1+$0xC070]  }
0x15f: {  	v21 =	vld [tilespmem:s1+$0x4000]  }
0x160: {  	v10 =	vadd.f32 v12, v10;
	v15 =	vld [tilespmem:s1+$0x4030]  }
0x161: {  	v12 =	vld [tilespmem:s1+$0x4070]  }
0x162: {  	v4 =	vadd.f32 v4, v10;
	v10 =	vld [tilespmem:s1+$0xC010]  }
0x163: {  	v16 =	vld [tilespmem:s1+$0x4010]  }
0x164: {  	v4 =	vadd.f32 v6, v4;
	vm3 =	vgt.f32 v11, $0.0e+00;
	vm2 =	vgt.f32 v8, $0.0e+00  }
0x165: {  	vm0 =	vgt.f32 v9, $0.0e+00;
	vm1 =	vgt.f32 v5, $0.0e+00;
	v6 =	vshra.s32 v14, $0x1F  }
0x166: {  	v23 =	vld [tilespmem:s1+$0xC000];
	v17 =	vshra.s32 v21, $0x1F;
	v22 =	vshra.s32 v15, $0x1F;
	v19 =	vshra.s32 v12, $0x1F  }
0x167: {  	v13 =	vld [tilespmem:s1+$0x4060];
	vm4 =	vgt.f32 v7, $0.0e+00;
	vm5 =	vgt.f32 v10, $0.0e+00;
	v6 =	vor.u32 $0x80000000, v6  }
0x168: {  	v24 =	vor.u32 $0x80000000, v17;
	v17 =	vshra.s32 v16, $0x1F;
	v6 =	vxor.u32 v14, v6;
	v14 =	vld [tilespmem:s1+$0x4020]  }
0x169: {  	v19 =	vor.u32 $0x80000000, v19;
	v22 =	vor.u32 $0x80000000, v22;
	v18 =	vsel vm4, $0x0, v6  }
0x16a: {  	v21 =	vxor.u32 v21, v24;
	v6 =	vor.u32 $0x80000000, v17;
	v17 =	vshrl.u32 v18, $0x14  }
0x16b: {  	vm4 =	vgt.f32 v23, $0.0e+00;
	v6 =	vxor.u32 v16, v6;
	v16 =	vand.u32 $0xFF0, v17  }
0x16c: {  	v20 =	vsel vm5, $0x0, v6;
	v17 =	vadd.f32 v23, v4;
	v23 =	vshra.s32 v13, $0x1F  }
0x16d: {  	s3 =	simm.s32 $0x200;
	s2 =	simm.s32 $0x0;
	v4 =	vld [tilespmem:s1+$0xC020];
	v6 =	vor.u32 v2, v16;
	v16 =	vshrl.u32 v20, $0x14;
	v24 =	vshra.s32 v14, $0x1F  }
.LBB2_8:
0x16e: {  	s4 =	sshra.s32 s3, $0x2;
	s2 =	sadd.s32 $0x8, s2;
	v24 =	vor.u32 $0x80000000, v24;
	v15 =	vxor.u32 v15, v22;
	v22 =	vld [tilespmem:s1+$0x4040];
	[tilespmem:s1+$0x14050] =	vst v18;
	v18 =	vor.u32 $0x80000000, v23  }
0x16f: {  	v10 =	vadd.f32 v10, v17;
	v23 =	vld [tilespmem:s4+$0xC060];
	p0 =	slt.u32 s2, $0x1F8;
	[tilespmem:s1+$0x14010] =	vst v20;
	v15 =	vsel vm3, $0x0, v15;
	v13 =	vxor.u32 v13, v18  }
0x170: {  	v12 =	vxor.u32 v12, v19;
	v18 =	vsel vm4, $0x0, v21;
	v17 =	vld [tilespmem:s4+$0xC050];
	[tilespmem:s1+$0x14030] =	vst v15;
	v13 =	vsel vm2, $0x0, v13  }
0x171: {  	v20 =	vshrl.u32 v18, $0x14;
	v15 =	vshrl.u32 v15, $0x14;
	v19 =	vld [tilespmem:s4+$0xC030];
	[tilespmem:s1+$0x14060] =	vst v13;
	v13 =	vshrl.u32 v13, $0x14  }
0x172: {  	v10 =	vadd.f32 v4, v10;
	v15 =	vand.u32 $0xFF0, v15;
	v21 =	vld [tilespmem:s4+$0xC040];
	[tilespmem:s1+$0x14000] =	vst v18;
	v13 =	vand.u32 $0xFF0, v13  }
0x173: {  	v14 =	vxor.u32 v14, v24;
	vm2 =	vgt.f32 v4, $0.0e+00;
	v18 =	vld [tilespmem:s4+$0x4050];
	v24 =	vor.u32 v2, v13  }
0x174: {  	v4 =	vsel vm2, $0x0, v14;
	v10 =	vadd.f32 v11, v10;
	v29 =	vshra.s32 v22, $0x1F;
	v13 =	vld [tilespmem:s4+$0x4060]  }
0x175: {  	v26 =	vsel vm1, $0x0, v12;
	v14 =	vor.u32 $0x80000000, v29;
	v25 =	vld [tilespmem:s4+$0xC070];
	[tilespmem:s1+$0x14020] =	vst v4;
	v4 =	vshrl.u32 v4, $0x14  }
0x176: {  	v28 =	vor.u32 v2, v15;
	v10 =	vadd.f32 v9, v10;
	v27 =	vld [tilespmem:s4+$0x4000];
	v4 =	vand.u32 $0xFF0, v4;
	[tilespmem:s1+$0x14070] =	vst v26;
	v11 =	vmovc v19  }
0x177: {  	v16 =	vand.u32 $0xFF0, v16;
	v12 =	vld [tilespmem:s4+$0x4070];
	v29 =	vor.u32 v2, v4;
	v4 =	vxor.u32 v22, v14;
	v9 =	vmovc v21  }
0x178: {  	v16 =	vor.u32 v2, v16;
	v19 =	vadd.f32 v7, v10;
	v7 =	vmovc v17;
	v15 =	vld [tilespmem:s4+$0x4030];
	v4 =	vsel vm0, $0x0, v4  }
0x179: {  	v20 =	vand.u32 $0xFF0, v20;
	v10 =	vshrl.u32 v26, $0x14;
	v17 =	vld [tilespmem:s4+$0x4010];
	[tilespmem:s1+$0x14040] =	vst v4;
	v4 =	vshrl.u32 v4, $0x14;
	s1 =	smov.u32 s4  }
0x17a: {  	vm2 =	vgt.f32 v23, $0.0e+00;
	vm3 =	vgt.f32 v11, $0.0e+00;
	v14 =	vld [tilespmem:s1+$0x4020];
	v21 =	vand.u32 $0xFF0, v4  }
0x17b: {  	v22 =	vand.u32 $0xFF0, v10;
	vm0 =	vgt.f32 v9, $0.0e+00;
	vm1 =	vgt.f32 v25, $0.0e+00;
	v4 =	vld [tilespmem:s1+$0xC020]  }
0x17c: {  	v31 =	vor.u32 v2, v20;
	v30 =	vshra.s32 v18, $0x1F;
	v26 =	vshra.s32 v27, $0x1F;
	v10 =	vld [tilespmem:s1+$0xC010]  }
0x17d: {  	v33 =	vor.u32 v2, v22;
	v20 =	vshra.s32 v12, $0x1F;
	v32 =	vshra.s32 v15, $0x1F;
	[tilespmem:v6+s25+$0x0] =	vst.idx.add.s32.msk $0xffff, v3  }
0x17e: {  	vm4 =	vgt.f32 v7, $0.0e+00;
	v26 =	vor.u32 $0x80000000, v26;
	v6 =	vor.u32 $0x80000000, v30;
	v22 =	vld [tilespmem:s1+$0xC000]  }
0x17f: {  	v19 =	vadd.f32 v8, v19;
	v30 =	vshra.s32 v17, $0x1F;
	v6 =	vxor.u32 v18, v6;
	[tilespmem:v24+s25+$0x0] =	vst.idx.add.s32.msk $0xffff, v3  }
0x180: {  	v8 =	vmovc v23;
	v24 =	vor.u32 $0x80000000, v30;
	v18 =	vsel vm4, $0x0, v6;
	v30 =	vor.u32 v2, v21;
	[tilespmem:v16+s25+$0x0] =	vst.idx.add.s32.msk $0xffff, v3  }
.Ltmp5:
0x181: {  	v6 =	vshrl.u32 v18, $0x14;
	v16 =	vadd.f32 v5, v19;
	v5 =	vmovc v25;
	vm5 =	vgt.f32 v10, $0.0e+00;
	[tilespmem:v28+s25+$0x0] =	vst.idx.add.s32.msk $0xffff, v3;
	(pc) =	sbr.rel @p0 .LBB2_8-.Ltmp5, $4  }
0x182: {  	v17 =	vxor.u32 v17, v24;
	v19 =	vor.u32 $0x80000000, v20;
	v6 =	vand.u32 $0xFF0, v6;
	[tilespmem:v29+s25+$0x0] =	vst.idx.add.s32.msk $0xffff, v3  }
0x183: {  	v20 =	vsel vm5, $0x0, v17;
	v6 =	vor.u32 v2, v6;
	vm4 =	vgt.f32 v22, $0.0e+00;
	[tilespmem:v31+s25+$0x0] =	vst.idx.add.s32.msk $0xffff, v3  }
0x184: {  	v17 =	vadd.f32 v22, v16;
	v16 =	vshrl.u32 v20, $0x14;
	v22 =	vor.u32 $0x80000000, v32;
	[tilespmem:v33+s25+$0x0] =	vst.idx.add.s32.msk $0xffff, v3  }
0x185: {  	s3 =	sadd.s32 $0x200, s3;
	v23 =	vshra.s32 v13, $0x1F;
	v21 =	vxor.u32 v27, v26;
	v24 =	vshra.s32 v14, $0x1F;
	[tilespmem:v30+s25+$0x0] =	vst.idx.add.s32.msk $0xffff, v3  }
0x186: {  	v24 =	vor.u32 $0x80000000, v24  }
0x187: {  	v15 =	vxor.u32 v15, v22;
	v23 =	vor.u32 $0x80000000, v23;
	v21 =	vsel vm4, $0x0, v21  }
0x188: {  	v22 =	vld [tilespmem:s1+$0x4040];
	v12 =	vxor.u32 v12, v19;
	v15 =	vsel vm3, $0x0, v15;
	v13 =	vxor.u32 v13, v23  }
0x189: {  	[tilespmem:s1+$0x14050] =	vst v18;
	v19 =	vshrl.u32 v21, $0x14;
	v14 =	vxor.u32 v14, v24;
	v12 =	vsel vm1, $0x0, v12  }
0x18a: {  	[tilespmem:s1+$0x14010] =	vst v20;
	v13 =	vsel vm2, $0x0, v13;
	v18 =	vshrl.u32 v15, $0x14;
	vm2 =	vgt.f32 v4, $0.0e+00  }
0x18b: {  	[tilespmem:s1+$0x14070] =	vst v12;
	v19 =	vand.u32 $0xFF0, v19;
	v12 =	vshrl.u32 v12, $0x14;
	v20 =	vshrl.u32 v13, $0x14  }
0x18c: {  	[tilespmem:s1+$0x14030] =	vst v15;
	v18 =	vand.u32 $0xFF0, v18;
	v14 =	vsel vm2, $0x0, v14;
	v15 =	vand.u32 $0xFF0, v20  }
0x18d: {  	[tilespmem:s1+$0x14060] =	vst v13;
	v19 =	vor.u32 v2, v19;
	v13 =	vor.u32 v2, v15;
	v15 =	vshra.s32 v22, $0x1F  }
0x18e: {  	[tilespmem:s1+$0x14000] =	vst v21;
	v12 =	vand.u32 $0xFF0, v12;
	v18 =	vor.u32 v2, v18;
	v15 =	vor.u32 $0x80000000, v15  }
0x18f: {  	v20 =	vshrl.u32 v14, $0x14;
	[tilespmem:s1+$0x14020] =	vst v14;
	v12 =	vor.u32 v2, v12;
	v14 =	vxor.u32 v22, v15  }
0x190: {  	v16 =	vand.u32 $0xFF0, v16;
	[tilespmem:v6+s25+$0x0] =	vst.idx.add.s32.msk $0xffff, v3;
	v14 =	vsel vm0, $0x0, v14  }
0x191: {  	v15 =	vor.u32 v2, v16;
	v16 =	vand.u32 $0xFF0, v20;
	[tilespmem:s1+$0x14040] =	vst v14;
	v14 =	vshrl.u32 v14, $0x14  }
0x192: {  	v16 =	vor.u32 v2, v16;
	[tilespmem:v19+s25+$0x0] =	vst.idx.add.s32.msk $0xffff, v3;
	v6 =	vand.u32 $0xFF0, v14  }
0x193: {  	[tilespmem:v18+s25+$0x0] =	vst.idx.add.s32.msk $0xffff, v3;
	v6 =	vor.u32 v2, v6  }
0x194: {  	[tilespmem:v12+s25+$0x0] =	vst.idx.add.s32.msk $0xffff, v3  }
0x195: {  	[tilespmem:v13+s25+$0x0] =	vst.idx.add.s32.msk $0xffff, v3  }
0x196: {  	[tilespmem:v15+s25+$0x0] =	vst.idx.add.s32.msk $0xffff, v3  }
0x197: {  	[tilespmem:v16+s25+$0x0] =	vst.idx.add.s32.msk $0xffff, v3  }
0x198: {  	s0 =	simm.s32 $0x7;
	[tilespmem:v6+s25+$0x0] =	vst.idx.add.s32.msk $0xffff, v3  }
0x199: {  	_ =	swait.ge [sflag:s0], $0x2000  }
0x19a: {  	[sflag:s0] =	ssyncset.done $0x0  }
0x19b: {  	s31 =	simm.s32 $0x8;
	[sflag:s0] =	ssyncadd.s32 $0xFFFFE000  }
0x19c: {  	_ =	swait.ge [sflag:s31], $0x2000  }
0x19d: {  	v6 =	vadd.f32 v10, v17;
	[sflag:s31] =	ssyncset.done $0x0  }
0x19e: {  	s1 =	simm.s32 $0x0;
	[sflag:s31] =	ssyncadd.s32 $0xFFFFE000  }
0x19f: {  	v10 =	vadd.f32 v4, v6;
	v6 =	vld [tilespmem:s1+$0xE060]  }
0x1a0: {  	v4 =	vld [tilespmem:s1+$0xE050]  }
0x1a1: {  	v12 =	vadd.f32 v11, v10;
	v11 =	vld [tilespmem:s1+$0xE030]  }
0x1a2: {  	v10 =	vld [tilespmem:s1+$0xE040]  }
0x1a3: {  	v14 =	vld [tilespmem:s1+$0x6050]  }
0x1a4: {  	v12 =	vadd.f32 v9, v12;
	v9 =	vld [tilespmem:s1+$0xE070]  }
0x1a5: {  	v20 =	vld [tilespmem:s1+$0x6000]  }
0x1a6: {  	v13 =	vld [tilespmem:s1+$0x6030];
	v7 =	vadd.f32 v7, v12  }
0x1a7: {  	v15 =	vld [tilespmem:s1+$0x6010]  }
0x1a8: {  	v16 =	vld [tilespmem:s1+$0xE010];
	v8 =	vadd.f32 v8, v7  }
0x1a9: {  	v23 =	vld [tilespmem:s1+$0xE000]  }
0x1aa: {  	v12 =	vld [tilespmem:s1+$0x6020];
	v21 =	vadd.f32 v5, v8;
	vm3 =	vgt.f32 v11, $0.0e+00;
	vm2 =	vgt.f32 v6, $0.0e+00  }
0x1ab: {  	v7 =	vld [tilespmem:s1+$0x6070];
	vm0 =	vgt.f32 v10, $0.0e+00;
	vm1 =	vgt.f32 v9, $0.0e+00;
	v5 =	vshra.s32 v14, $0x1F  }
0x1ac: {  	v17 =	vshra.s32 v20, $0x1F;
	v22 =	vshra.s32 v13, $0x1F;
	vm4 =	vgt.f32 v4, $0.0e+00  }
0x1ad: {  	vm5 =	vgt.f32 v16, $0.0e+00;
	v5 =	vor.u32 $0x80000000, v5;
	v24 =	vor.u32 $0x80000000, v17  }
0x1ae: {  	v8 =	vld [tilespmem:s1+$0x6060];
	v22 =	vor.u32 $0x80000000, v22;
	v5 =	vxor.u32 v14, v5;
	v14 =	vshra.s32 v15, $0x1F  }
0x1af: {  	v21 =	vadd.f32 v23, v21;
	v20 =	vxor.u32 v20, v24;
	v24 =	vshra.s32 v12, $0x1F  }
0x1b0: {  	v18 =	vshra.s32 v7, $0x1F;
	v17 =	vsel vm4, $0x0, v5;
	v5 =	vor.u32 $0x80000000, v14  }
0x1b1: {  	vm4 =	vgt.f32 v23, $0.0e+00;
	v14 =	vshrl.u32 v17, $0x14;
	v5 =	vxor.u32 v15, v5  }
0x1b2: {  	v18 =	vor.u32 $0x80000000, v18;
	v14 =	vand.u32 $0xFF0, v14;
	v19 =	vsel vm5, $0x0, v5  }
0x1b3: {  	s2 =	simm.s32 $0x0;
	s3 =	simm.s32 $0x200;
	v23 =	vshra.s32 v8, $0x1F;
	v5 =	vor.u32 v2, v14;
	v15 =	vshrl.u32 v19, $0x14;
	v14 =	vld [tilespmem:s1+$0xE020]  }
.LBB2_10:
0x1b4: {  	s4 =	sshra.s32 s3, $0x2;
	s2 =	sadd.s32 $0x8, s2;
	v24 =	vor.u32 $0x80000000, v24;
	v13 =	vxor.u32 v13, v22;
	v22 =	vld [tilespmem:s1+$0x6040];
	[tilespmem:s1+$0x16050] =	vst v17;
	v17 =	vor.u32 $0x80000000, v23  }
0x1b5: {  	v16 =	vadd.f32 v16, v21;
	v23 =	vld [tilespmem:s4+$0xE060];
	p0 =	slt.u32 s2, $0x1F8;
	[tilespmem:s1+$0x16010] =	vst v19;
	v13 =	vsel vm3, $0x0, v13;
	v8 =	vxor.u32 v8, v17  }
0x1b6: {  	v7 =	vxor.u32 v7, v18;
	v19 =	vsel vm4, $0x0, v20;
	v17 =	vld [tilespmem:s4+$0xE050];
	[tilespmem:s1+$0x16030] =	vst v13;
	v8 =	vsel vm2, $0x0, v8  }
0x1b7: {  	v20 =	vshrl.u32 v19, $0x14;
	v13 =	vshrl.u32 v13, $0x14;
	v18 =	vld [tilespmem:s4+$0xE030];
	[tilespmem:s1+$0x16060] =	vst v8;
	v8 =	vshrl.u32 v8, $0x14  }
0x1b8: {  	v16 =	vadd.f32 v14, v16;
	v13 =	vand.u32 $0xFF0, v13;
	v21 =	vld [tilespmem:s4+$0xE040];
	[tilespmem:s1+$0x16000] =	vst v19;
	v8 =	vand.u32 $0xFF0, v8  }
0x1b9: {  	v12 =	vxor.u32 v12, v24;
	vm2 =	vgt.f32 v14, $0.0e+00;
	v19 =	vld [tilespmem:s4+$0x6050];
	v24 =	vor.u32 v2, v8  }
0x1ba: {  	v12 =	vsel vm2, $0x0, v12;
	v29 =	vadd.f32 v11, v16;
	v14 =	vshra.s32 v22, $0x1F;
	v8 =	vld [tilespmem:s4+$0x6060]  }
0x1bb: {  	v16 =	vsel vm1, $0x0, v7;
	v14 =	vor.u32 $0x80000000, v14;
	v25 =	vld [tilespmem:s4+$0xE070];
	[tilespmem:s1+$0x16020] =	vst v12;
	v12 =	vshrl.u32 v12, $0x14  }
0x1bc: {  	v27 =	vor.u32 v2, v13;
	v28 =	vadd.f32 v10, v29;
	v26 =	vld [tilespmem:s4+$0x6000];
	v12 =	vand.u32 $0xFF0, v12;
	[tilespmem:s1+$0x16070] =	vst v16;
	v11 =	vmovc v18  }
0x1bd: {  	v15 =	vand.u32 $0xFF0, v15;
	v7 =	vld [tilespmem:s4+$0x6070];
	v29 =	vor.u32 v2, v12;
	v12 =	vxor.u32 v22, v14;
	v10 =	vmovc v21  }
0x1be: {  	v15 =	vor.u32 v2, v15;
	v18 =	vadd.f32 v4, v28;
	v4 =	vmovc v17;
	v13 =	vld [tilespmem:s4+$0x6030];
	v12 =	vsel vm0, $0x0, v12  }
0x1bf: {  	v17 =	vand.u32 $0xFF0, v20;
	v16 =	vshrl.u32 v16, $0x14;
	v21 =	vld [tilespmem:s4+$0x6010];
	[tilespmem:s1+$0x16040] =	vst v12;
	v14 =	vshrl.u32 v12, $0x14;
	s1 =	smov.u32 s4  }
0x1c0: {  	vm2 =	vgt.f32 v23, $0.0e+00;
	vm3 =	vgt.f32 v11, $0.0e+00;
	v12 =	vld [tilespmem:s1+$0x6020];
	v20 =	vand.u32 $0xFF0, v14  }
0x1c1: {  	v22 =	vand.u32 $0xFF0, v16;
	vm0 =	vgt.f32 v10, $0.0e+00;
	vm1 =	vgt.f32 v25, $0.0e+00;
	v14 =	vld [tilespmem:s1+$0xE020]  }
0x1c2: {  	v31 =	vor.u32 v2, v17;
	v30 =	vshra.s32 v19, $0x1F;
	v28 =	vshra.s32 v26, $0x1F;
	v16 =	vld [tilespmem:s1+$0xE010]  }
0x1c3: {  	v34 =	vor.u32 v2, v22;
	v33 =	vshra.s32 v7, $0x1F;
	v32 =	vshra.s32 v13, $0x1F;
	[tilespmem:v5+s25+$0x0] =	vst.idx.add.s32.msk $0xffff, v3  }
0x1c4: {  	vm4 =	vgt.f32 v4, $0.0e+00;
	v28 =	vor.u32 $0x80000000, v28;
	v5 =	vor.u32 $0x80000000, v30;
	v22 =	vld [tilespmem:s1+$0xE000]  }
0x1c5: {  	v18 =	vadd.f32 v6, v18;
	v17 =	vshra.s32 v21, $0x1F;
	v5 =	vxor.u32 v19, v5;
	[tilespmem:v24+s25+$0x0] =	vst.idx.add.s32.msk $0xffff, v3  }
0x1c6: {  	v6 =	vmovc v23;
	v30 =	vor.u32 v2, v20;
	v19 =	vor.u32 $0x80000000, v17;
	v17 =	vsel vm4, $0x0, v5;
	[tilespmem:v15+s25+$0x0] =	vst.idx.add.s32.msk $0xffff, v3  }
.Ltmp6:
0x1c7: {  	v5 =	vshrl.u32 v17, $0x14;
	v15 =	vadd.f32 v9, v18;
	v9 =	vmovc v25;
	vm5 =	vgt.f32 v16, $0.0e+00;
	[tilespmem:v27+s25+$0x0] =	vst.idx.add.s32.msk $0xffff, v3;
	(pc) =	sbr.rel @p0 .LBB2_10-.Ltmp6, $4  }
0x1c8: {  	v19 =	vxor.u32 v21, v19;
	v18 =	vor.u32 $0x80000000, v33;
	v5 =	vand.u32 $0xFF0, v5;
	[tilespmem:v29+s25+$0x0] =	vst.idx.add.s32.msk $0xffff, v3  }
0x1c9: {  	v19 =	vsel vm5, $0x0, v19;
	v5 =	vor.u32 v2, v5;
	vm4 =	vgt.f32 v22, $0.0e+00;
	[tilespmem:v31+s25+$0x0] =	vst.idx.add.s32.msk $0xffff, v3  }
0x1ca: {  	v21 =	vadd.f32 v22, v15;
	v15 =	vshrl.u32 v19, $0x14;
	v22 =	vor.u32 $0x80000000, v32;
	[tilespmem:v34+s25+$0x0] =	vst.idx.add.s32.msk $0xffff, v3  }
0x1cb: {  	s3 =	sadd.s32 $0x200, s3;
	v23 =	vshra.s32 v8, $0x1F;
	v20 =	vxor.u32 v26, v28;
	v24 =	vshra.s32 v12, $0x1F;
	[tilespmem:v30+s25+$0x0] =	vst.idx.add.s32.msk $0xffff, v3  }
0x1cc: {  	v16 =	vadd.f32 v16, v21;
	_ =	sdelay $0x1  }
0x1cd: {  	v16 =	vadd.f32 v14, v16;
	_ =	sdelay $0x1  }
0x1ce: {  	v11 =	vadd.f32 v11, v16;
	_ =	sdelay $0x1  }
0x1cf: {  	v10 =	vadd.f32 v10, v11;
	_ =	sdelay $0x1  }
0x1d0: {  	v4 =	vadd.f32 v4, v10;
	_ =	sdelay $0x1  }
0x1d1: {  	v4 =	vadd.f32 v6, v4;
	_ =	sdelay $0x1  }
0x1d2: {  	v4 =	vadd.f32 v9, v4;
	_ =	sdelay $0x1  }
0x1d3: {  	(xrf2) =	vadd.scan.msk.f32 $0xffff, v4;
	_ =	sdelay $0x9  }
0x1d4: {  	v4, _, _ =	vpop (xrf2)  }
0x1d5: {  	(v2sf) =	vpush v4, $0xF;
	_ =	sdelay $0x7  }
0x1d6: {  	v49 =	vld [tilespmem:s1+$0x6040]  }
0x1d7: {  	v48 =	vxor.u32 v13, v22  }
0x1d8: {  	v50 =	vor.u32 $0x80000000, v23;
	v51 =	vsel vm4, $0x0, v20;
	[tilespmem:s1+$0x16050] =	vst v17;
	v7 =	vxor.u32 v7, v18  }
0x1d9: {  	[tilespmem:s1+$0x16010] =	vst v19;
	vm15 =	vgt.f32 v14, $0.0e+00;
	v58 =	vand.u32 $0xFF0, v15;
	v8 =	vxor.u32 v8, v50  }
0x1da: {  	[tilespmem:s1+$0x16000] =	vst v51;
	v60 =	vor.u32 v2, v58;
	v8 =	vsel vm2, $0x0, v8;
	v4 =	vor.u32 $0x80000000, v24  }
0x1db: {  	[tilespmem:s1+$0x16060] =	vst v8;
	v56 =	vshra.s32 v49, $0x1F;
	v6 =	vsel vm3, $0x0, v48;
	v4 =	vxor.u32 v12, v4  }
0x1dc: {  	v54 =	vshrl.u32 v8, $0x14;
	v8 =	vor.u32 $0x80000000, v56;
	[tilespmem:s1+$0x16030] =	vst v6;
	v4 =	vsel vm15, $0x0, v4  }
0x1dd: {  	v59 =	vxor.u32 v49, v8;
	v57 =	vshrl.u32 v4, $0x14;
	[tilespmem:s1+$0x16020] =	vst v4;
	v4 =	vsel vm1, $0x0, v7;
	s31 =	spop (v2sf)  }
0x1de: {  	v55 =	vand.u32 $0xFF0, v54;
	v52 =	vshrl.u32 v6, $0x14;
	v7 =	vsel vm0, $0x0, v59;
	[tilespmem:s1+$0x16070] =	vst v4;
	s2 =	smul.f32 $3.000000000e+00, s31  }
0x1df: {  	v53 =	vshrl.u32 v51, $0x14;
	v6 =	vor.u32 v2, v55;
	v11 =	vand.u32 $0xFF0, v52;
	[tilespmem:s1+$0x16040] =	vst v7;
	s1 =	scvt.f32.s32 s31  }
0x1e0: {  	v63 =	vand.u32 $0xFF0, v53;
	v62 =	vor.u32 v2, v11;
	s2 =	scvt.f32.s32 s2  }
0x1e1: {  	v11 =	vor.u32 v2, v63;
	v61 =	vand.u32 $0xFF0, v57;
	v4 =	vshrl.u32 v4, $0x14;
	s19 =	ssub.s32 $0x8000, s1  }
0x1e2: {  	[tilespmem:v5+s25+$0x0] =	vst.idx.add.s32.msk $0xffff, v3;
	v7 =	vshrl.u32 v7, $0x14;
	v9 =	vor.u32 v2, v61;
	v4 =	vand.u32 $0xFF0, v4;
	p0 =	slt.s32 s2, s19  }
0x1e3: {  	[tilespmem:v60+s25+$0x0] =	vst.idx.add.s32.msk $0xffff, v3;
	v5 =	vand.u32 $0xFF0, v7;
	v4 =	vor.u32 v2, v4;
	s19 =	smov.u32 @p0 s2  }
0x1e4: {  	[tilespmem:v6+s25+$0x0] =	vst.idx.add.s32.msk $0xffff, v3;
	v5 =	vor.u32 v2, v5;
	p0 =	slt.s32 s19, $0x1  }
.Ltmp7:
0x1e5: {  	[tilespmem:v62+s25+$0x0] =	vst.idx.add.s32.msk $0xffff, v3;
	(pc) =	sbr.rel @p0 .LBB2_27-.Ltmp7, $4  }
0x1e6: {  	[tilespmem:v11+s25+$0x0] =	vst.idx.add.s32.msk $0xffff, v3  }
0x1e7: {  	[tilespmem:v9+s25+$0x0] =	vst.idx.add.s32.msk $0xffff, v3  }
0x1e8: {  	[tilespmem:v4+s25+$0x0] =	vst.idx.add.s32.msk $0xffff, v3  }
0x1e9: {  	[tilespmem:v5+s25+$0x0] =	vst.idx.add.s32.msk $0xffff, v3  }
0x1ea: {  	s1 =	simm.s32 $0x18FF0  }
0x1eb: {  	v4 =	vld [tilespmem:s1+$0xFFFFFF10]  }
0x1ec: {  	v5 =	vld [tilespmem:s1+$0xFFFFFF20]  }
0x1ed: {  	v6 =	vld [tilespmem:s1+$0xFFFFFF30]  }
0x1ee: {  	v7 =	vld [tilespmem:s1+$0xFFFFFF40]  }
0x1ef: {  	v8 =	vld [tilespmem:s1+$0xFFFFFF50]  }
0x1f0: {  	v9 =	vld [tilespmem:s1+$0xFFFFFF60]  }
0x1f1: {  	v4 =	vadd.s32 v4, v5;
	v5 =	vld [tilespmem:s1+$0xFFFFFF70]  }
0x1f2: {  	v4 =	vadd.s32 v6, v4;
	v6 =	vld [tilespmem:s1+$0xFFFFFF80]  }
0x1f3: {  	v4 =	vadd.s32 v7, v4;
	v7 =	vld [tilespmem:s1+$0xFFFFFF90]  }
0x1f4: {  	v4 =	vadd.s32 v8, v4;
	v8 =	vld [tilespmem:s1+$0xFFFFFFA0]  }
0x1f5: {  	v4 =	vadd.s32 v9, v4;
	v9 =	vld [tilespmem:s1+$0xFFFFFFB0]  }
0x1f6: {  	v4 =	vadd.s32 v5, v4;
	v5 =	vld [tilespmem:s1+$0xFFFFFFC0]  }
0x1f7: {  	v4 =	vadd.s32 v6, v4;
	v6 =	vld [tilespmem:s1+$0xFFFFFFD0]  }
0x1f8: {  	v4 =	vadd.s32 v7, v4;
	v7 =	vld [tilespmem:s1+$0xFFFFFFE0]  }
0x1f9: {  	v4 =	vadd.s32 v8, v4;
	v8 =	vld [tilespmem:s1+$0xFFFFFFF0]  }
0x1fa: {  	s30 =	simm.s32 $0x18EF0;
	v4 =	vadd.s32 v9, v4;
	v9 =	vld [tilespmem:s1+$0x0]  }
0x1fb: {  	v10 =	vld [tilespmem:s30+$0xFFFFFF10];
	v4 =	vadd.s32 v5, v4  }
0x1fc: {  	v11 =	vld [tilespmem:s30+$0xFFFFFF80];
	v4 =	vadd.s32 v6, v4  }
0x1fd: {  	v5 =	vld [tilespmem:s30+$0xFFFFFF20];
	v4 =	vadd.s32 v7, v4  }
0x1fe: {  	v6 =	vld [tilespmem:s30+$0xFFFFFF30];
	v4 =	vadd.s32 v8, v4  }
0x1ff: {  	v7 =	vld [tilespmem:s30+$0xFFFFFF40];
	v4 =	vadd.s32 v9, v4  }
0x200: {  	v8 =	vld [tilespmem:s30+$0xFFFFFF50];
	(xrf0) =	vadd.scan.msk.s32 $0xffff, v4  }
0x201: {  	v9 =	vld [tilespmem:s30+$0xFFFFFF60]  }
0x202: {  	v4 =	vld [tilespmem:s30+$0xFFFFFF70];
	v5 =	vadd.s32 v10, v5  }
0x203: {  	s4 =	simm.s32 $0x18DF0;
	v12 =	vld [tilespmem:s30+$0xFFFFFF90];
	v5 =	vadd.s32 v6, v5  }
0x204: {  	v63 =	vld [tilespmem:s4+$0xFFFFFF10];
	v5 =	vadd.s32 v7, v5  }
0x205: {  	v10 =	vld [tilespmem:s30+$0xFFFFFFA0];
	v5 =	vadd.s32 v8, v5  }
0x206: {  	v6 =	vld [tilespmem:s30+$0xFFFFFFB0];
	v5 =	vadd.s32 v9, v5;
	v13, _, _ =	vpop (xrf0)  }
0x207: {  	v7 =	vld [tilespmem:s30+$0xFFFFFFC0];
	v4 =	vadd.s32 v4, v5;
	(v2sf) =	vpush v13, $0xF  }
0x208: {  	v8 =	vld [tilespmem:s30+$0xFFFFFFD0];
	v4 =	vadd.s32 v11, v4  }
0x209: {  	v9 =	vld [tilespmem:s30+$0xFFFFFFE0];
	v4 =	vadd.s32 v12, v4  }
0x20a: {  	v5 =	vld [tilespmem:s30+$0xFFFFFFF0];
	v4 =	vadd.s32 v10, v4  }
0x20b: {  	v11 =	vld [tilespmem:s30+$0x0];
	v4 =	vadd.s32 v6, v4  }
0x20c: {  	v10 =	vld [tilespmem:s4+$0xFFFFFF20];
	v4 =	vadd.s32 v7, v4  }
0x20d: {  	v6 =	vld [tilespmem:s4+$0xFFFFFF30];
	v4 =	vadd.s32 v8, v4  }
0x20e: {  	v7 =	vld [tilespmem:s4+$0xFFFFFF40];
	v4 =	vadd.s32 v9, v4  }
0x20f: {  	v8 =	vld [tilespmem:s4+$0xFFFFFF50];
	v4 =	vadd.s32 v5, v4  }
0x210: {  	v9 =	vld [tilespmem:s4+$0xFFFFFF60];
	v4 =	vadd.s32 v11, v4  }
0x211: {  	v5 =	vadd.s32 v63, v10;
	v10 =	vld [tilespmem:s4+$0xFFFFFF70];
	(xrf0) =	vadd.scan.msk.s32 $0xffff, v4  }
0x212: {  	v5 =	vadd.s32 v6, v5;
	v6 =	vld [tilespmem:s4+$0xFFFFFF80]  }
0x213: {  	v4 =	vadd.s32 v7, v5;
	v7 =	vld [tilespmem:s4+$0xFFFFFF90]  }
0x214: {  	v4 =	vadd.s32 v8, v4;
	v8 =	vld [tilespmem:s4+$0xFFFFFFA0]  }
0x215: {  	v4 =	vadd.s32 v9, v4;
	v9 =	vld [tilespmem:s4+$0xFFFFFFB0]  }
0x216: {  	[dreg:$0xf] =	wrdreg s6;
	s10 =	simm.s32 $0xFFFFFFFF;
	v5 =	vadd.s32 v10, v4;
	v4 =	vld [tilespmem:s4+$0xFFFFFFC0];
	s31 =	spop (v2sf)  }
0x217: {  	s20 =	simm.s32 $0x0;
	s5 =	simm.s32 $0xF;
	v6 =	vadd.s32 v6, v5;
	v5 =	vld [tilespmem:s4+$0xFFFFFFD0];
	v10, _, _ =	vpop (xrf0);
	s1 =	sadd.s32 $0x0, s31  }
0x218: {  	s3 =	simm.s32 $0xE;
	p1 =	por $0x1, $0x1;
	v7 =	vadd.s32 v7, v6;
	v6 =	vld [tilespmem:s4+$0xFFFFFFE0];
	(v2sf) =	vpush v10, $0xF;
	p0 =	sge.s32 s1, s19  }
0x219: {  	s2 =	simm.s32 $0xD;
	s6 =	simm.s32 $0xC;
	v8 =	vadd.s32 v8, v7;
	v7 =	vld [tilespmem:s4+$0xFFFFFFF0];
	p0 =	por !p1, !p0  }
0x21a: {  	s7 =	simm.s32 $0x18CF0;
	v9 =	vadd.s32 v9, v8;
	v8 =	vld [tilespmem:s4+$0x0];
	s4 =	simm.s32 $0x0;
	p1 =	por !p0, !p0  }
.LBB2_13:
0x21b: {  	p0 =	sne.s32 s6, $0x0;
	s10 =	smov.u32 @p1 s5;
	s20 =	smov.u32 @p1 s4  }
0x21c: {  	v10 =	vld [tilespmem:s7+$0xFFFFFF10];
	v4 =	vadd.s32 v4, v9;
	s5 =	smov.u32 s3;
	s3 =	smov.u32 s2;
	s2 =	smov.u32 s6  }
0x21d: {  	s6 =	sadd.s32 $0xFFFFFFFF, s6;
	s4 =	smov.u32 s1;
	v9 =	vld [tilespmem:s7+$0xFFFFFF20];
	v4 =	vadd.s32 v5, v4  }
0x21e: {  	v5 =	vld [tilespmem:s7+$0xFFFFFF30];
	v4 =	vadd.s32 v6, v4  }
0x21f: {  	v6 =	vld [tilespmem:s7+$0xFFFFFF40];
	v4 =	vadd.s32 v7, v4  }
0x220: {  	v7 =	vld [tilespmem:s7+$0xFFFFFF50];
	v4 =	vadd.s32 v8, v4  }
0x221: {  	v8 =	vld [tilespmem:s7+$0xFFFFFF60];
	(xrf0) =	vadd.scan.msk.s32 $0xffff, v4  }
0x222: {  	v4 =	vadd.s32 v10, v9;
	v9 =	vld [tilespmem:s7+$0xFFFFFF70]  }
0x223: {  	v4 =	vadd.s32 v5, v4;
	v5 =	vld [tilespmem:s7+$0xFFFFFF80]  }
0x224: {  	v4 =	vadd.s32 v6, v4;
	v6 =	vld [tilespmem:s7+$0xFFFFFF90]  }
0x225: {  	v4 =	vadd.s32 v7, v4;
	v7 =	vld [tilespmem:s7+$0xFFFFFFA0]  }
0x226: {  	v4 =	vadd.s32 v8, v4;
	v8 =	vld [tilespmem:s7+$0xFFFFFFB0]  }
.Ltmp8:
0x227: {  	v9 =	vadd.s32 v9, v4;
	v4 =	vld [tilespmem:s7+$0xFFFFFFC0];
	v10, _, _ =	vpop (xrf0);
	s8 =	spop (v2sf);
	(pc) =	sbr.rel @p0 .LBB2_13-.Ltmp8, $4  }
0x228: {  	v9 =	vadd.s32 v5, v9;
	v5 =	vld [tilespmem:s7+$0xFFFFFFD0];
	(v2sf) =	vpush v10, $0xF;
	s1 =	sadd.s32 s1, s8  }
0x229: {  	p2 =	slt.s32 s10, $0x0;
	v9 =	vadd.s32 v6, v9;
	v6 =	vld [tilespmem:s7+$0xFFFFFFE0];
	p1 =	sge.s32 s1, s19  }
0x22a: {  	v9 =	vadd.s32 v7, v9;
	v7 =	vld [tilespmem:s7+$0xFFFFFFF0];
	p1 =	por !p2, !p1  }
0x22b: {  	v9 =	vadd.s32 v8, v9;
	v8 =	vld [tilespmem:s7+$0x0];
	s7 =	sadd.s32 $0xFFFFFF00, s7;
	p1 =	por !p1, !p1  }
0x22c: {  	v4 =	vadd.s32 v4, v9  }
0x22d: {  	v4 =	vadd.s32 v5, v4  }
0x22e: {  	v4 =	vadd.s32 v6, v4  }
0x22f: {  	v4 =	vadd.s32 v7, v4  }
0x230: {  	v4 =	vadd.s32 v8, v4  }
0x231: {  	(xrf0) =	vadd.scan.msk.s32 $0xffff, v4;
	_ =	sdelay $0x5  }
0x232: {  	v4, _, _ =	vpop (xrf0)  }
0x233: {  	(v2sf) =	vpush v4, $0xF;
	_ =	sdelay $0xa  }
0x234: {  	s6 =	spop (v2sf)  }
0x235: {  	s10 =	smov.u32 @p1 s5;
	s5 =	sadd.s32 s1, s6  }
0x236: {  	p2 =	slt.s32 s10, $0x0;
	p0 =	sge.s32 s5, s19  }
0x237: {  	p0 =	por !p2, !p0  }
0x238: {  	p0 =	por !p0, !p0;
	s30 =	spop (v2sf)  }
0x239: {  	s10 =	smov.u32 @p0 s3;
	s31 =	sadd.s32 s5, s30  }
0x23a: {  	p3 =	slt.s32 s10, $0x0;
	p6 =	sge.s32 s31, s19  }
0x23b: {  	p2 =	por !p3, !p6  }
0x23c: {  	p2 =	por !p2, !p2  }
0x23d: {  	s10 =	smov.u32 @p2 s2  }
0x23e: {  	s2 =	sshll.u32 s10, $0xA  }
0x23f: {  	s2 =	sshra.s32 s2, $0x2  }
0x240: {  	v14 =	vld [tilespmem:s2+$0x18000]  }
0x241: {  	v15 =	vld [tilespmem:s2+$0x18010]  }
0x242: {  	v16 =	vld [tilespmem:s2+$0x18020]  }
0x243: {  	v17 =	vld [tilespmem:s2+$0x18030]  }
0x244: {  	v18 =	vld [tilespmem:s2+$0x18040]  }
0x245: {  	v19 =	vld [tilespmem:s2+$0x18050]  }
0x246: {  	v13 =	vld [tilespmem:s2+$0x18060]  }
0x247: {  	v12 =	vld [tilespmem:s2+$0x18070]  }
0x248: {  	v11 =	vld [tilespmem:s2+$0x18080]  }
0x249: {  	v10 =	vld [tilespmem:s2+$0x18090]  }
0x24a: {  	v9 =	vld [tilespmem:s2+$0x180A0]  }
0x24b: {  	v8 =	vld [tilespmem:s2+$0x180B0]  }
0x24c: {  	v7 =	vld [tilespmem:s2+$0x180C0]  }
0x24d: {  	s20 =	smov.u32 @p1 s4;
	v6 =	vld [tilespmem:s2+$0x180D0]  }
0x24e: {  	s20 =	smov.u32 @p0 s1;
	s1 =	simm.s32 $0x18040;
	v5 =	vld [tilespmem:s2+$0x180E0]  }
0x24f: {  	v4 =	vld [tilespmem:s2+$0x180F0];
	[tilespmem:s1+$0xFFFFFFC0] =	vst v1  }
0x250: {  	[tilespmem:s1+$0x30] =	vst v1  }
0x251: {  	[tilespmem:s1+$0x20] =	vst v1  }
0x252: {  	[tilespmem:s1+$0x10] =	vst v1  }
0x253: {  	[tilespmem:s1+$0x0] =	vst v1  }
0x254: {  	[tilespmem:s1+$0xFFFFFFF0] =	vst v1  }
0x255: {  	s20 =	smov.u32 @p2 s5;
	s2 =	simm.s32 $0x0;
	[tilespmem:s1+$0xFFFFFFE0] =	vst v1  }
.LBB2_15:
0x256: {  	s2 =	sadd.s32 $0x8, s2;
	[tilespmem:s1+$0xFFFFFFD0] =	vst v1;
	s1 =	sadd.s32 $0x80, s1  }
0x257: {  	[tilespmem:s1+$0xFFFFFFC0] =	vst v1;
	p0 =	slt.u32 s2, $0xF8  }
0x258: {  	[tilespmem:s1+$0x30] =	vst v1  }
.Ltmp9:
0x259: {  	[tilespmem:s1+$0x20] =	vst v1;
	(pc) =	sbr.rel @p0 .LBB2_15-.Ltmp9, $4  }
0x25a: {  	[tilespmem:s1+$0x10] =	vst v1  }
0x25b: {  	[tilespmem:s1+$0x0] =	vst v1  }
0x25c: {  	[tilespmem:s1+$0xFFFFFFF0] =	vst v1  }
0x25d: {  	[tilespmem:s1+$0xFFFFFFE0] =	vst v1  }
0x25e: {  	(xrf0) =	vadd.scan.msk.s32 $0xffff, v14  }
0x25f: {  	(xrf0) =	vadd.scan.msk.s32 $0xffff, v15  }
0x260: {  	(xrf0) =	vadd.scan.msk.s32 $0xffff, v16  }
0x261: {  	(xrf0) =	vadd.scan.msk.s32 $0xffff, v17  }
0x262: {  	(xrf0) =	vadd.scan.msk.s32 $0xffff, v18  }
0x263: {  	(xrf0) =	vadd.scan.msk.s32 $0xffff, v19  }
0x264: {  	v14, _, _ =	vpop (xrf0);
	(xrf0) =	vadd.scan.msk.s32 $0xffff, v13  }
0x265: {  	(v2sf) =	vpush v14, $0xF;
	v13, _, _ =	vpop (xrf0);
	(xrf0) =	vadd.scan.msk.s32 $0xffff, v12  }
0x266: {  	(v2sf) =	vpush v13, $0xF;
	v12, _, _ =	vpop (xrf0);
	(xrf0) =	vadd.scan.msk.s32 $0xffff, v11  }
0x267: {  	(v2sf) =	vpush v12, $0xF;
	v11, _, _ =	vpop (xrf0);
	(xrf0) =	vadd.scan.msk.s32 $0xffff, v10  }
0x268: {  	(v2sf) =	vpush v11, $0xF;
	v10, _, _ =	vpop (xrf0);
	(xrf0) =	vadd.scan.msk.s32 $0xffff, v9  }
0x269: {  	(v2sf) =	vpush v10, $0xF;
	v9, _, _ =	vpop (xrf0);
	(xrf0) =	vadd.scan.msk.s32 $0xffff, v8  }
0x26a: {  	(v2sf) =	vpush v9, $0xF;
	v8, _, _ =	vpop (xrf0);
	(xrf0) =	vadd.scan.msk.s32 $0xffff, v7  }
0x26b: {  	(v2sf) =	vpush v8, $0xF;
	v7, _, _ =	vpop (xrf0);
	(xrf0) =	vadd.scan.msk.s32 $0xffff, v6  }
0x26c: {  	(v2sf) =	vpush v7, $0xF;
	v6, _, _ =	vpop (xrf0);
	(xrf0) =	vadd.scan.msk.s32 $0xffff, v5  }
0x26d: {  	(v2sf) =	vpush v6, $0xF;
	v5, _, _ =	vpop (xrf0);
	(xrf0) =	vadd.scan.msk.s32 $0xffff, v4  }
0x26e: {  	v4, _, _ =	vpop (xrf0);
	(v2sf) =	vpush v5, $0xF  }
0x26f: {  	v5, _, _ =	vpop (xrf0);
	(v2sf) =	vpush v4, $0xF  }
0x270: {  	v4, _, _ =	vpop (xrf0);
	(v2sf) =	vpush v5, $0xF  }
0x271: {  	v5, _, _ =	vpop (xrf0);
	(v2sf) =	vpush v4, $0xF  }
0x272: {  	v4, _, _ =	vpop (xrf0);
	(v2sf) =	vpush v5, $0xF  }
0x273: {  	(v2sf) =	vpush v4, $0xF;
	v4, _, _ =	vpop (xrf0)  }
0x274: {  	s23 =	spop (v2sf);
	(v2sf) =	vpush v4, $0xF  }
0x275: {  	s24 =	spop (v2sf)  }
0x276: {  	s2 =	spop (v2sf)  }
0x277: {  	s13 =	spop (v2sf)  }
0x278: {  	s12 =	spop (v2sf)  }
0x279: {  	s11 =	spop (v2sf)  }
0x27a: {  	s22 =	spop (v2sf)  }
0x27b: {  	s9 =	spop (v2sf)  }
0x27c: {  	s8 =	spop (v2sf)  }
0x27d: {  	s7 =	spop (v2sf)  }
0x27e: {  	s6 =	spop (v2sf)  }
0x27f: {  	s5 =	spop (v2sf)  }
0x280: {  	s4 =	spop (v2sf)  }
0x281: {  	s3 =	spop (v2sf)  }
0x282: {  	s26 =	spop (v2sf)  }
0x283: {  	s0 =	spop (v2sf)  }
0x284: {  	[tilespmem:s1+$0xFFFFFFD0] =	vst v1;
	s21 =	sadd.s32 s20, s0  }
0x285: {  	[dreg:$0x15] =	wrdreg s26;
	s26 =	sadd.s32 s26, s21  }
0x286: {  	s28 =	sadd.s32 s3, s26  }
0x287: {  	s29 =	sadd.s32 s4, s28  }
0x288: {  	s30 =	sadd.s32 s5, s29  }
0x289: {  	s31 =	sadd.s32 s6, s30  }
0x28a: {  	[dreg:$0x13] =	wrdreg s0;
	s0 =	sadd.s32 s7, s31  }
0x28b: {  	s16 =	sadd.s32 s8, s0  }
0x28c: {  	s14 =	sadd.s32 s9, s16  }
0x28d: {  	s15 =	sadd.s32 s22, s14  }
0x28e: {  	s18 =	sadd.s32 s11, s15  }
0x28f: {  	[dreg:$0x1b] =	wrdreg s5;
	s1 =	sadd.s32 s12, s18  }
0x290: {  	[dreg:$0x19] =	wrdreg s4;
	s17 =	sadd.s32 s13, s1  }
0x291: {  	[dreg:$0x17] =	wrdreg s3;
	p5 =	sge.s32 s30, s19;
	s3 =	sadd.s32 s2, s17  }
0x292: {  	p6 =	sge.s32 s14, s19;
	s14 =	simm.s32 $0x1;
	s4 =	sadd.s32 s24, s3  }
0x293: {  	p4 =	sge.s32 s1, s19;
	s1 =	simm.s32 $0x1;
	s5 =	sadd.s32 s23, s4  }
0x294: {  	s1 =	simm.s32 @!p6 $0x0;
	p2 =	sge.s32 s3, s19;
	p0 =	sge.s32 s5, s19  }
0x295: {  	s3 =	simm.s32 $0x1;
	p1 =	sge.s32 s4, s19;
	s5 =	simm.s32 @!p0 $0x0  }
0x296: {  	s4 =	simm.s32 $0x1;
	s5 =	simm.s32 @p0 $0x1;
	p0 =	sge.s32 s31, s19  }
0x297: {  	[smem:$0x7FD] =	sst s5;
	s3 =	simm.s32 @!p0 $0x0;
	p0 =	sge.s32 s26, s19  }
0x298: {  	s5 =	simm.s32 $0x1;
	s4 =	simm.s32 @!p0 $0x0;
	p0 =	sge.s32 s21, s19  }
0x299: {  	p6 =	sge.s32 s29, s19;
	s5 =	simm.s32 @!p0 $0x0;
	p0 =	sge.s32 s28, s19  }
0x29a: {  	s14 =	simm.s32 @!p0 $0x0;
	s4 =	sadd.s32 s5, s4;
	s5 =	simm.s32 $0x1  }
0x29b: {  	s4 =	sadd.s32 s14, s4;
	s14 =	simm.s32 $0x1;
	s5 =	simm.s32 @!p6 $0x0  }
0x29c: {  	p0 =	sge.s32 s16, s19;
	s4 =	sadd.s32 s5, s4;
	s14 =	simm.s32 @!p5 $0x0  }
0x29d: {  	p5 =	sge.s32 s0, s19;
	s29 =	sadd.s32 s14, s4;
	s4 =	simm.s32 $0x1  }
0x29e: {  	s0 =	sadd.s32 s3, s29;
	s3 =	simm.s32 $0x1;
	s4 =	simm.s32 @!p5 $0x0  }
0x29f: {  	s30 =	sld [smem:$0x7FD];
	s0 =	sadd.s32 s4, s0;
	s3 =	simm.s32 @!p0 $0x0  }
0x2a0: {  	p0 =	sge.s32 s15, s19;
	s0 =	sadd.s32 s3, s0;
	s3 =	simm.s32 $0x1  }
0x2a1: {  	p3 =	sge.s32 s17, s19;
	p5 =	sge.s32 s18, s19;
	s3 =	simm.s32 @!p0 $0x0  }
0x2a2: {  	s0 =	sadd.s32 s1, s0;
	s1 =	simm.s32 $0x1;
	p0 =	seq.s32 s30, $0x1  }
0x2a3: {  	s1 =	simm.s32 @!p5 $0x0;
	s0 =	sadd.s32 s3, s0;
	s3 =	simm.s32 $0x1  }
0x2a4: {  	s3 =	simm.s32 @!p4 $0x0;
	s0 =	sadd.s32 s1, s0;
	s1 =	simm.s32 $0x1  }
0x2a5: {  	s1 =	simm.s32 @!p3 $0x0;
	s0 =	sadd.s32 s3, s0;
	s3 =	simm.s32 $0x1  }
0x2a6: {  	s3 =	simm.s32 @!p2 $0x0;
	s0 =	sadd.s32 s1, s0;
	s1 =	simm.s32 $0x1  }
0x2a7: {  	s1 =	simm.s32 @!p1 $0x0;
	s0 =	sadd.s32 s3, s0;
	s3 =	simm.s32 $0x1  }
0x2a8: {  	s0 =	sadd.s32 s1, s0;
	s3 =	simm.s32 @!p0 $0x0  }
0x2a9: {  	s31 =	sshll.u32 s10, $0x4;
	s26 =	sadd.s32 s3, s0  }
0x2aa: {  	s0 =	sadd.s32 s26, s31  }
0x2ab: {  	s0 =	sadd.s32 $0xFFFFFFFF, s0  }
0x2ac: {  	s28 =	simm.s32 $0x10040;
	[dreg:$0x11] =	wrdreg s0  }
0x2ad: {  	v6 =	vld [tilespmem:s28+$0xFFFFFFC0]  }
0x2ae: {  	v7 =	vld [tilespmem:s28+$0x30]  }
0x2af: {  	v10 =	vld [tilespmem:s28+$0xFFFFFFF0]  }
0x2b0: {  	v11 =	vld [tilespmem:s28+$0x20]  }
0x2b1: {  	v12 =	vld [tilespmem:s28+$0x0]  }
0x2b2: {  	v17 =	vld [tilespmem:s28+$0xFFFFFFE0];
	_ =	sdelay $0x1  }
0x2b3: {  	v4 =	vmov s0;
	v5 =	vld [tilespmem:s28+$0x10]  }
0x2b4: {  	v8 =	vshrl.u32 v6, $0x18;
	v6 =	vshrl.u32 v6, $0xC;
	v13 =	vshrl.u32 v7, $0x18  }
0x2b5: {  	v14 =	vshrl.u32 v7, $0xC;
	v16 =	vshrl.u32 v10, $0xC;
	v7 =	vshrl.u32 v12, $0x18  }
0x2b6: {  	v15 =	vshrl.u32 v11, $0xC;
	v18 =	vshrl.u32 v11, $0x18;
	v11 =	vshrl.u32 v17, $0xC  }
0x2b7: {  	vm1 =	veq.s32 v8, v4;
	v8 =	vshrl.u32 v10, $0x18;
	v6 =	vand.u32 $0xFF0, v6  }
0x2b8: {  	vm0 =	veq.s32 v13, v4;
	v10 =	vshrl.u32 v5, $0xC;
	v13 =	vld [tilespmem:s28+$0xFFFFFFD0];
	v9 =	vor.u32 v2, v6  }
0x2b9: {  	vm2 =	veq.s32 v18, v4;
	v6 =	vand.u32 $0xFF0, v14;
	v14 =	vand.u32 $0xFF0, v16  }
0x2ba: {  	s10 =	simm.s32 $0x0;
	s28 =	simm.s32 $0x100C0;
	v16 =	vshrl.u32 v12, $0xC;
	v12 =	vshrl.u32 v17, $0x18;
	v6 =	vor.u32 v2, v6  }
.LBB2_17:
0x2bb: {  	v17 =	vld [tilespmem:s28+$0xFFFFFFC0];
	s10 =	sadd.s32 $0x8, s10;
	v16 =	vand.u32 $0xFF0, v16;
	v15 =	vand.u32 $0xFF0, v15  }
0x2bc: {  	vm6 =	veq.s32 v8, v4;
	v18 =	vld [tilespmem:s28+$0x20];
	p0 =	slt.u32 s10, $0x7F8;
	v16 =	vor.u32 v2, v16;
	v8 =	vor.u32 v2, v15  }
0x2bd: {  	v5 =	vshrl.u32 v5, $0x18;
	[tilespmem:v9+s25+$0x0] =	vst.idx.add.s32.msk vm1, v3;
	v9 =	vshrl.u32 v13, $0xC;
	v13 =	vshrl.u32 v13, $0x18  }
0x2be: {  	v15 =	vld [tilespmem:s28+$0x30];
	vm5 =	veq.s32 v13, v4;
	v9 =	vand.u32 $0xFF0, v9;
	v13 =	vor.u32 v2, v14  }
0x2bf: {  	vm3 =	veq.s32 v5, v4;
	v14 =	vld [tilespmem:s28+$0xFFFFFFF0];
	v19 =	vor.u32 v2, v9;
	v9 =	vand.u32 $0xFF0, v10  }
0x2c0: {  	v5 =	vld [tilespmem:s28+$0x10];
	v20 =	vor.u32 v2, v9  }
0x2c1: {  	v21 =	vld [tilespmem:s28+$0x0]  }
0x2c2: {  	vm4 =	veq.s32 v12, v4;
	vm7 =	veq.s32 v7, v4;
	v9 =	vand.u32 $0xFF0, v11;
	[tilespmem:v8+s25+$0x0] =	vst.idx.add.s32.msk vm2, v3  }
0x2c3: {  	v7 =	vshrl.u32 v17, $0xC;
	v8 =	vshrl.u32 v17, $0x18;
	v17 =	vor.u32 v2, v9;
	[tilespmem:v6+s25+$0x0] =	vst.idx.add.s32.msk vm0, v3  }
0x2c4: {  	vm1 =	veq.s32 v8, v4;
	v6 =	vshrl.u32 v15, $0x18;
	v8 =	vshrl.u32 v14, $0x18;
	[tilespmem:v13+s25+$0x0] =	vst.idx.add.s32.msk vm6, v3  }
0x2c5: {  	v7 =	vand.u32 $0xFF0, v7;
	v10 =	vshrl.u32 v15, $0xC;
	v12 =	vld [tilespmem:s28+$0xFFFFFFE0]  }
.Ltmp10:
0x2c6: {  	v9 =	vor.u32 v2, v7;
	v11 =	vshrl.u32 v14, $0xC;
	v13 =	vld [tilespmem:s28+$0xFFFFFFD0];
	v7 =	vshrl.u32 v21, $0x18;
	(pc) =	sbr.rel @p0 .LBB2_17-.Ltmp10, $4  }
0x2c7: {  	v15 =	vshrl.u32 v18, $0xC;
	vm0 =	veq.s32 v6, v4;
	v6 =	vand.u32 $0xFF0, v10;
	[tilespmem:v19+s25+$0x0] =	vst.idx.add.s32.msk vm5, v3  }
0x2c8: {  	v18 =	vshrl.u32 v18, $0x18;
	v10 =	vshrl.u32 v5, $0xC;
	v6 =	vor.u32 v2, v6;
	[tilespmem:v16+s25+$0x0] =	vst.idx.add.s32.msk vm7, v3  }
0x2c9: {  	v14 =	vand.u32 $0xFF0, v11;
	v16 =	vshrl.u32 v21, $0xC;
	[tilespmem:v20+s25+$0x0] =	vst.idx.add.s32.msk vm3, v3  }
0x2ca: {  	vm2 =	veq.s32 v18, v4;
	s28 =	sadd.s32 $0x80, s28;
	v11 =	vshrl.u32 v12, $0xC;
	v12 =	vshrl.u32 v12, $0x18;
	[tilespmem:v17+s25+$0x0] =	vst.idx.add.s32.msk vm4, v3  }
0x2cb: {  	_ = 	snop  }
0x2cc: {  	v15 =	vand.u32 $0xFF0, v15;
	v16 =	vand.u32 $0xFF0, v16;
	vm3 =	veq.s32 v8, v4  }
0x2cd: {  	v8 =	vshrl.u32 v13, $0xC;
	v59 =	vshrl.u32 v13, $0x18;
	v15 =	vor.u32 v2, v15  }
0x2ce: {  	v60 =	vor.u32 v2, v14;
	v5 =	vshrl.u32 v5, $0x18;
	vm5 =	veq.s32 v7, v4  }
0x2cf: {  	vm4 =	veq.s32 v59, v4;
	v8 =	vand.u32 $0xFF0, v8;
	v7 =	vor.u32 v2, v16  }
0x2d0: {  	[tilespmem:v9+s25+$0x0] =	vst.idx.add.s32.msk vm1, v3;
	vm15 =	veq.s32 v5, v4;
	v5 =	vand.u32 $0xFF0, v10;
	v8 =	vor.u32 v2, v8  }
0x2d1: {  	vm6 =	veq.s32 v12, v4;
	[tilespmem:v6+s25+$0x0] =	vst.idx.add.s32.msk vm0, v3;
	v4 =	vand.u32 $0xFF0, v11;
	v5 =	vor.u32 v2, v5  }
0x2d2: {  	v4 =	vor.u32 v2, v4;
	[tilespmem:v15+s25+$0x0] =	vst.idx.add.s32.msk vm2, v3  }
0x2d3: {  	[tilespmem:v60+s25+$0x0] =	vst.idx.add.s32.msk vm3, v3  }
0x2d4: {  	[tilespmem:v7+s25+$0x0] =	vst.idx.add.s32.msk vm5, v3  }
0x2d5: {  	[tilespmem:v8+s25+$0x0] =	vst.idx.add.s32.msk vm4, v3  }
0x2d6: {  	[tilespmem:v5+s25+$0x0] =	vst.idx.add.s32.msk vm15, v3  }
0x2d7: {  	s0 =	simm.s32 $0x18FF0;
	[tilespmem:v4+s25+$0x0] =	vst.idx.add.s32.msk vm6, v3  }
0x2d8: {  	v4 =	vld [tilespmem:s0+$0xFFFFFF10]  }
0x2d9: {  	v5 =	vld [tilespmem:s0+$0xFFFFFF20]  }
0x2da: {  	v6 =	vld [tilespmem:s0+$0xFFFFFF30]  }
0x2db: {  	v7 =	vld [tilespmem:s0+$0xFFFFFF40]  }
0x2dc: {  	v8 =	vld [tilespmem:s0+$0xFFFFFF50]  }
0x2dd: {  	v9 =	vld [tilespmem:s0+$0xFFFFFF60]  }
0x2de: {  	v4 =	vadd.s32 v4, v5;
	v5 =	vld [tilespmem:s0+$0xFFFFFF70]  }
0x2df: {  	v4 =	vadd.s32 v6, v4;
	v6 =	vld [tilespmem:s0+$0xFFFFFF80]  }
0x2e0: {  	v4 =	vadd.s32 v7, v4;
	v7 =	vld [tilespmem:s0+$0xFFFFFF90]  }
0x2e1: {  	v4 =	vadd.s32 v8, v4;
	v8 =	vld [tilespmem:s0+$0xFFFFFFA0]  }
0x2e2: {  	v4 =	vadd.s32 v9, v4;
	v9 =	vld [tilespmem:s0+$0xFFFFFFB0]  }
0x2e3: {  	v4 =	vadd.s32 v5, v4;
	v5 =	vld [tilespmem:s0+$0xFFFFFFC0]  }
0x2e4: {  	v4 =	vadd.s32 v6, v4;
	v6 =	vld [tilespmem:s0+$0xFFFFFFD0]  }
0x2e5: {  	v4 =	vadd.s32 v7, v4;
	v7 =	vld [tilespmem:s0+$0xFFFFFFE0]  }
0x2e6: {  	v4 =	vadd.s32 v8, v4;
	v8 =	vld [tilespmem:s0+$0xFFFFFFF0]  }
0x2e7: {  	s29 =	simm.s32 $0x18EF0;
	v4 =	vadd.s32 v9, v4;
	v9 =	vld [tilespmem:s0+$0x0]  }
0x2e8: {  	v10 =	vld [tilespmem:s29+$0xFFFFFF10];
	v4 =	vadd.s32 v5, v4  }
0x2e9: {  	v11 =	vld [tilespmem:s29+$0xFFFFFF80];
	v4 =	vadd.s32 v6, v4  }
0x2ea: {  	v5 =	vld [tilespmem:s29+$0xFFFFFF20];
	v4 =	vadd.s32 v7, v4  }
0x2eb: {  	v6 =	vld [tilespmem:s29+$0xFFFFFF30];
	v4 =	vadd.s32 v8, v4  }
0x2ec: {  	v7 =	vld [tilespmem:s29+$0xFFFFFF40];
	v4 =	vadd.s32 v9, v4  }
0x2ed: {  	v8 =	vld [tilespmem:s29+$0xFFFFFF50];
	(xrf0) =	vadd.scan.msk.s32 $0xffff, v4  }
0x2ee: {  	v9 =	vld [tilespmem:s29+$0xFFFFFF60]  }
0x2ef: {  	p0 =	sgt.u32 s26, $0x1;
	p1 =	slt.u32 s26, $0x4;
	v4 =	vld [tilespmem:s29+$0xFFFFFF70];
	v5 =	vadd.s32 v10, v5  }
0x2f0: {  	s10 =	simm.s32 $0x18DF0;
	s24 =	simm.s32 @p0 $0x0;
	p0 =	seq.s32 s26, $0x0;
	v61 =	vld [tilespmem:s29+$0xFFFFFF90];
	v5 =	vadd.s32 v6, v5  }
0x2f1: {  	s13 =	simm.s32 @!p1 $0x0;
	p1 =	slt.u32 s26, $0x6;
	s1 =	sadd.s32 s24, s20;
	v63 =	vld [tilespmem:s10+$0xFFFFFF10];
	v5 =	vadd.s32 v7, v5  }
0x2f2: {  	s23 =	simm.s32 @!p0 $0x0;
	p0 =	slt.u32 s26, $0x3;
	s11 =	simm.s32 @!p1 $0x0;
	v10 =	vld [tilespmem:s29+$0xFFFFFFA0];
	v5 =	vadd.s32 v8, v5  }
0x2f3: {  	s2 =	simm.s32 @!p0 $0x0;
	s1 =	sadd.s32 s23, s1;
	p0 =	slt.u32 s26, $0x5;
	v6 =	vld [tilespmem:s29+$0xFFFFFFB0];
	v5 =	vadd.s32 v9, v5;
	v62, _, _ =	vpop (xrf0)  }
0x2f4: {  	s1 =	sadd.s32 s2, s1;
	s12 =	simm.s32 @!p0 $0x0;
	p0 =	slt.u32 s26, $0x7;
	v7 =	vld [tilespmem:s29+$0xFFFFFFC0];
	v4 =	vadd.s32 v4, v5;
	(v2sf) =	vpush v62, $0xF  }
0x2f5: {  	s1 =	sadd.s32 s13, s1;
	s22 =	simm.s32 @!p0 $0x0;
	p0 =	slt.u32 s26, $0x8;
	v8 =	vld [tilespmem:s29+$0xFFFFFFD0];
	v4 =	vadd.s32 v11, v4  }
0x2f6: {  	s1 =	sadd.s32 s12, s1;
	s9 =	simm.s32 @!p0 $0x0;
	p0 =	slt.u32 s26, $0x9;
	v9 =	vld [tilespmem:s29+$0xFFFFFFE0];
	v4 =	vadd.s32 v61, v4  }
0x2f7: {  	s30 =	sadd.s32 s11, s1;
	s8 =	simm.s32 @!p0 $0x0;
	p0 =	slt.u32 s26, $0xA;
	v5 =	vld [tilespmem:s29+$0xFFFFFFF0];
	v4 =	vadd.s32 v10, v4  }
0x2f8: {  	s7 =	simm.s32 @!p0 $0x0;
	s1 =	rddreg [dreg:$0x1b];
	s0 =	sadd.s32 s22, s30;
	v11 =	vld [tilespmem:s29+$0x0];
	v4 =	vadd.s32 v6, v4  }
0x2f9: {  	p0 =	slt.u32 s26, $0xB;
	s2 =	rddreg [dreg:$0x19];
	s0 =	sadd.s32 s9, s0;
	v10 =	vld [tilespmem:s10+$0xFFFFFF20];
	v4 =	vadd.s32 v7, v4  }
0x2fa: {  	s6 =	simm.s32 @!p0 $0x0;
	p0 =	slt.u32 s26, $0xC;
	s0 =	sadd.s32 s8, s0;
	v6 =	vld [tilespmem:s10+$0xFFFFFF30];
	v4 =	vadd.s32 v8, v4  }
0x2fb: {  	s1 =	simm.s32 @!p0 $0x0;
	p0 =	slt.u32 s26, $0xD;
	s0 =	sadd.s32 s7, s0;
	v7 =	vld [tilespmem:s10+$0xFFFFFF40];
	v4 =	vadd.s32 v9, v4  }
0x2fc: {  	s2 =	simm.s32 @!p0 $0x0;
	s0 =	sadd.s32 s6, s0;
	v8 =	vld [tilespmem:s10+$0xFFFFFF50];
	v4 =	vadd.s32 v5, v4  }
0x2fd: {  	p0 =	slt.u32 s26, $0xE;
	s0 =	sadd.s32 s1, s0;
	s1 =	rddreg [dreg:$0x17];
	v9 =	vld [tilespmem:s10+$0xFFFFFF60];
	v4 =	vadd.s32 v11, v4  }
0x2fe: {  	s1 =	simm.s32 @!p0 $0x0;
	v5 =	vadd.s32 v63, v10;
	v10 =	vld [tilespmem:s10+$0xFFFFFF70];
	(xrf0) =	vadd.scan.msk.s32 $0xffff, v4  }
0x2ff: {  	p0 =	slt.u32 s26, $0xF;
	s0 =	sadd.s32 s2, s0;
	s2 =	rddreg [dreg:$0x15];
	v5 =	vadd.s32 v6, v5;
	v6 =	vld [tilespmem:s10+$0xFFFFFF80]  }
0x300: {  	s2 =	simm.s32 @!p0 $0x0;
	v4 =	vadd.s32 v7, v5;
	v7 =	vld [tilespmem:s10+$0xFFFFFF90]  }
0x301: {  	p0 =	slt.u32 s26, $0x10;
	s0 =	sadd.s32 s1, s0;
	s1 =	rddreg [dreg:$0x13];
	v4 =	vadd.s32 v8, v4;
	v8 =	vld [tilespmem:s10+$0xFFFFFFA0]  }
0x302: {  	s5 =	simm.s32 $0xF;
	s1 =	simm.s32 @!p0 $0x0;
	s0 =	sadd.s32 s2, s0;
	v4 =	vadd.s32 v9, v4;
	v9 =	vld [tilespmem:s10+$0xFFFFFFB0]  }
0x303: {  	s3 =	simm.s32 $0xE;
	s0 =	sadd.s32 s1, s0;
	v5 =	vadd.s32 v10, v4;
	v4 =	vld [tilespmem:s10+$0xFFFFFFC0];
	s31 =	spop (v2sf)  }
0x304: {  	p6 =	por $0x1, $0x1;
	s20 =	ssub.s32 s19, s0;
	v6 =	vadd.s32 v6, v5;
	v5 =	vld [tilespmem:s10+$0xFFFFFFD0];
	v10, _, _ =	vpop (xrf0);
	s1 =	sadd.s32 $0x0, s31  }
0x305: {  	s4 =	simm.s32 $0x0;
	s22 =	simm.s32 $0x0;
	v7 =	vadd.s32 v7, v6;
	v6 =	vld [tilespmem:s10+$0xFFFFFFE0];
	(v2sf) =	vpush v10, $0xF;
	p5 =	sge.s32 s1, s20  }
0x306: {  	s7 =	simm.s32 $0x18CF0;
	s6 =	simm.s32 $0xC;
	v8 =	vadd.s32 v8, v7;
	v7 =	vld [tilespmem:s10+$0xFFFFFFF0];
	p0 =	por !p6, !p5  }
0x307: {  	s2 =	simm.s32 $0xD;
	s19 =	simm.s32 $0xFFFFFFFF;
	v9 =	vadd.s32 v9, v8;
	v8 =	vld [tilespmem:s10+$0x0];
	p1 =	por !p0, !p0  }
.LBB2_19:
0x308: {  	p0 =	sne.s32 s6, $0x0;
	s19 =	smov.u32 @p1 s5;
	s22 =	smov.u32 @p1 s4  }
0x309: {  	v10 =	vld [tilespmem:s7+$0xFFFFFF10];
	v4 =	vadd.s32 v4, v9;
	s5 =	smov.u32 s3;
	s3 =	smov.u32 s2;
	s2 =	smov.u32 s6  }
0x30a: {  	s6 =	sadd.s32 $0xFFFFFFFF, s6;
	s4 =	smov.u32 s1;
	v9 =	vld [tilespmem:s7+$0xFFFFFF20];
	v4 =	vadd.s32 v5, v4  }
0x30b: {  	v5 =	vld [tilespmem:s7+$0xFFFFFF30];
	v4 =	vadd.s32 v6, v4  }
0x30c: {  	v6 =	vld [tilespmem:s7+$0xFFFFFF40];
	v4 =	vadd.s32 v7, v4  }
0x30d: {  	v7 =	vld [tilespmem:s7+$0xFFFFFF50];
	v4 =	vadd.s32 v8, v4  }
0x30e: {  	v8 =	vld [tilespmem:s7+$0xFFFFFF60];
	(xrf0) =	vadd.scan.msk.s32 $0xffff, v4  }
0x30f: {  	v4 =	vadd.s32 v10, v9;
	v9 =	vld [tilespmem:s7+$0xFFFFFF70]  }
0x310: {  	v4 =	vadd.s32 v5, v4;
	v5 =	vld [tilespmem:s7+$0xFFFFFF80]  }
0x311: {  	v4 =	vadd.s32 v6, v4;
	v6 =	vld [tilespmem:s7+$0xFFFFFF90]  }
0x312: {  	v4 =	vadd.s32 v7, v4;
	v7 =	vld [tilespmem:s7+$0xFFFFFFA0]  }
0x313: {  	v4 =	vadd.s32 v8, v4;
	v8 =	vld [tilespmem:s7+$0xFFFFFFB0]  }
.Ltmp11:
0x314: {  	v9 =	vadd.s32 v9, v4;
	v4 =	vld [tilespmem:s7+$0xFFFFFFC0];
	v10, _, _ =	vpop (xrf0);
	s0 =	spop (v2sf);
	(pc) =	sbr.rel @p0 .LBB2_19-.Ltmp11, $4  }
0x315: {  	v9 =	vadd.s32 v5, v9;
	v5 =	vld [tilespmem:s7+$0xFFFFFFD0];
	(v2sf) =	vpush v10, $0xF;
	s1 =	sadd.s32 s1, s0  }
0x316: {  	p2 =	slt.s32 s19, $0x0;
	v9 =	vadd.s32 v6, v9;
	v6 =	vld [tilespmem:s7+$0xFFFFFFE0];
	p1 =	sge.s32 s1, s20  }
0x317: {  	v9 =	vadd.s32 v7, v9;
	v7 =	vld [tilespmem:s7+$0xFFFFFFF0];
	p1 =	por !p2, !p1  }
0x318: {  	v9 =	vadd.s32 v8, v9;
	v8 =	vld [tilespmem:s7+$0x0];
	s7 =	sadd.s32 $0xFFFFFF00, s7;
	p1 =	por !p1, !p1  }
0x319: {  	v4 =	vadd.s32 v4, v9  }
0x31a: {  	v4 =	vadd.s32 v5, v4  }
0x31b: {  	v4 =	vadd.s32 v6, v4  }
0x31c: {  	v4 =	vadd.s32 v7, v4  }
0x31d: {  	v4 =	vadd.s32 v8, v4  }
0x31e: {  	(xrf0) =	vadd.scan.msk.s32 $0xffff, v4;
	_ =	sdelay $0x5  }
0x31f: {  	v4, _, _ =	vpop (xrf0)  }
0x320: {  	(v2sf) =	vpush v4, $0xF;
	_ =	sdelay $0xa  }
0x321: {  	s0 =	spop (v2sf)  }
0x322: {  	s19 =	smov.u32 @p1 s5;
	s0 =	sadd.s32 s1, s0  }
0x323: {  	p2 =	slt.s32 s19, $0x0;
	p0 =	sge.s32 s0, s20  }
0x324: {  	p0 =	por !p2, !p0  }
0x325: {  	p0 =	por !p0, !p0;
	s30 =	spop (v2sf)  }
0x326: {  	s19 =	smov.u32 @p0 s3;
	s31 =	sadd.s32 s0, s30  }
0x327: {  	p3 =	slt.s32 s19, $0x0;
	p6 =	sge.s32 s31, s20  }
0x328: {  	p2 =	por !p3, !p6  }
0x329: {  	p2 =	por !p2, !p2  }
0x32a: {  	s19 =	smov.u32 @p2 s2  }
0x32b: {  	s2 =	sshll.u32 s19, $0xA  }
0x32c: {  	s2 =	sshra.s32 s2, $0x2  }
0x32d: {  	v14 =	vld [tilespmem:s2+$0x18000]  }
0x32e: {  	v15 =	vld [tilespmem:s2+$0x18010]  }
0x32f: {  	v16 =	vld [tilespmem:s2+$0x18020]  }
0x330: {  	v17 =	vld [tilespmem:s2+$0x18030]  }
0x331: {  	v18 =	vld [tilespmem:s2+$0x18040]  }
0x332: {  	v19 =	vld [tilespmem:s2+$0x18050]  }
0x333: {  	v13 =	vld [tilespmem:s2+$0x18060]  }
0x334: {  	v12 =	vld [tilespmem:s2+$0x18070]  }
0x335: {  	v11 =	vld [tilespmem:s2+$0x18080]  }
0x336: {  	v10 =	vld [tilespmem:s2+$0x18090]  }
0x337: {  	v9 =	vld [tilespmem:s2+$0x180A0]  }
0x338: {  	v8 =	vld [tilespmem:s2+$0x180B0]  }
0x339: {  	v7 =	vld [tilespmem:s2+$0x180C0]  }
0x33a: {  	s22 =	smov.u32 @p1 s4;
	v6 =	vld [tilespmem:s2+$0x180D0]  }
0x33b: {  	s22 =	smov.u32 @p0 s1;
	s1 =	simm.s32 $0x18040;
	v5 =	vld [tilespmem:s2+$0x180E0]  }
0x33c: {  	v4 =	vld [tilespmem:s2+$0x180F0];
	[tilespmem:s1+$0xFFFFFFC0] =	vst v1  }
0x33d: {  	[tilespmem:s1+$0x30] =	vst v1  }
0x33e: {  	[tilespmem:s1+$0x20] =	vst v1  }
0x33f: {  	[tilespmem:s1+$0x10] =	vst v1  }
0x340: {  	[tilespmem:s1+$0x0] =	vst v1  }
0x341: {  	[tilespmem:s1+$0xFFFFFFF0] =	vst v1  }
0x342: {  	s22 =	smov.u32 @p2 s0;
	s2 =	simm.s32 $0x0;
	[tilespmem:s1+$0xFFFFFFE0] =	vst v1  }
.LBB2_21:
0x343: {  	s2 =	sadd.s32 $0x8, s2;
	[tilespmem:s1+$0xFFFFFFD0] =	vst v1;
	s1 =	sadd.s32 $0x80, s1  }
0x344: {  	[tilespmem:s1+$0xFFFFFFC0] =	vst v1;
	p0 =	slt.u32 s2, $0xF8  }
0x345: {  	[tilespmem:s1+$0x30] =	vst v1  }
.Ltmp12:
0x346: {  	[tilespmem:s1+$0x20] =	vst v1;
	(pc) =	sbr.rel @p0 .LBB2_21-.Ltmp12, $4  }
0x347: {  	[tilespmem:s1+$0x10] =	vst v1  }
0x348: {  	[tilespmem:s1+$0x0] =	vst v1  }
0x349: {  	[tilespmem:s1+$0xFFFFFFF0] =	vst v1  }
0x34a: {  	[tilespmem:s1+$0xFFFFFFE0] =	vst v1  }
0x34b: {  	(xrf0) =	vadd.scan.msk.s32 $0xffff, v14  }
0x34c: {  	(xrf0) =	vadd.scan.msk.s32 $0xffff, v15  }
0x34d: {  	(xrf0) =	vadd.scan.msk.s32 $0xffff, v16  }
0x34e: {  	(xrf0) =	vadd.scan.msk.s32 $0xffff, v17  }
0x34f: {  	(xrf0) =	vadd.scan.msk.s32 $0xffff, v18  }
0x350: {  	(xrf0) =	vadd.scan.msk.s32 $0xffff, v19  }
0x351: {  	v14, _, _ =	vpop (xrf0);
	(xrf0) =	vadd.scan.msk.s32 $0xffff, v13  }
0x352: {  	(v2sf) =	vpush v14, $0xF;
	v13, _, _ =	vpop (xrf0);
	(xrf0) =	vadd.scan.msk.s32 $0xffff, v12  }
0x353: {  	(v2sf) =	vpush v13, $0xF;
	v12, _, _ =	vpop (xrf0);
	(xrf0) =	vadd.scan.msk.s32 $0xffff, v11  }
0x354: {  	(v2sf) =	vpush v12, $0xF;
	v11, _, _ =	vpop (xrf0);
	(xrf0) =	vadd.scan.msk.s32 $0xffff, v10  }
0x355: {  	(v2sf) =	vpush v11, $0xF;
	v10, _, _ =	vpop (xrf0);
	(xrf0) =	vadd.scan.msk.s32 $0xffff, v9  }
0x356: {  	(v2sf) =	vpush v10, $0xF;
	v9, _, _ =	vpop (xrf0);
	(xrf0) =	vadd.scan.msk.s32 $0xffff, v8  }
0x357: {  	(v2sf) =	vpush v9, $0xF;
	v8, _, _ =	vpop (xrf0);
	(xrf0) =	vadd.scan.msk.s32 $0xffff, v7  }
0x358: {  	(v2sf) =	vpush v8, $0xF;
	v7, _, _ =	vpop (xrf0);
	(xrf0) =	vadd.scan.msk.s32 $0xffff, v6  }
0x359: {  	(v2sf) =	vpush v7, $0xF;
	v6, _, _ =	vpop (xrf0);
	(xrf0) =	vadd.scan.msk.s32 $0xffff, v5  }
0x35a: {  	(v2sf) =	vpush v6, $0xF;
	v5, _, _ =	vpop (xrf0);
	(xrf0) =	vadd.scan.msk.s32 $0xffff, v4  }
0x35b: {  	v4, _, _ =	vpop (xrf0);
	(v2sf) =	vpush v5, $0xF  }
0x35c: {  	v5, _, _ =	vpop (xrf0);
	(v2sf) =	vpush v4, $0xF  }
0x35d: {  	v4, _, _ =	vpop (xrf0);
	(v2sf) =	vpush v5, $0xF  }
0x35e: {  	v5, _, _ =	vpop (xrf0);
	(v2sf) =	vpush v4, $0xF  }
0x35f: {  	v4, _, _ =	vpop (xrf0);
	(v2sf) =	vpush v5, $0xF  }
0x360: {  	(v2sf) =	vpush v4, $0xF;
	v4, _, _ =	vpop (xrf0)  }
0x361: {  	s23 =	spop (v2sf);
	(v2sf) =	vpush v4, $0xF  }
0x362: {  	s24 =	spop (v2sf)  }
0x363: {  	s2 =	spop (v2sf)  }
0x364: {  	s13 =	spop (v2sf)  }
0x365: {  	s12 =	spop (v2sf)  }
0x366: {  	s11 =	spop (v2sf)  }
0x367: {  	s10 =	spop (v2sf)  }
0x368: {  	s9 =	spop (v2sf)  }
0x369: {  	s8 =	spop (v2sf)  }
0x36a: {  	s7 =	spop (v2sf)  }
0x36b: {  	s6 =	spop (v2sf)  }
0x36c: {  	s5 =	spop (v2sf)  }
0x36d: {  	s4 =	spop (v2sf)  }
0x36e: {  	s3 =	spop (v2sf)  }
0x36f: {  	s18 =	spop (v2sf)  }
0x370: {  	[tilespmem:s1+$0xFFFFFFD0] =	vst v1;
	s0 =	spop (v2sf)  }
0x371: {  	[dreg:$0x12] =	wrdreg s0;
	s0 =	sadd.s32 s22, s0  }
0x372: {  	s14 =	sadd.s32 s18, s0  }
0x373: {  	s15 =	sadd.s32 s3, s14  }
0x374: {  	s16 =	sadd.s32 s4, s15  }
0x375: {  	[dreg:$0x14] =	wrdreg s18;
	s18 =	sadd.s32 s5, s16  }
0x376: {  	s26 =	sadd.s32 s6, s18  }
0x377: {  	s28 =	sadd.s32 s7, s26  }
0x378: {  	s29 =	sadd.s32 s8, s28  }
0x379: {  	s30 =	sadd.s32 s9, s29  }
0x37a: {  	s31 =	sadd.s32 s10, s30  }
0x37b: {  	s21 =	sadd.s32 s11, s31  }
0x37c: {  	s1 =	sadd.s32 s12, s21  }
0x37d: {  	[dreg:$0x1a] =	wrdreg s5;
	s17 =	sadd.s32 s13, s1  }
0x37e: {  	[dreg:$0x16] =	wrdreg s3;
	s3 =	sadd.s32 s2, s17  }
0x37f: {  	[dreg:$0x18] =	wrdreg s4;
	s4 =	sadd.s32 s24, s3  }
0x380: {  	p1 =	sge.s32 s14, s20;
	p2 =	sge.s32 s15, s20;
	s5 =	sadd.s32 s23, s4  }
0x381: {  	p5 =	sge.s32 s29, s20;
	p6 =	sge.s32 s30, s20;
	p0 =	sge.s32 s5, s20  }
0x382: {  	p4 =	sge.s32 s1, s20;
	s1 =	simm.s32 $0x1;
	s5 =	simm.s32 @!p0 $0x0  }
0x383: {  	p3 =	sge.s32 s17, s20;
	s5 =	simm.s32 @p0 $0x1;
	p0 =	sge.s32 s4, s20  }
0x384: {  	s1 =	simm.s32 @!p1 $0x0;
	p1 =	sge.s32 s16, s20;
	s4 =	simm.s32 @!p0 $0x0  }
0x385: {  	[smem:$0x7FC] =	sst s5;
	s4 =	simm.s32 @p0 $0x1;
	p0 =	sge.s32 s3, s20  }
0x386: {  	s5 =	simm.s32 $0x1;
	[smem:$0x7FB] =	sst s4;
	s3 =	simm.s32 @!p0 $0x0  }
0x387: {  	s4 =	simm.s32 $0x1;
	s3 =	simm.s32 @p0 $0x1;
	p0 =	sge.s32 s0, s20  }
0x388: {  	s0 =	simm.s32 $0x1;
	s4 =	simm.s32 @!p1 $0x0;
	p1 =	sge.s32 s18, s20  }
0x389: {  	[smem:$0x7FA] =	sst s3;
	s0 =	simm.s32 @!p0 $0x0;
	s3 =	simm.s32 $0x1  }
0x38a: {  	p0 =	sge.s32 s26, s20;
	s5 =	simm.s32 @!p1 $0x0;
	p1 =	sge.s32 s31, s20  }
0x38b: {  	s26 =	sld [smem:$0x7FB];
	s0 =	sadd.s32 s0, s1;
	s3 =	simm.s32 @!p2 $0x0  }
0x38c: {  	s1 =	simm.s32 $0x1;
	s0 =	sadd.s32 s3, s0;
	s3 =	simm.s32 $0x1  }
0x38d: {  	s1 =	simm.s32 @!p6 $0x0;
	s3 =	simm.s32 @!p0 $0x0;
	s0 =	sadd.s32 s4, s0  }
0x38e: {  	p0 =	sge.s32 s28, s20;
	s4 =	simm.s32 $0x1;
	s0 =	sadd.s32 s5, s0  }
0x38f: {  	s4 =	simm.s32 @!p0 $0x0;
	s0 =	sadd.s32 s3, s0;
	s3 =	simm.s32 $0x1  }
0x390: {  	p0 =	sge.s32 s21, s20;
	s0 =	sadd.s32 s4, s0;
	s3 =	simm.s32 @!p5 $0x0  }
0x391: {  	s21 =	sld [smem:$0x7FA];
	s0 =	sadd.s32 s3, s0;
	s3 =	simm.s32 $0x1  }
0x392: {  	s3 =	simm.s32 @!p1 $0x0;
	s0 =	sadd.s32 s1, s0;
	s1 =	simm.s32 $0x1  }
0x393: {  	s1 =	simm.s32 @!p0 $0x0;
	s0 =	sadd.s32 s3, s0;
	s3 =	simm.s32 $0x1  }
0x394: {  	p0 =	seq.s32 s21, $0x1;
	s3 =	simm.s32 @!p4 $0x0;
	s0 =	sadd.s32 s1, s0  }
0x395: {  	s1 =	simm.s32 $0x1;
	s0 =	sadd.s32 s3, s0;
	s3 =	simm.s32 $0x1  }
0x396: {  	s29 =	sld [smem:$0x7FC];
	s1 =	simm.s32 @!p3 $0x0;
	s3 =	simm.s32 @!p0 $0x0  }
0x397: {  	s0 =	sadd.s32 s1, s0;
	s1 =	simm.s32 $0x1;
	p0 =	seq.s32 s26, $0x1  }
0x398: {  	s1 =	simm.s32 @!p0 $0x0  }
0x399: {  	s0 =	sadd.s32 s3, s0;
	s3 =	simm.s32 $0x1;
	p0 =	seq.s32 s29, $0x1  }
0x39a: {  	s0 =	sadd.s32 s1, s0;
	s3 =	simm.s32 @!p0 $0x0  }
0x39b: {  	s30 =	sshll.u32 s19, $0x4;
	s26 =	sadd.s32 s3, s0  }
0x39c: {  	s31 =	rddreg [dreg:$0x11];
	s0 =	sadd.s32 s26, s30  }
0x39d: {  	s1 =	sshll.u32 s31, $0x8;
	s0 =	sadd.s32 $0xFFFFFFFF, s0  }
0x39e: {  	s0 =	sor.u32 s1, s0  }
0x39f: {  	s28 =	simm.s32 $0x10040;
	[dreg:$0x10] =	wrdreg s0  }
0x3a0: {  	v6 =	vld [tilespmem:s28+$0xFFFFFFC0]  }
0x3a1: {  	v7 =	vld [tilespmem:s28+$0x30]  }
0x3a2: {  	v10 =	vld [tilespmem:s28+$0xFFFFFFF0]  }
0x3a3: {  	v11 =	vld [tilespmem:s28+$0x20]  }
0x3a4: {  	v12 =	vld [tilespmem:s28+$0x0]  }
0x3a5: {  	v17 =	vld [tilespmem:s28+$0xFFFFFFE0];
	_ =	sdelay $0x1  }
0x3a6: {  	v4 =	vmov s0;
	v5 =	vld [tilespmem:s28+$0x10]  }
0x3a7: {  	v8 =	vshrl.u32 v6, $0x10;
	v6 =	vshrl.u32 v6, $0x4;
	v13 =	vshrl.u32 v7, $0x10  }
0x3a8: {  	v14 =	vshrl.u32 v7, $0x4;
	v16 =	vshrl.u32 v10, $0x4;
	v7 =	vshrl.u32 v12, $0x10  }
0x3a9: {  	v15 =	vshrl.u32 v11, $0x4;
	v18 =	vshrl.u32 v11, $0x10;
	v11 =	vshrl.u32 v17, $0x4  }
0x3aa: {  	vm1 =	veq.s32 v8, v4;
	v8 =	vshrl.u32 v10, $0x10;
	v6 =	vand.u32 $0xFF0, v6  }
0x3ab: {  	vm0 =	veq.s32 v13, v4;
	v10 =	vshrl.u32 v5, $0x4;
	v13 =	vld [tilespmem:s28+$0xFFFFFFD0];
	v9 =	vor.u32 v2, v6  }
0x3ac: {  	vm2 =	veq.s32 v18, v4;
	v6 =	vand.u32 $0xFF0, v14;
	v14 =	vand.u32 $0xFF0, v16  }
0x3ad: {  	s21 =	simm.s32 $0x0;
	s28 =	simm.s32 $0x100C0;
	v16 =	vshrl.u32 v12, $0x4;
	v12 =	vshrl.u32 v17, $0x10;
	v6 =	vor.u32 v2, v6  }
.LBB2_23:
0x3ae: {  	v17 =	vld [tilespmem:s28+$0xFFFFFFC0];
	s21 =	sadd.s32 $0x8, s21;
	v16 =	vand.u32 $0xFF0, v16;
	v15 =	vand.u32 $0xFF0, v15  }
0x3af: {  	vm6 =	veq.s32 v8, v4;
	v18 =	vld [tilespmem:s28+$0x20];
	p0 =	slt.u32 s21, $0x7F8;
	v16 =	vor.u32 v2, v16;
	v8 =	vor.u32 v2, v15  }
0x3b0: {  	v5 =	vshrl.u32 v5, $0x10;
	[tilespmem:v9+s25+$0x0] =	vst.idx.add.s32.msk vm1, v3;
	v9 =	vshrl.u32 v13, $0x4;
	v13 =	vshrl.u32 v13, $0x10  }
0x3b1: {  	v15 =	vld [tilespmem:s28+$0x30];
	vm5 =	veq.s32 v13, v4;
	v9 =	vand.u32 $0xFF0, v9;
	v13 =	vor.u32 v2, v14  }
0x3b2: {  	vm3 =	veq.s32 v5, v4;
	v14 =	vld [tilespmem:s28+$0xFFFFFFF0];
	v19 =	vor.u32 v2, v9;
	v9 =	vand.u32 $0xFF0, v10  }
0x3b3: {  	v5 =	vld [tilespmem:s28+$0x10];
	v20 =	vor.u32 v2, v9  }
0x3b4: {  	v21 =	vld [tilespmem:s28+$0x0]  }
0x3b5: {  	vm4 =	veq.s32 v12, v4;
	vm7 =	veq.s32 v7, v4;
	v9 =	vand.u32 $0xFF0, v11;
	[tilespmem:v8+s25+$0x0] =	vst.idx.add.s32.msk vm2, v3  }
0x3b6: {  	v7 =	vshrl.u32 v17, $0x4;
	v8 =	vshrl.u32 v17, $0x10;
	v17 =	vor.u32 v2, v9;
	[tilespmem:v6+s25+$0x0] =	vst.idx.add.s32.msk vm0, v3  }
0x3b7: {  	vm1 =	veq.s32 v8, v4;
	v6 =	vshrl.u32 v15, $0x10;
	v8 =	vshrl.u32 v14, $0x10;
	[tilespmem:v13+s25+$0x0] =	vst.idx.add.s32.msk vm6, v3  }
0x3b8: {  	v7 =	vand.u32 $0xFF0, v7;
	v10 =	vshrl.u32 v15, $0x4;
	v12 =	vld [tilespmem:s28+$0xFFFFFFE0]  }
.Ltmp13:
0x3b9: {  	v9 =	vor.u32 v2, v7;
	v11 =	vshrl.u32 v14, $0x4;
	v13 =	vld [tilespmem:s28+$0xFFFFFFD0];
	v7 =	vshrl.u32 v21, $0x10;
	(pc) =	sbr.rel @p0 .LBB2_23-.Ltmp13, $4  }
0x3ba: {  	v15 =	vshrl.u32 v18, $0x4;
	vm0 =	veq.s32 v6, v4;
	v6 =	vand.u32 $0xFF0, v10;
	[tilespmem:v19+s25+$0x0] =	vst.idx.add.s32.msk vm5, v3  }
0x3bb: {  	v18 =	vshrl.u32 v18, $0x10;
	v10 =	vshrl.u32 v5, $0x4;
	v6 =	vor.u32 v2, v6;
	[tilespmem:v16+s25+$0x0] =	vst.idx.add.s32.msk vm7, v3  }
0x3bc: {  	v14 =	vand.u32 $0xFF0, v11;
	v16 =	vshrl.u32 v21, $0x4;
	[tilespmem:v20+s25+$0x0] =	vst.idx.add.s32.msk vm3, v3  }
0x3bd: {  	vm2 =	veq.s32 v18, v4;
	s28 =	sadd.s32 $0x80, s28;
	v11 =	vshrl.u32 v12, $0x4;
	v12 =	vshrl.u32 v12, $0x10;
	[tilespmem:v17+s25+$0x0] =	vst.idx.add.s32.msk vm4, v3  }
0x3be: {  	_ = 	snop  }
0x3bf: {  	v15 =	vand.u32 $0xFF0, v15;
	v16 =	vand.u32 $0xFF0, v16;
	vm3 =	veq.s32 v8, v4  }
0x3c0: {  	v8 =	vshrl.u32 v13, $0x4;
	v59 =	vshrl.u32 v13, $0x10;
	v15 =	vor.u32 v2, v15  }
0x3c1: {  	v60 =	vor.u32 v2, v14;
	v5 =	vshrl.u32 v5, $0x10;
	vm5 =	veq.s32 v7, v4  }
0x3c2: {  	vm4 =	veq.s32 v59, v4;
	v8 =	vand.u32 $0xFF0, v8;
	v7 =	vor.u32 v2, v16  }
0x3c3: {  	[tilespmem:v9+s25+$0x0] =	vst.idx.add.s32.msk vm1, v3;
	vm15 =	veq.s32 v5, v4;
	v5 =	vand.u32 $0xFF0, v10;
	v8 =	vor.u32 v2, v8  }
0x3c4: {  	vm6 =	veq.s32 v12, v4;
	[tilespmem:v6+s25+$0x0] =	vst.idx.add.s32.msk vm0, v3;
	v4 =	vand.u32 $0xFF0, v11;
	v5 =	vor.u32 v2, v5  }
0x3c5: {  	v4 =	vor.u32 v2, v4;
	[tilespmem:v15+s25+$0x0] =	vst.idx.add.s32.msk vm2, v3  }
0x3c6: {  	[tilespmem:v60+s25+$0x0] =	vst.idx.add.s32.msk vm3, v3  }
0x3c7: {  	[tilespmem:v7+s25+$0x0] =	vst.idx.add.s32.msk vm5, v3  }
0x3c8: {  	[tilespmem:v8+s25+$0x0] =	vst.idx.add.s32.msk vm4, v3  }
0x3c9: {  	[tilespmem:v5+s25+$0x0] =	vst.idx.add.s32.msk vm15, v3  }
0x3ca: {  	s0 =	simm.s32 $0x18FF0;
	[tilespmem:v4+s25+$0x0] =	vst.idx.add.s32.msk vm6, v3  }
0x3cb: {  	v4 =	vld [tilespmem:s0+$0xFFFFFF10]  }
0x3cc: {  	v5 =	vld [tilespmem:s0+$0xFFFFFF20]  }
0x3cd: {  	v6 =	vld [tilespmem:s0+$0xFFFFFF30]  }
0x3ce: {  	v7 =	vld [tilespmem:s0+$0xFFFFFF40]  }
0x3cf: {  	v8 =	vld [tilespmem:s0+$0xFFFFFF50]  }
0x3d0: {  	v9 =	vld [tilespmem:s0+$0xFFFFFF60]  }
0x3d1: {  	v4 =	vadd.s32 v4, v5;
	v5 =	vld [tilespmem:s0+$0xFFFFFF70]  }
0x3d2: {  	v4 =	vadd.s32 v6, v4;
	v6 =	vld [tilespmem:s0+$0xFFFFFF80]  }
0x3d3: {  	v4 =	vadd.s32 v7, v4;
	v7 =	vld [tilespmem:s0+$0xFFFFFF90]  }
0x3d4: {  	v4 =	vadd.s32 v8, v4;
	v8 =	vld [tilespmem:s0+$0xFFFFFFA0]  }
0x3d5: {  	v4 =	vadd.s32 v9, v4;
	v9 =	vld [tilespmem:s0+$0xFFFFFFB0]  }
0x3d6: {  	v4 =	vadd.s32 v5, v4;
	v5 =	vld [tilespmem:s0+$0xFFFFFFC0]  }
0x3d7: {  	v4 =	vadd.s32 v6, v4;
	v6 =	vld [tilespmem:s0+$0xFFFFFFD0]  }
0x3d8: {  	v4 =	vadd.s32 v7, v4;
	v7 =	vld [tilespmem:s0+$0xFFFFFFE0]  }
0x3d9: {  	v4 =	vadd.s32 v8, v4;
	v8 =	vld [tilespmem:s0+$0xFFFFFFF0]  }
0x3da: {  	s28 =	simm.s32 $0x18EF0;
	v4 =	vadd.s32 v9, v4;
	v9 =	vld [tilespmem:s0+$0x0]  }
0x3db: {  	v10 =	vld [tilespmem:s28+$0xFFFFFF10];
	v4 =	vadd.s32 v5, v4  }
0x3dc: {  	v11 =	vld [tilespmem:s28+$0xFFFFFF80];
	v4 =	vadd.s32 v6, v4  }
0x3dd: {  	v5 =	vld [tilespmem:s28+$0xFFFFFF20];
	v4 =	vadd.s32 v7, v4  }
0x3de: {  	v6 =	vld [tilespmem:s28+$0xFFFFFF30];
	v4 =	vadd.s32 v8, v4  }
0x3df: {  	v7 =	vld [tilespmem:s28+$0xFFFFFF40];
	v4 =	vadd.s32 v9, v4  }
0x3e0: {  	v8 =	vld [tilespmem:s28+$0xFFFFFF50];
	(xrf0) =	vadd.scan.msk.s32 $0xffff, v4  }
0x3e1: {  	v9 =	vld [tilespmem:s28+$0xFFFFFF60]  }
0x3e2: {  	p0 =	sgt.u32 s26, $0x1;
	p1 =	slt.u32 s26, $0x4;
	v4 =	vld [tilespmem:s28+$0xFFFFFF70];
	v5 =	vadd.s32 v10, v5  }
0x3e3: {  	s29 =	simm.s32 $0x18DF0;
	s24 =	simm.s32 @p0 $0x0;
	p0 =	seq.s32 s26, $0x0;
	v61 =	vld [tilespmem:s28+$0xFFFFFF90];
	v5 =	vadd.s32 v6, v5  }
0x3e4: {  	s13 =	simm.s32 @!p1 $0x0;
	p1 =	slt.u32 s26, $0x6;
	s1 =	sadd.s32 s24, s22;
	v63 =	vld [tilespmem:s29+$0xFFFFFF10];
	v5 =	vadd.s32 v7, v5  }
0x3e5: {  	s23 =	simm.s32 @!p0 $0x0;
	p0 =	slt.u32 s26, $0x3;
	s11 =	simm.s32 @!p1 $0x0;
	v10 =	vld [tilespmem:s28+$0xFFFFFFA0];
	v5 =	vadd.s32 v8, v5  }
0x3e6: {  	s2 =	simm.s32 @!p0 $0x0;
	s1 =	sadd.s32 s23, s1;
	p0 =	slt.u32 s26, $0x5;
	v6 =	vld [tilespmem:s28+$0xFFFFFFB0];
	v5 =	vadd.s32 v9, v5;
	v62, _, _ =	vpop (xrf0)  }
0x3e7: {  	s1 =	sadd.s32 s2, s1;
	s12 =	simm.s32 @!p0 $0x0;
	p0 =	slt.u32 s26, $0x7;
	v7 =	vld [tilespmem:s28+$0xFFFFFFC0];
	v4 =	vadd.s32 v4, v5;
	(v2sf) =	vpush v62, $0xF  }
0x3e8: {  	s1 =	sadd.s32 s13, s1;
	s10 =	simm.s32 @!p0 $0x0;
	p0 =	slt.u32 s26, $0x8;
	v8 =	vld [tilespmem:s28+$0xFFFFFFD0];
	v4 =	vadd.s32 v11, v4  }
0x3e9: {  	s1 =	sadd.s32 s12, s1;
	s9 =	simm.s32 @!p0 $0x0;
	p0 =	slt.u32 s26, $0x9;
	v9 =	vld [tilespmem:s28+$0xFFFFFFE0];
	v4 =	vadd.s32 v61, v4  }
0x3ea: {  	s30 =	sadd.s32 s11, s1;
	s8 =	simm.s32 @!p0 $0x0;
	p0 =	slt.u32 s26, $0xA;
	v5 =	vld [tilespmem:s28+$0xFFFFFFF0];
	v4 =	vadd.s32 v10, v4  }
0x3eb: {  	s7 =	simm.s32 @!p0 $0x0;
	s1 =	rddreg [dreg:$0x1a];
	s0 =	sadd.s32 s10, s30;
	v11 =	vld [tilespmem:s28+$0x0];
	v4 =	vadd.s32 v6, v4  }
0x3ec: {  	p0 =	slt.u32 s26, $0xB;
	s2 =	rddreg [dreg:$0x18];
	s0 =	sadd.s32 s9, s0;
	v10 =	vld [tilespmem:s29+$0xFFFFFF20];
	v4 =	vadd.s32 v7, v4  }
0x3ed: {  	s6 =	simm.s32 @!p0 $0x0;
	p0 =	slt.u32 s26, $0xC;
	s0 =	sadd.s32 s8, s0;
	v6 =	vld [tilespmem:s29+$0xFFFFFF30];
	v4 =	vadd.s32 v8, v4  }
0x3ee: {  	s1 =	simm.s32 @!p0 $0x0;
	p0 =	slt.u32 s26, $0xD;
	s0 =	sadd.s32 s7, s0;
	v7 =	vld [tilespmem:s29+$0xFFFFFF40];
	v4 =	vadd.s32 v9, v4  }
0x3ef: {  	s2 =	simm.s32 @!p0 $0x0;
	s0 =	sadd.s32 s6, s0;
	v8 =	vld [tilespmem:s29+$0xFFFFFF50];
	v4 =	vadd.s32 v5, v4  }
0x3f0: {  	p0 =	slt.u32 s26, $0xE;
	s0 =	sadd.s32 s1, s0;
	s1 =	rddreg [dreg:$0x16];
	v9 =	vld [tilespmem:s29+$0xFFFFFF60];
	v4 =	vadd.s32 v11, v4  }
0x3f1: {  	s1 =	simm.s32 @!p0 $0x0;
	v5 =	vadd.s32 v63, v10;
	v10 =	vld [tilespmem:s29+$0xFFFFFF70];
	(xrf0) =	vadd.scan.msk.s32 $0xffff, v4  }
0x3f2: {  	p0 =	slt.u32 s26, $0xF;
	s0 =	sadd.s32 s2, s0;
	s2 =	rddreg [dreg:$0x14];
	v5 =	vadd.s32 v6, v5;
	v6 =	vld [tilespmem:s29+$0xFFFFFF80]  }
0x3f3: {  	s2 =	simm.s32 @!p0 $0x0;
	v4 =	vadd.s32 v7, v5;
	v7 =	vld [tilespmem:s29+$0xFFFFFF90]  }
0x3f4: {  	p0 =	slt.u32 s26, $0x10;
	s0 =	sadd.s32 s1, s0;
	s1 =	rddreg [dreg:$0x12];
	v4 =	vadd.s32 v8, v4;
	v8 =	vld [tilespmem:s29+$0xFFFFFFA0]  }
0x3f5: {  	s3 =	simm.s32 $0xFFFFFFFF;
	s1 =	simm.s32 @!p0 $0x0;
	s0 =	sadd.s32 s2, s0;
	v4 =	vadd.s32 v9, v4;
	v9 =	vld [tilespmem:s29+$0xFFFFFFB0]  }
0x3f6: {  	p6 =	por $0x1, $0x1;
	s0 =	sadd.s32 s1, s0;
	v5 =	vadd.s32 v10, v4;
	v4 =	vld [tilespmem:s29+$0xFFFFFFC0];
	s31 =	spop (v2sf)  }
0x3f7: {  	s5 =	simm.s32 $0x0;
	s1 =	ssub.s32 s20, s0;
	v6 =	vadd.s32 v6, v5;
	v5 =	vld [tilespmem:s29+$0xFFFFFFD0];
	v10, _, _ =	vpop (xrf0);
	s4 =	sadd.s32 $0x0, s31  }
0x3f8: {  	s10 =	simm.s32 $0x18CF0;
	s9 =	simm.s32 $0xC;
	v7 =	vadd.s32 v7, v6;
	v6 =	vld [tilespmem:s29+$0xFFFFFFE0];
	(v2sf) =	vpush v10, $0xF;
	p5 =	sge.s32 s4, s1  }
0x3f9: {  	s8 =	simm.s32 $0xF;
	s7 =	simm.s32 $0xE;
	v8 =	vadd.s32 v8, v7;
	v7 =	vld [tilespmem:s29+$0xFFFFFFF0];
	p0 =	por !p6, !p5  }
0x3fa: {  	s6 =	simm.s32 $0xD;
	s2 =	simm.s32 $0x0;
	v9 =	vadd.s32 v9, v8;
	v8 =	vld [tilespmem:s29+$0x0];
	p0 =	por !p0, !p0  }
.LBB2_25:
0x3fb: {  	p1 =	sne.s32 s9, $0x0;
	s3 =	smov.u32 @p0 s8;
	s2 =	smov.u32 @p0 s5  }
0x3fc: {  	v10 =	vld [tilespmem:s10+$0xFFFFFF10];
	v4 =	vadd.s32 v4, v9;
	s8 =	smov.u32 s7;
	s7 =	smov.u32 s6;
	s6 =	smov.u32 s9  }
0x3fd: {  	s9 =	sadd.s32 $0xFFFFFFFF, s9;
	s5 =	smov.u32 s4;
	v9 =	vld [tilespmem:s10+$0xFFFFFF20];
	v4 =	vadd.s32 v5, v4  }
0x3fe: {  	v5 =	vld [tilespmem:s10+$0xFFFFFF30];
	v4 =	vadd.s32 v6, v4  }
0x3ff: {  	v6 =	vld [tilespmem:s10+$0xFFFFFF40];
	v4 =	vadd.s32 v7, v4  }
0x400: {  	v7 =	vld [tilespmem:s10+$0xFFFFFF50];
	v4 =	vadd.s32 v8, v4  }
0x401: {  	v8 =	vld [tilespmem:s10+$0xFFFFFF60];
	(xrf0) =	vadd.scan.msk.s32 $0xffff, v4  }
0x402: {  	v4 =	vadd.s32 v10, v9;
	v9 =	vld [tilespmem:s10+$0xFFFFFF70]  }
0x403: {  	v4 =	vadd.s32 v5, v4;
	v5 =	vld [tilespmem:s10+$0xFFFFFF80]  }
0x404: {  	v4 =	vadd.s32 v6, v4;
	v6 =	vld [tilespmem:s10+$0xFFFFFF90]  }
0x405: {  	v4 =	vadd.s32 v7, v4;
	v7 =	vld [tilespmem:s10+$0xFFFFFFA0]  }
0x406: {  	v4 =	vadd.s32 v8, v4;
	v8 =	vld [tilespmem:s10+$0xFFFFFFB0]  }
.Ltmp14:
0x407: {  	v9 =	vadd.s32 v9, v4;
	v4 =	vld [tilespmem:s10+$0xFFFFFFC0];
	v10, _, _ =	vpop (xrf0);
	s0 =	spop (v2sf);
	(pc) =	sbr.rel @p1 .LBB2_25-.Ltmp14, $4  }
0x408: {  	v9 =	vadd.s32 v5, v9;
	v5 =	vld [tilespmem:s10+$0xFFFFFFD0];
	(v2sf) =	vpush v10, $0xF;
	s4 =	sadd.s32 s4, s0  }
0x409: {  	p2 =	slt.s32 s3, $0x0;
	v9 =	vadd.s32 v6, v9;
	v6 =	vld [tilespmem:s10+$0xFFFFFFE0];
	p0 =	sge.s32 s4, s1  }
0x40a: {  	v9 =	vadd.s32 v7, v9;
	v7 =	vld [tilespmem:s10+$0xFFFFFFF0];
	p0 =	por !p2, !p0  }
0x40b: {  	v9 =	vadd.s32 v8, v9;
	v8 =	vld [tilespmem:s10+$0x0];
	s10 =	sadd.s32 $0xFFFFFF00, s10;
	p0 =	por !p0, !p0  }
.Ltmp15:
0x40c: {  	_ = 	snop;
	(pc) =	sbr.rel .LBB2_26-.Ltmp15, $1  }
0x40d: {  	_ =	sdelay $0x3  }
.LBB2_28:
0x40e: {  	_ =	sfence.sel $0x180000  }
0x40f: {  	[bflag:$0x0] =	sbarrier.arrive $0xFFFF  }
0x410: {  	_ =	strace $0x90000047  }
0x411: {  	s0 =	stileid.u32;
	[bflag:$0x2] =	sbarrier.arrive $0xFFFF  }
0x412: {  	p0 =	sne.s32 s0, $0x0;
	s0 =	rddreg [dreg:$0x3]  }
0x413: {  	s0 =	sadd.s32 @!p0 $0x100000, s0  }
0x414: {  	[sflag:s0] =	ssyncadd.tile.s32 @!p0 $0x1;
	_ =	shalt  }
.Lfunc_end2:
_tile_overlayer_lowered:
.L_overlay_start_2:
0x415: {  	(tag) =	ssettag $0x2  }
0x416: {  	s0 =	rddreg [dreg:$0x0];
	s2 =	stileid.u32  }
0x417: {  	s1 =	rddreg [dreg:$0x1];
	p0 =	sne.s32 s2, $0x0  }
0x418: {  	s3 =	rddreg [dreg:$0x2];
	[bflag:$0x3] =	sbarrier.arrive $0xFFFF;
	s2 =	simm.s32 @!p0 $0x1C09  }
0x419: {  	[timem:s3], [sflag:s2] =	dma.local @!p0 [hbm:s0], s1  }
0x41a: {  	s0 =	simm.s32 @!p0 $0x9  }
0x41b: {  	_ =	swait.ge @!p0 [sflag:s0], s1  }
0x41c: {  	s1 =	ssub.s32 @!p0 $0x0, s1;
	[sflag:s0] =	ssyncset.done @!p0 $0x0  }
0x41d: {  	[sflag:s0] =	ssyncadd.s32 @!p0 s1  }
0x41e: {  	[bflag:$0x3] =	sbarrier.arrive $0xFFFF  }
0x41f: {  	_ =	shalt  }

</sc_bundles>
